<compile_context>
chip_gen: v7x
topology: tpu7x:2x2x1
jax: 0.10.2.dev20260603
libtpu: 0.0.44.dev20260713+nightly
codegen_flags: <defaults>
</compile_context>

<pallas_src>
import functools

import numpy as np
import jax
import jax.numpy as jnp
from jax import lax
from jax.experimental import pallas as pl
from jax.experimental.pallas import tpu as pltpu
from jax.experimental.pallas import tpu_sc as plsc

NUM_LEVELS = 16
MAX_ENTRIES = 2 ** 14
_ln512 = np.log(np.float32(512.0))
_ln16 = np.log(np.float32(16.0))
_GROW = float(np.exp((_ln512 - _ln16) / np.float32(15.0)))
NS = [int(16 * _GROW ** i) for i in range(NUM_LEVELS)]
_P1 = np.int64(2654435761).astype(np.int32)
_P2 = np.int64(805459861).astype(np.int32)

_CONSTS = np.zeros((5, NUM_LEVELS), dtype=np.int32)
for _l, _n in enumerate(NS):
    _dense = (_n + 1) ** 3 <= MAX_ENTRIES
    _CONSTS[0, _l] = _n
    _CONSTS[1, _l] = (_n + 1) ** 2 if _dense else 1
    _CONSTS[2, _l] = (_n + 1) if _dense else _P1
    _CONSTS[3, _l] = 1 if _dense else _P2
    _CONSTS[4, _l] = 1 if _dense else 0

B_TOTAL = 262144
B_HALF = B_TOTAL // 2
CHUNK = 4096
N_CHUNKS = B_HALF // CHUNK
GROUPS = CHUNK // 16


def _encode_sc(xT, tabs, consts):
    mesh = plsc.VectorSubcoreMesh(core_axis_name="c", subcore_axis_name="s")

    @functools.partial(
        pl.kernel,
        mesh=mesh,
        compiler_params=pltpu.CompilerParams(needs_layout_passes=False),
        out_type=jax.ShapeDtypeStruct((2 * NUM_LEVELS, B_TOTAL), jnp.float32),
        scratch_types=[
            pltpu.VMEM((2 * MAX_ENTRIES,), jnp.float32),
            pltpu.VMEM((2, 3, CHUNK), jnp.float32),
            pltpu.VMEM((2, 2, CHUNK), jnp.float32),
            pltpu.VMEM((5 * NUM_LEVELS,), jnp.int32),
            pltpu.SemaphoreType.DMA,
            pltpu.SemaphoreType.DMA,
            pltpu.SemaphoreType.DMA,
            pltpu.SemaphoreType.DMA,
        ],
    )
    def enc_kernel(xT_hbm, tabs_hbm, consts_hbm, out_hbm,
                   table_v, coords_v, feat_v, consts_v,
                   sem_in0, sem_in1, sem_out0, sem_out1):
        level = lax.axis_index("s").astype(jnp.int32)
        half = lax.axis_index("c").astype(jnp.int32)

        pltpu.sync_copy(consts_hbm, consts_v)
        pltpu.sync_copy(tabs_hbm.at[level], table_v)

        lane_l = jnp.zeros((16,), jnp.int32) + level

        def splat(row):
            ridx = jnp.full((16,), row * NUM_LEVELS, dtype=jnp.int32)
            return plsc.load_gather(consts_v, [ridx + lane_l])

        nl_f = splat(0).astype(jnp.float32)
        c0 = splat(1)
        c1 = splat(2)
        c2 = splat(3)
        dense = splat(4) == 1

        i32 = jnp.int32
        base_half = half * i32(B_HALF)
        sem_in = (sem_in0, sem_in1)
        sem_out = (sem_out0, sem_out1)

        def in_copy(ci, b):
            base = base_half + ci * i32(CHUNK)
            return pltpu.make_async_copy(
                xT_hbm.at[pl.ds(0, 3), pl.ds(base, CHUNK)],
                coords_v.at[i32(b)], sem_in[b])

        def out_copy(ci, b):
            base = base_half + ci * i32(CHUNK)
            return pltpu.make_async_copy(
                feat_v.at[i32(b)],
                out_hbm.at[pl.ds(2 * level, 2), pl.ds(base, CHUNK)],
                sem_out[b])

        in_copy(i32(0), 0).start()

        def chunk_pair_body(pi, carry):
            for b in (0, 1):
                ci = pi * i32(2) + i32(b)
                in_copy(ci, b).wait()

                @pl.when(ci + i32(1) < i32(N_CHUNKS))
                def _():
                    in_copy(ci + i32(1), 1 - b).start()

                @pl.when(ci >= i32(2))
                def _():
                    out_copy(ci - i32(2), b).wait()

                compute_chunk(b)
                out_copy(ci, b).start()
            return carry

        def compute_chunk(b):
            def group_body(g):
                o = g * i32(16)
                dims = []
                for d in range(3):
                    xg = coords_v[b, d, pl.ds(o, 16)]
                    sc = xg * 0.1 + 0.5
                    sc = jnp.minimum(jnp.maximum(sc, 0.0), 1.0 - 1e-6)
                    xl = sc * nl_f
                    fi = xl.astype(jnp.int32)
                    w = xl - fi.astype(jnp.float32)
                    dims.append((fi, w))
                (fi0, w0), (fi1, w1), (fi2, w2) = dims
                a0 = (fi0 * c0, fi0 * c0 + c0)
                a1 = (fi1 * c1, fi1 * c1 + c1)
                a2 = (fi2 * c2, fi2 * c2 + c2)
                wx = (1.0 - w0, w0)
                wy = (1.0 - w1, w1)
                wz = (1.0 - w2, w2)
                wxy = {(i, j): wx[i] * wy[j] for i in (0, 1) for j in (0, 1)}
                acc0 = jnp.zeros((16,), jnp.float32)
                acc1 = jnp.zeros((16,), jnp.float32)
                for v in range(8):
                    b0, b1, b2 = (v >> 2) & 1, (v >> 1) & 1, v & 1
                    hidx = (a0[b0] ^ a1[b1] ^ a2[b2]) & (MAX_ENTRIES - 1)
                    didx = a0[b0] + a1[b1] + a2[b2]
                    idx = jnp.where(dense, didx, hidx)
                    f0 = idx * 2
                    g0 = plsc.load_gather(table_v, [f0])
                    g1 = plsc.load_gather(table_v, [f0 + 1])
                    vw = wxy[(b0, b1)] * wz[b2]
                    acc0 = acc0 + g0 * vw
                    acc1 = acc1 + g1 * vw
                feat_v[b, 0, pl.ds(o, 16)] = acc0
                feat_v[b, 1, pl.ds(o, 16)] = acc1

            def wrapped(g, carry2):
                group_body(g)
                return carry2
            lax.fori_loop(i32(0), i32(GROUPS), wrapped, i32(0))

        lax.fori_loop(i32(0), i32(N_CHUNKS // 2), chunk_pair_body, i32(0))
        out_copy(i32(N_CHUNKS - 2), 0).wait()
        out_copy(i32(N_CHUNKS - 1), 1).wait()

    return enc_kernel(xT, tabs, consts)


_BB = 8192


def _mlp_body(enc_ref, xv_ref, wd0, bd0, wd1, bd1, wc0v, wc0h, bc0,
              wc1, bc1, wc2, bc2, out_ref):
    enc = enc_ref[...]
    mm = functools.partial(jnp.dot, preferred_element_type=jnp.float32)
    h = jnp.maximum(mm(wd0[...], enc) + bd0[...], 0.0)
    h = mm(wd1[...], h) + bd1[...]
    row = lax.broadcasted_iota(jnp.int32, (16, _BB), 0)
    hh = jnp.where(row == 0, jax.nn.sigmoid(h), jnp.maximum(h, 0.0))
    hc = mm(wc0h[...], hh) + mm(wc0v[...], xv_ref[...]) + bc0[...]
    hc = jnp.maximum(hc, 0.0)
    hc = jnp.maximum(mm(wc1[...], hc) + bc1[...], 0.0)
    hc = mm(wc2[...], hc) + bc2[...]
    out_ref[...] = jnp.concatenate(
        [hh[0:1, :], jax.nn.sigmoid(hc)], axis=0)


def _mlp_tc(enc, xvT, wd0T, bd0, wd1T, bd1, wc0vT, wc0hT, bc0,
            wc1T, bc1, wc2T, bc2):
    grid = B_TOTAL // _BB
    z = np.int32(0)
    full = lambda shape: pl.BlockSpec(shape, lambda i: (z, z))
    batch = lambda rows: pl.BlockSpec((rows, _BB), lambda i: (z, i))
    return pl.pallas_call(
        _mlp_body,
        grid=(grid,),
        in_specs=[
            batch(32),
            batch(3),
            full((64, 32)), full((64, 1)),
            full((16, 64)), full((16, 1)),
            full((64, 3)), full((64, 16)), full((64, 1)),
            full((64, 64)), full((64, 1)),
            full((3, 64)), full((3, 1)),
        ],
        out_specs=batch(4),
        out_shape=jax.ShapeDtypeStruct((4, B_TOTAL), jnp.float32),
    )(enc, xvT, wd0T, bd0, wd1T, bd1, wc0vT, wc0hT, bc0,
      wc1T, bc1, wc2T, bc2)


def kernel(x, tables, w_d0, b_d0, w_d1, b_d1, w_c0, b_c0, w_c1, b_c1,
           w_c2, b_c2):
    x = x.astype(jnp.float32)
    xT = x.T
    tabs = tables.astype(jnp.float32).reshape(NUM_LEVELS, 2 * MAX_ENTRIES)
    consts = jnp.asarray(_CONSTS.reshape(-1))

    enc = _encode_sc(xT[0:3], tabs, consts)

    outT = _mlp_tc(
        enc, xT[3:6],
        w_d0.T, b_d0.reshape(64, 1),
        w_d1.T, b_d1.reshape(16, 1),
        w_c0[16:19].T, w_c0[0:16].T, b_c0.reshape(64, 1),
        w_c1.T, b_c1.reshape(64, 1),
        w_c2.T, b_c2.reshape(3, 1),
    )
    return outT.T

# --- scband reference (transcript-rebuilt; emitter-appended) ---
"""Pipeline reference for scband-mildenhall-ne-rf-59150289600925 (READ-ONLY COPY).

The authoritative reference and input builder live on the scoring server;
editing this copy changes nothing except your own understanding.
"""

import math
import jax, jax.numpy as jnp
import numpy as np
jax.config.update("jax_enable_x64", True)

NUM_LEVELS = 16
MAX_ENTRIES = 2 ** 14
_ln512 = np.log(np.float32(512.0))
_ln16 = np.log(np.float32(16.0))
_B = float(np.exp((_ln512 - _ln16) / np.float32(15.0)))
NS = [int(16 * _B ** i) for i in range(NUM_LEVELS)]
PRIMES = np.array([1, 2654435761, 805459861], dtype=np.int64)
VOFF = np.array([[(i >> 2) & 1, (i >> 1) & 1, i & 1] for i in range(8)], dtype=np.int64)


def _encode(x3, tables):
    primes = jnp.asarray(PRIMES)
    voff = jnp.asarray(VOFF)
    scaled = (x3 + 5.0) / 10.0
    clamped = jnp.clip(scaled, 0.0, 1.0 - 1e-06)
    outs = []
    for l in range(NUM_LEVELS):
        n_l = NS[l]
        x_l = clamped * n_l
        x_l_floor = jnp.floor(x_l).astype(jnp.int64)
        vertices = x_l_floor[:, None, :] + voff[None, :, :]
        if (n_l + 1) ** 3 <= MAX_ENTRIES:
            idx = vertices[:, :, 0] * (n_l + 1) ** 2 + vertices[:, :, 1] * (n_l + 1) + vertices[:, :, 2]
        else:
            primed = vertices * primes[None, None, :]
            xorv = primed[:, :, 0] ^ primed[:, :, 1] ^ primed[:, :, 2]
            idx = jnp.remainder(xorv, MAX_ENTRIES)
        w_l = x_l - x_l_floor.astype(x_l.dtype)
        voff_f = voff.astype(x_l.dtype)
        vw3 = voff_f[None, :, :] * w_l[:, None, :] + (1.0 - voff_f[None, :, :]) * (1.0 - w_l[:, None, :])
        vw = jnp.prod(vw3, axis=2)
        feats = tables[l][idx]
        outs.append(jnp.sum(feats * vw[:, :, None], axis=1))
    return jnp.concatenate(outs, axis=1)


def setup_inputs(seed: int = 0):
    key = jax.random.key(seed)
    ks = jax.random.split(key, 12)
    B = 262144
    x = jax.random.uniform(ks[0], (B, 6), dtype=jnp.float32)
    tables = jax.random.uniform(ks[1], (NUM_LEVELS, MAX_ENTRIES, 2), dtype=jnp.float32, minval=-0.0001, maxval=0.0001)
    w_d0 = 0.05 * jax.random.normal(ks[2], (32, 64), dtype=jnp.float32)
    b_d0 = jnp.zeros((64,), dtype=jnp.float32)
    w_d1 = 0.05 * jax.random.normal(ks[3], (64, 16), dtype=jnp.float32)
    b_d1 = jnp.zeros((16,), dtype=jnp.float32)
    w_c0 = 0.05 * jax.random.normal(ks[4], (19, 64), dtype=jnp.float32)
    b_c0 = jnp.zeros((64,), dtype=jnp.float32)
    w_c1 = 0.05 * jax.random.normal(ks[5], (64, 64), dtype=jnp.float32)
    b_c1 = jnp.zeros((64,), dtype=jnp.float32)
    w_c2 = 0.05 * jax.random.normal(ks[6], (64, 3), dtype=jnp.float32)
    b_c2 = jnp.zeros((3,), dtype=jnp.float32)
    return {"x": x, "tables": tables, "w_d0": w_d0, "b_d0": b_d0, "w_d1": w_d1, "b_d1": b_d1, "w_c0": w_c0, "b_c0": b_c0, "w_c1": w_c1, "b_c1": b_c1, "w_c2": w_c2, "b_c2": b_c2}


def reference(x, tables, w_d0, b_d0, w_d1, b_d1, w_c0, b_c0, w_c1, b_c1, w_c2, b_c2):
    pts = _encode(x[:, :3], tables)
    view = x[:, 3:]
    h = jax.nn.relu(pts @ w_d0 + b_d0)
    h = h @ w_d1 + b_d1
    density = jax.nn.sigmoid(h[:, 0])[:, None]
    h_rest = jax.nn.relu(h[:, 1:])
    hc = jnp.concatenate([density, h_rest, view], axis=-1)
    hc = jax.nn.relu(hc @ w_c0 + b_c0)
    hc = jax.nn.relu(hc @ w_c1 + b_c1)
    hc = hc @ w_c2 + b_c2
    color = jax.nn.sigmoid(hc)
    return jnp.concatenate([density, color], axis=-1)

if __name__ == "__main__":
    import jax
    _d = setup_inputs()
    print(jax.jit(kernel)(*tuple(_d.values())))

</pallas_src>

<mosaic_0001>
#map = affine_map<(d0, d1) -> (0, 0)>
#map1 = affine_map<(d0, d1) -> (0)>
module attributes {stable_mosaic.version = 14 : i64} {
  func.func @enc_kernel(%arg0: i32, %arg1: i32, %arg2: memref<3x262144xf32, #tpu.memory_space<hbm>>, %arg3: memref<16x32768xf32, #tpu.memory_space<hbm>>, %arg4: memref<80xi32, #tpu.memory_space<hbm>>, %arg5: memref<32x262144xf32, #tpu.memory_space<hbm>>, %arg6: memref<32768xf32, #tpu.memory_space<vmem>>, %arg7: memref<2x3x4096xf32, #tpu.memory_space<vmem>>, %arg8: memref<2x2x4096xf32, #tpu.memory_space<vmem>>, %arg9: memref<80xi32, #tpu.memory_space<vmem>>, %arg10: memref<!tpu.dma_semaphore, #tpu.memory_space<semaphore_mem>>, %arg11: memref<!tpu.dma_semaphore, #tpu.memory_space<semaphore_mem>>, %arg12: memref<!tpu.dma_semaphore, #tpu.memory_space<semaphore_mem>>, %arg13: memref<!tpu.dma_semaphore, #tpu.memory_space<semaphore_mem>>) attributes {dimension_semantics = [#tpu.dimension_semantics<core_parallel>, #tpu.dimension_semantics<subcore_parallel>], iteration_bounds = array<i64: 2, 16>, scalar_prefetch = 0 : i64, scratch_operands = 8 : i64, tpu.core_type = #tpu.core_type<sc_vector_subcore>, window_params = [{transform_indices = #map}, {transform_indices = #map}, {transform_indices = #map1}, {transform_indices = #map}]} {
    "tpu.region"() ({
      %run_scoped3A = tpu.sem_alloc : memref<!tpu.dma_semaphore, #tpu.memory_space<semaphore_mem>>
      tpu.enqueue_dma source(%arg4 : memref<80xi32, #tpu.memory_space<hbm>>) target(%arg9 : memref<80xi32, #tpu.memory_space<vmem>>) target_semaphore(%run_scoped3A : memref<!tpu.dma_semaphore, #tpu.memory_space<semaphore_mem>>)
      tpu.wait_dma2 semaphore(%run_scoped3A : memref<!tpu.dma_semaphore, #tpu.memory_space<semaphore_mem>>) src(%arg4 : memref<80xi32, #tpu.memory_space<hbm>>) dst(%arg9 : memref<80xi32, #tpu.memory_space<vmem>>)
      tpu.yield
    }) : () -> ()
    "tpu.region"() ({
      %run_scoped3A = tpu.sem_alloc : memref<!tpu.dma_semaphore, #tpu.memory_space<semaphore_mem>>
      %dma_start3A_83 = arith.constant 0 : i32
      %dma_start3A_84 = tpu.memref_slice %arg3[%arg1, %dma_start3A_83] : memref<16x32768xf32, #tpu.memory_space<hbm>> -> memref<1x32768xf32, #tpu.memory_space<hbm>>
      %dma_start3A_85 = tpu.memref_squeeze %dma_start3A_84 : memref<1x32768xf32, #tpu.memory_space<hbm>> -> memref<32768xf32, #tpu.memory_space<hbm>>
      %dma_start3A_86 = arith.constant 0 : i32
      %dma_start3A_87 = tpu.memref_slice %arg3[%arg1, %dma_start3A_86] : memref<16x32768xf32, #tpu.memory_space<hbm>> -> memref<1x32768xf32, #tpu.memory_space<hbm>>
      %dma_start3A_88 = tpu.memref_squeeze %dma_start3A_87 : memref<1x32768xf32, #tpu.memory_space<hbm>> -> memref<32768xf32, #tpu.memory_space<hbm>>
      tpu.enqueue_dma source(%dma_start3A_88 : memref<32768xf32, #tpu.memory_space<hbm>>) target(%arg6 : memref<32768xf32, #tpu.memory_space<vmem>>) target_semaphore(%run_scoped3A : memref<!tpu.dma_semaphore, #tpu.memory_space<semaphore_mem>>)
      %dma_wait3A_89 = arith.constant 0 : i32
      %dma_wait3A_90 = tpu.memref_slice %arg3[%arg1, %dma_wait3A_89] : memref<16x32768xf32, #tpu.memory_space<hbm>> -> memref<1x32768xf32, #tpu.memory_space<hbm>>
      %dma_wait3A_91 = tpu.memref_squeeze %dma_wait3A_90 : memref<1x32768xf32, #tpu.memory_space<hbm>> -> memref<32768xf32, #tpu.memory_space<hbm>>
      %dma_wait3A_92 = arith.constant 0 : i32
      %dma_wait3A_93 = tpu.memref_slice %arg3[%arg1, %dma_wait3A_92] : memref<16x32768xf32, #tpu.memory_space<hbm>> -> memref<1x32768xf32, #tpu.memory_space<hbm>>
      %dma_wait3A_94 = tpu.memref_squeeze %dma_wait3A_93 : memref<1x32768xf32, #tpu.memory_space<hbm>> -> memref<32768xf32, #tpu.memory_space<hbm>>
      tpu.wait_dma2 semaphore(%run_scoped3A : memref<!tpu.dma_semaphore, #tpu.memory_space<semaphore_mem>>) src(%dma_wait3A_94 : memref<32768xf32, #tpu.memory_space<hbm>>) dst(%arg6 : memref<32768xf32, #tpu.memory_space<vmem>>)
      tpu.yield
    }) : () -> ()
    %broadcast_in_dim3A = arith.constant 0 : i32
    %broadcast_in_dim3A_0 = vector.broadcast %broadcast_in_dim3A : i32 to vector<16xi32>
    %add3A = vector.broadcast %arg1 : i32 to vector<16xi32>
    %add3A_1 = arith.addi %broadcast_in_dim3A_0, %add3A : vector<16xi32>
    %broadcast_in_dim3A_2 = arith.constant 0 : i32
    %broadcast_in_dim3A_3 = vector.broadcast %broadcast_in_dim3A_2 : i32 to vector<16xi32>
    %add3A_4 = arith.addi %broadcast_in_dim3A_3, %add3A_1 : vector<16xi32>
    %gather3A = tpu.vector_load_idx %arg9[%add3A_4] : memref<80xi32, #tpu.memory_space<vmem>>[vector<16xi32>], vector<16xi32>,
    %convert_element_type3A = arith.sitofp %gather3A : vector<16xi32> to vector<16xf32>
    %broadcast_in_dim3A_5 = arith.constant 16 : i32
    %broadcast_in_dim3A_6 = vector.broadcast %broadcast_in_dim3A_5 : i32 to vector<16xi32>
    %add3A_7 = arith.addi %broadcast_in_dim3A_6, %add3A_1 : vector<16xi32>
    %gather3A_8 = tpu.vector_load_idx %arg9[%add3A_7] : memref<80xi32, #tpu.memory_space<vmem>>[vector<16xi32>], vector<16xi32>,
    %broadcast_in_dim3A_9 = arith.constant 32 : i32
    %broadcast_in_dim3A_10 = vector.broadcast %broadcast_in_dim3A_9 : i32 to vector<16xi32>
    %add3A_11 = arith.addi %broadcast_in_dim3A_10, %add3A_1 : vector<16xi32>
    %gather3A_12 = tpu.vector_load_idx %arg9[%add3A_11] : memref<80xi32, #tpu.memory_space<vmem>>[vector<16xi32>], vector<16xi32>,
    %broadcast_in_dim3A_13 = arith.constant 48 : i32
    %broadcast_in_dim3A_14 = vector.broadcast %broadcast_in_dim3A_13 : i32 to vector<16xi32>
    %add3A_15 = arith.addi %broadcast_in_dim3A_14, %add3A_1 : vector<16xi32>
    %gather3A_16 = tpu.vector_load_idx %arg9[%add3A_15] : memref<80xi32, #tpu.memory_space<vmem>>[vector<16xi32>], vector<16xi32>,
    %broadcast_in_dim3A_17 = arith.constant 64 : i32
    %broadcast_in_dim3A_18 = vector.broadcast %broadcast_in_dim3A_17 : i32 to vector<16xi32>
    %add3A_19 = arith.addi %broadcast_in_dim3A_18, %add3A_1 : vector<16xi32>
    %gather3A_20 = tpu.vector_load_idx %arg9[%add3A_19] : memref<80xi32, #tpu.memory_space<vmem>>[vector<16xi32>], vector<16xi32>,
    %eq3A = arith.constant 1 : i32
    %eq3A_21 = vector.broadcast %eq3A : i32 to vector<16xi32>
    %eq3A_22 = arith.cmpi eq, %gather3A_20, %eq3A_21 : vector<16xi32>
    %mul3A = arith.constant 131072 : i32
    %mul3A_23 = arith.muli %arg0, %mul3A : i32
    %mul3A_24 = arith.constant 0 : i32
    %mul3A_25 = arith.constant 4096 : i32
    %mul3A_26 = arith.muli %mul3A_24, %mul3A_25 : i32
    %add3A_27 = arith.addi %mul3A_23, %mul3A_26 : i32
    %dma_start3A = arith.constant 0 : i32
    %dma_start3A_28 = arith.constant 0 : i32
    %dma_start3A_29 = arith.constant 0 : i32
    %dma_start3A_30 = tpu.memref_slice %arg7[%dma_start3A, %dma_start3A_28, %dma_start3A_29] : memref<2x3x4096xf32, #tpu.memory_space<vmem>> -> memref<1x3x4096xf32, #tpu.memory_space<vmem>>
    %dma_start3A_31 = tpu.memref_squeeze %dma_start3A_30 : memref<1x3x4096xf32, #tpu.memory_space<vmem>> -> memref<3x4096xf32, #tpu.memory_space<vmem>>
    %dma_start3A_32 = arith.constant 0 : i32
    %dma_start3A_33 = tpu.memref_slice %arg2[%dma_start3A_32, %add3A_27] : memref<3x262144xf32, #tpu.memory_space<hbm>> -> memref<3x4096xf32, #tpu.memory_space<hbm>>
    %dma_start3A_34 = arith.constant 0 : i32
    %dma_start3A_35 = arith.constant 0 : i32
    %dma_start3A_36 = tpu.memref_slice %arg7[%dma_start3A, %dma_start3A_34, %dma_start3A_35] : memref<2x3x4096xf32, #tpu.memory_space<vmem>> -> memref<1x3x4096xf32, #tpu.memory_space<vmem>>
    %dma_start3A_37 = tpu.memref_squeeze %dma_start3A_36 : memref<1x3x4096xf32, #tpu.memory_space<vmem>> -> memref<3x4096xf32, #tpu.memory_space<vmem>>
    %dma_start3A_38 = arith.constant 0 : i32
    %dma_start3A_39 = tpu.memref_slice %arg2[%dma_start3A_38, %add3A_27] : memref<3x262144xf32, #tpu.memory_space<hbm>> -> memref<3x4096xf32, #tpu.memory_space<hbm>>
    tpu.enqueue_dma source(%dma_start3A_39 : memref<3x4096xf32, #tpu.memory_space<hbm>>) target(%dma_start3A_37 : memref<3x4096xf32, #tpu.memory_space<vmem>>) target_semaphore(%arg10 : memref<!tpu.dma_semaphore, #tpu.memory_space<semaphore_mem>>)
    %while3A = arith.constant 0 : i32
    %while3A_40 = arith.constant 0 : i32
    %while3A_41 = arith.constant 16 : i32
    %while3A_42 = arith.subi %while3A_41, %while3A_40 : i32
    %while3A_43 = arith.addi %while3A_40, %while3A_42 : i32
    %while3A_44 = arith.constant 1 : i32
    %while3A_45 = arith.divsi %while3A_42, %while3A_44 : i32
    %while3A_46 = arith.muli %while3A_45, %while3A_44 : i32
    %while3A_47 = arith.addi %while3A_40, %while3A_46 : i32
    %while3A_48 = arith.constant 1 : i32
    scf.for %while3A_83 = %while3A_40 to %while3A_47 step %while3A_48  : i32 {
      %mul3A_84 = arith.constant 2 : i32
      %mul3A_85 = arith.muli %while3A_83, %mul3A_84 : i32
      %add3A_86 = arith.constant 0 : i32
      %add3A_87 = arith.addi %mul3A_85, %add3A_86 : i32
      %mul3A_88 = arith.constant 4096 : i32
      %mul3A_89 = arith.muli %add3A_87, %mul3A_88 : i32
      %add3A_90 = arith.addi %mul3A_23, %mul3A_89 : i32
      %dma_wait3A_91 = arith.constant 0 : i32
      %dma_wait3A_92 = arith.constant 0 : i32
      %dma_wait3A_93 = arith.constant 0 : i32
      %dma_wait3A_94 = tpu.memref_slice %arg7[%dma_wait3A_91, %dma_wait3A_92, %dma_wait3A_93] : memref<2x3x4096xf32, #tpu.memory_space<vmem>> -> memref<1x3x4096xf32, #tpu.memory_space<vmem>>
      %dma_wait3A_95 = tpu.memref_squeeze %dma_wait3A_94 : memref<1x3x4096xf32, #tpu.memory_space<vmem>> -> memref<3x4096xf32, #tpu.memory_space<vmem>>
      %dma_wait3A_96 = arith.constant 0 : i32
      %dma_wait3A_97 = tpu.memref_slice %arg2[%dma_wait3A_96, %add3A_90] : memref<3x262144xf32, #tpu.memory_space<hbm>> -> memref<3x4096xf32, #tpu.memory_space<hbm>>
      %dma_wait3A_98 = arith.constant 0 : i32
      %dma_wait3A_99 = arith.constant 0 : i32
      %dma_wait3A_100 = tpu.memref_slice %arg7[%dma_wait3A_91, %dma_wait3A_98, %dma_wait3A_99] : memref<2x3x4096xf32, #tpu.memory_space<vmem>> -> memref<1x3x4096xf32, #tpu.memory_space<vmem>>
      %dma_wait3A_101 = tpu.memref_squeeze %dma_wait3A_100 : memref<1x3x4096xf32, #tpu.memory_space<vmem>> -> memref<3x4096xf32, #tpu.memory_space<vmem>>
      %dma_wait3A_102 = arith.constant 0 : i32
      %dma_wait3A_103 = tpu.memref_slice %arg2[%dma_wait3A_102, %add3A_90] : memref<3x262144xf32, #tpu.memory_space<hbm>> -> memref<3x4096xf32, #tpu.memory_space<hbm>>
      tpu.wait_dma2 semaphore(%arg10 : memref<!tpu.dma_semaphore, #tpu.memory_space<semaphore_mem>>) src(%dma_wait3A_103 : memref<3x4096xf32, #tpu.memory_space<hbm>>) dst(%dma_wait3A_101 : memref<3x4096xf32, #tpu.memory_space<vmem>>)
      %add3A_104 = arith.constant 1 : i32
      %add3A_105 = arith.addi %add3A_87, %add3A_104 : i32
      %lt3A = arith.constant 32 : i32
      %lt3A_106 = arith.cmpi slt, %add3A_105, %lt3A : i32
      %convert_element_type3A_107 = arith.extui %lt3A_106 : i1 to i32
      %cond3A = arith.constant 0 : i32
      %cond3A_108 = arith.cmpi ne, %convert_element_type3A_107, %cond3A : i32
      scf.if %cond3A_108 {
        %add3A_199 = arith.constant 1 : i32
        %add3A_200 = arith.addi %add3A_87, %add3A_199 : i32
        %mul3A_201 = arith.constant 4096 : i32
        %mul3A_202 = arith.muli %add3A_200, %mul3A_201 : i32
        %add3A_203 = arith.addi %mul3A_23, %mul3A_202 : i32
        %dma_start3A_204 = arith.constant 1 : i32
        %dma_start3A_205 = arith.constant 0 : i32
        %dma_start3A_206 = arith.constant 0 : i32
        %dma_start3A_207 = tpu.memref_slice %arg7[%dma_start3A_204, %dma_start3A_205, %dma_start3A_206] : memref<2x3x4096xf32, #tpu.memory_space<vmem>> -> memref<1x3x4096xf32, #tpu.memory_space<vmem>>
        %dma_start3A_208 = tpu.memref_squeeze %dma_start3A_207 : memref<1x3x4096xf32, #tpu.memory_space<vmem>> -> memref<3x4096xf32, #tpu.memory_space<vmem>>
        %dma_start3A_209 = arith.constant 0 : i32
        %dma_start3A_210 = tpu.memref_slice %arg2[%dma_start3A_209, %add3A_203] : memref<3x262144xf32, #tpu.memory_space<hbm>> -> memref<3x4096xf32, #tpu.memory_space<hbm>>
        %dma_start3A_211 = arith.constant 0 : i32
        %dma_start3A_212 = arith.constant 0 : i32
        %dma_start3A_213 = tpu.memref_slice %arg7[%dma_start3A_204, %dma_start3A_211, %dma_start3A_212] : memref<2x3x4096xf32, #tpu.memory_space<vmem>> -> memref<1x3x4096xf32, #tpu.memory_space<vmem>>
        %dma_start3A_214 = tpu.memref_squeeze %dma_start3A_213 : memref<1x3x4096xf32, #tpu.memory_space<vmem>> -> memref<3x4096xf32, #tpu.memory_space<vmem>>
        %dma_start3A_215 = arith.constant 0 : i32
        %dma_start3A_216 = tpu.memref_slice %arg2[%dma_start3A_215, %add3A_203] : memref<3x262144xf32, #tpu.memory_space<hbm>> -> memref<3x4096xf32, #tpu.memory_space<hbm>>
        tpu.enqueue_dma source(%dma_start3A_216 : memref<3x4096xf32, #tpu.memory_space<hbm>>) target(%dma_start3A_214 : memref<3x4096xf32, #tpu.memory_space<vmem>>) target_semaphore(%arg11 : memref<!tpu.dma_semaphore, #tpu.memory_space<semaphore_mem>>)
      } else {
      }
      %ge3A = arith.constant 2 : i32
      %ge3A_109 = arith.cmpi sge, %add3A_87, %ge3A : i32
      %convert_element_type3A_110 = arith.extui %ge3A_109 : i1 to i32
      %cond3A_111 = arith.constant 0 : i32
      %cond3A_112 = arith.cmpi ne, %convert_element_type3A_110, %cond3A_111 : i32
      scf.if %cond3A_112 {
        %sub3A = arith.constant 2 : i32
        %sub3A_199 = arith.subi %add3A_87, %sub3A : i32
        %mul3A_200 = arith.constant 4096 : i32
        %mul3A_201 = arith.muli %sub3A_199, %mul3A_200 : i32
        %add3A_202 = arith.addi %mul3A_23, %mul3A_201 : i32
        %mul3A_203 = arith.constant 2 : i32
        %mul3A_204 = arith.muli %mul3A_203, %arg1 : i32
        %dma_wait3A_205 = arith.constant 0 : i32
        %dma_wait3A_206 = arith.constant 0 : i32
        %dma_wait3A_207 = arith.constant 0 : i32
        %dma_wait3A_208 = tpu.memref_slice %arg8[%dma_wait3A_205, %dma_wait3A_206, %dma_wait3A_207] : memref<2x2x4096xf32, #tpu.memory_space<vmem>> -> memref<1x2x4096xf32, #tpu.memory_space<vmem>>
        %dma_wait3A_209 = tpu.memref_squeeze %dma_wait3A_208 : memref<1x2x4096xf32, #tpu.memory_space<vmem>> -> memref<2x4096xf32, #tpu.memory_space<vmem>>
        %dma_wait3A_210 = tpu.memref_slice %arg5[%mul3A_204, %add3A_202] : memref<32x262144xf32, #tpu.memory_space<hbm>> -> memref<2x4096xf32, #tpu.memory_space<hbm>>
        %dma_wait3A_211 = tpu.memref_slice %arg5[%mul3A_204, %add3A_202] : memref<32x262144xf32, #tpu.memory_space<hbm>> -> memref<2x4096xf32, #tpu.memory_space<hbm>>
        %dma_wait3A_212 = arith.constant 0 : i32
        %dma_wait3A_213 = arith.constant 0 : i32
        %dma_wait3A_214 = tpu.memref_slice %arg8[%dma_wait3A_205, %dma_wait3A_212, %dma_wait3A_213] : memref<2x2x4096xf32, #tpu.memory_space<vmem>> -> memref<1x2x4096xf32, #tpu.memory_space<vmem>>
        %dma_wait3A_215 = tpu.memref_squeeze %dma_wait3A_214 : memref<1x2x4096xf32, #tpu.memory_space<vmem>> -> memref<2x4096xf32, #tpu.memory_space<vmem>>
        tpu.wait_dma2 semaphore(%arg12 : memref<!tpu.dma_semaphore, #tpu.memory_space<semaphore_mem>>) src(%dma_wait3A_215 : memref<2x4096xf32, #tpu.memory_space<vmem>>) dst(%dma_wait3A_211 : memref<2x4096xf32, #tpu.memory_space<hbm>>)
      } else {
      }
      %while3A_113 = arith.constant 0 : i32
      %while3A_114 = arith.constant 0 : i32
      %while3A_115 = arith.constant 256 : i32
      %while3A_116 = arith.subi %while3A_115, %while3A_114 : i32
      %while3A_117 = arith.addi %while3A_114, %while3A_116 : i32
      %while3A_118 = arith.constant 1 : i32
      %while3A_119 = arith.divsi %while3A_116, %while3A_118 : i32
      %while3A_120 = arith.muli %while3A_119, %while3A_118 : i32
      %while3A_121 = arith.addi %while3A_114, %while3A_120 : i32
      %while3A_122 = arith.constant 1 : i32
      scf.for %while3A_199 = %while3A_114 to %while3A_121 step %while3A_122  : i32 {
        %mul3A_200 = arith.constant 16 : i32
        %mul3A_201 = arith.muli %while3A_199, %mul3A_200 : i32
        %get3A = arith.constant 0 : i64
        %get3A_202 = arith.constant 0 : i64
        %get3A_203 = arith.index_cast %get3A : i64 to index
        %get3A_204 = arith.index_cast %get3A_202 : i64 to index
        %get3A_205 = arith.index_cast %mul3A_201 : i32 to index
        %get3A_206 = tpu.vector_load %arg7[%get3A_203, %get3A_204, %get3A_205] {strides = array<i32>} : memref<2x3x4096xf32, #tpu.memory_space<vmem>>, vector<16xf32>,
        %mul3A_207 = arith.constant 1.000000e-01 : f32
        %mul3A_208 = vector.broadcast %mul3A_207 : f32 to vector<16xf32>
        %mul3A_209 = arith.mulf %get3A_206, %mul3A_208 : vector<16xf32>
        %add3A_210 = arith.constant 5.000000e-01 : f32
        %add3A_211 = vector.broadcast %add3A_210 : f32 to vector<16xf32>
        %add3A_212 = arith.addf %mul3A_209, %add3A_211 : vector<16xf32>
        %max3A = arith.constant 0.000000e+00 : f32
        %max3A_213 = vector.broadcast %max3A : f32 to vector<16xf32>
        %max3A_214 = arith.maximumf %add3A_212, %max3A_213 : vector<16xf32>
        %min3A = arith.constant 0.999998986 : f32
        %min3A_215 = vector.broadcast %min3A : f32 to vector<16xf32>
        %min3A_216 = arith.minimumf %max3A_214, %min3A_215 : vector<16xf32>
        %mul3A_217 = arith.mulf %min3A_216, %convert_element_type3A : vector<16xf32>
        %convert_element_type3A_218 = arith.fptosi %mul3A_217 : vector<16xf32> to vector<16xi32>
        %convert_element_type3A_219 = arith.sitofp %convert_element_type3A_218 : vector<16xi32> to vector<16xf32>
        %sub3A = arith.subf %mul3A_217, %convert_element_type3A_219 : vector<16xf32>
        %get3A_220 = arith.constant 0 : i64
        %get3A_221 = arith.constant 1 : i64
        %get3A_222 = arith.index_cast %get3A_220 : i64 to index
        %get3A_223 = arith.index_cast %get3A_221 : i64 to index
        %get3A_224 = arith.index_cast %mul3A_201 : i32 to index
        %get3A_225 = tpu.vector_load %arg7[%get3A_222, %get3A_223, %get3A_224] {strides = array<i32>} : memref<2x3x4096xf32, #tpu.memory_space<vmem>>, vector<16xf32>,
        %mul3A_226 = arith.constant 1.000000e-01 : f32
        %mul3A_227 = vector.broadcast %mul3A_226 : f32 to vector<16xf32>
        %mul3A_228 = arith.mulf %get3A_225, %mul3A_227 : vector<16xf32>
        %add3A_229 = arith.constant 5.000000e-01 : f32
        %add3A_230 = vector.broadcast %add3A_229 : f32 to vector<16xf32>
        %add3A_231 = arith.addf %mul3A_228, %add3A_230 : vector<16xf32>
        %max3A_232 = arith.constant 0.000000e+00 : f32
        %max3A_233 = vector.broadcast %max3A_232 : f32 to vector<16xf32>
        %max3A_234 = arith.maximumf %add3A_231, %max3A_233 : vector<16xf32>
        %min3A_235 = arith.constant 0.999998986 : f32
        %min3A_236 = vector.broadcast %min3A_235 : f32 to vector<16xf32>
        %min3A_237 = arith.minimumf %max3A_234, %min3A_236 : vector<16xf32>
        %mul3A_238 = arith.mulf %min3A_237, %convert_element_type3A : vector<16xf32>
        %convert_element_type3A_239 = arith.fptosi %mul3A_238 : vector<16xf32> to vector<16xi32>
        %convert_element_type3A_240 = arith.sitofp %convert_element_type3A_239 : vector<16xi32> to vector<16xf32>
        %sub3A_241 = arith.subf %mul3A_238, %convert_element_type3A_240 : vector<16xf32>
        %get3A_242 = arith.constant 0 : i64
        %get3A_243 = arith.constant 2 : i64
        %get3A_244 = arith.index_cast %get3A_242 : i64 to index
        %get3A_245 = arith.index_cast %get3A_243 : i64 to index
        %get3A_246 = arith.index_cast %mul3A_201 : i32 to index
        %get3A_247 = tpu.vector_load %arg7[%get3A_244, %get3A_245, %get3A_246] {strides = array<i32>} : memref<2x3x4096xf32, #tpu.memory_space<vmem>>, vector<16xf32>,
        %mul3A_248 = arith.constant 1.000000e-01 : f32
        %mul3A_249 = vector.broadcast %mul3A_248 : f32 to vector<16xf32>
        %mul3A_250 = arith.mulf %get3A_247, %mul3A_249 : vector<16xf32>
        %add3A_251 = arith.constant 5.000000e-01 : f32
        %add3A_252 = vector.broadcast %add3A_251 : f32 to vector<16xf32>
        %add3A_253 = arith.addf %mul3A_250, %add3A_252 : vector<16xf32>
        %max3A_254 = arith.constant 0.000000e+00 : f32
        %max3A_255 = vector.broadcast %max3A_254 : f32 to vector<16xf32>
        %max3A_256 = arith.maximumf %add3A_253, %max3A_255 : vector<16xf32>
        %min3A_257 = arith.constant 0.999998986 : f32
        %min3A_258 = vector.broadcast %min3A_257 : f32 to vector<16xf32>
        %min3A_259 = arith.minimumf %max3A_256, %min3A_258 : vector<16xf32>
        %mul3A_260 = arith.mulf %min3A_259, %convert_element_type3A : vector<16xf32>
        %convert_element_type3A_261 = arith.fptosi %mul3A_260 : vector<16xf32> to vector<16xi32>
        %convert_element_type3A_262 = arith.sitofp %convert_element_type3A_261 : vector<16xi32> to vector<16xf32>
        %sub3A_263 = arith.subf %mul3A_260, %convert_element_type3A_262 : vector<16xf32>
        %mul3A_264 = arith.muli %convert_element_type3A_218, %gather3A_8 : vector<16xi32>
        %mul3A_265 = arith.muli %convert_element_type3A_218, %gather3A_8 : vector<16xi32>
        %add3A_266 = arith.addi %mul3A_265, %gather3A_8 : vector<16xi32>
        %mul3A_267 = arith.muli %convert_element_type3A_239, %gather3A_12 : vector<16xi32>
        %mul3A_268 = arith.muli %convert_element_type3A_239, %gather3A_12 : vector<16xi32>
        %add3A_269 = arith.addi %mul3A_268, %gather3A_12 : vector<16xi32>
        %mul3A_270 = arith.muli %convert_element_type3A_261, %gather3A_16 : vector<16xi32>
        %mul3A_271 = arith.muli %convert_element_type3A_261, %gather3A_16 : vector<16xi32>
        %add3A_272 = arith.addi %mul3A_271, %gather3A_16 : vector<16xi32>
        %sub3A_273 = arith.constant 1.000000e+00 : f32
        %sub3A_274 = vector.broadcast %sub3A_273 : f32 to vector<16xf32>
        %sub3A_275 = arith.subf %sub3A_274, %sub3A : vector<16xf32>
        %sub3A_276 = arith.constant 1.000000e+00 : f32
        %sub3A_277 = vector.broadcast %sub3A_276 : f32 to vector<16xf32>
        %sub3A_278 = arith.subf %sub3A_277, %sub3A_241 : vector<16xf32>
        %sub3A_279 = arith.constant 1.000000e+00 : f32
        %sub3A_280 = vector.broadcast %sub3A_279 : f32 to vector<16xf32>
        %sub3A_281 = arith.subf %sub3A_280, %sub3A_263 : vector<16xf32>
        %mul3A_282 = arith.mulf %sub3A_275, %sub3A_278 : vector<16xf32>
        %mul3A_283 = arith.mulf %sub3A_275, %sub3A_241 : vector<16xf32>
        %mul3A_284 = arith.mulf %sub3A, %sub3A_278 : vector<16xf32>
        %mul3A_285 = arith.mulf %sub3A, %sub3A_241 : vector<16xf32>
        %broadcast_in_dim3A_286 = arith.constant 0.000000e+00 : f32
        %broadcast_in_dim3A_287 = vector.broadcast %broadcast_in_dim3A_286 : f32 to vector<16xf32>
        %broadcast_in_dim3A_288 = arith.constant 0.000000e+00 : f32
        %broadcast_in_dim3A_289 = vector.broadcast %broadcast_in_dim3A_288 : f32 to vector<16xf32>
        %xor3A = arith.xori %mul3A_264, %mul3A_267 : vector<16xi32>
        %xor3A_290 = arith.xori %xor3A, %mul3A_270 : vector<16xi32>
        %and3A = arith.constant 16383 : i32
        %and3A_291 = vector.broadcast %and3A : i32 to vector<16xi32>
        %and3A_292 = arith.andi %xor3A_290, %and3A_291 : vector<16xi32>
        %add3A_293 = arith.addi %mul3A_264, %mul3A_267 : vector<16xi32>
        %add3A_294 = arith.addi %add3A_293, %mul3A_270 : vector<16xi32>
        %select_n3A = arith.select %eq3A_22, %add3A_294, %and3A_292 : vector<16xi1>, vector<16xi32>
        %mul3A_295 = arith.constant 2 : i32
        %mul3A_296 = vector.broadcast %mul3A_295 : i32 to vector<16xi32>
        %mul3A_297 = arith.muli %select_n3A, %mul3A_296 : vector<16xi32>
        %gather3A_298 = tpu.vector_load_idx %arg6[%mul3A_297] : memref<32768xf32, #tpu.memory_space<vmem>>[vector<16xi32>], vector<16xf32>,
        %add3A_299 = arith.constant 1 : i32
        %add3A_300 = vector.broadcast %add3A_299 : i32 to vector<16xi32>
        %add3A_301 = arith.addi %mul3A_297, %add3A_300 : vector<16xi32>
        %gather3A_302 = tpu.vector_load_idx %arg6[%add3A_301] : memref<32768xf32, #tpu.memory_space<vmem>>[vector<16xi32>], vector<16xf32>,
        %mul3A_303 = arith.mulf %mul3A_282, %sub3A_281 : vector<16xf32>
        %mul3A_304 = arith.mulf %gather3A_298, %mul3A_303 : vector<16xf32>
        %add3A_305 = arith.addf %broadcast_in_dim3A_287, %mul3A_304 : vector<16xf32>
        %mul3A_306 = arith.mulf %gather3A_302, %mul3A_303 : vector<16xf32>
        %add3A_307 = arith.addf %broadcast_in_dim3A_289, %mul3A_306 : vector<16xf32>
        %xor3A_308 = arith.xori %mul3A_264, %mul3A_267 : vector<16xi32>
        %xor3A_309 = arith.xori %xor3A_308, %add3A_272 : vector<16xi32>
        %and3A_310 = arith.constant 16383 : i32
        %and3A_311 = vector.broadcast %and3A_310 : i32 to vector<16xi32>
        %and3A_312 = arith.andi %xor3A_309, %and3A_311 : vector<16xi32>
        %add3A_313 = arith.addi %mul3A_264, %mul3A_267 : vector<16xi32>
        %add3A_314 = arith.addi %add3A_313, %add3A_272 : vector<16xi32>
        %select_n3A_315 = arith.select %eq3A_22, %add3A_314, %and3A_312 : vector<16xi1>, vector<16xi32>
        %mul3A_316 = arith.constant 2 : i32
        %mul3A_317 = vector.broadcast %mul3A_316 : i32 to vector<16xi32>
        %mul3A_318 = arith.muli %select_n3A_315, %mul3A_317 : vector<16xi32>
        %gather3A_319 = tpu.vector_load_idx %arg6[%mul3A_318] : memref<32768xf32, #tpu.memory_space<vmem>>[vector<16xi32>], vector<16xf32>,
        %add3A_320 = arith.constant 1 : i32
        %add3A_321 = vector.broadcast %add3A_320 : i32 to vector<16xi32>
        %add3A_322 = arith.addi %mul3A_318, %add3A_321 : vector<16xi32>
        %gather3A_323 = tpu.vector_load_idx %arg6[%add3A_322] : memref<32768xf32, #tpu.memory_space<vmem>>[vector<16xi32>], vector<16xf32>,
        %mul3A_324 = arith.mulf %mul3A_282, %sub3A_263 : vector<16xf32>
        %mul3A_325 = arith.mulf %gather3A_319, %mul3A_324 : vector<16xf32>
        %add3A_326 = arith.addf %add3A_305, %mul3A_325 : vector<16xf32>
        %mul3A_327 = arith.mulf %gather3A_323, %mul3A_324 : vector<16xf32>
        %add3A_328 = arith.addf %add3A_307, %mul3A_327 : vector<16xf32>
        %xor3A_329 = arith.xori %mul3A_264, %add3A_269 : vector<16xi32>
        %xor3A_330 = arith.xori %xor3A_329, %mul3A_270 : vector<16xi32>
        %and3A_331 = arith.constant 16383 : i32
        %and3A_332 = vector.broadcast %and3A_331 : i32 to vector<16xi32>
        %and3A_333 = arith.andi %xor3A_330, %and3A_332 : vector<16xi32>
        %add3A_334 = arith.addi %mul3A_264, %add3A_269 : vector<16xi32>
        %add3A_335 = arith.addi %add3A_334, %mul3A_270 : vector<16xi32>
        %select_n3A_336 = arith.select %eq3A_22, %add3A_335, %and3A_333 : vector<16xi1>, vector<16xi32>
        %mul3A_337 = arith.constant 2 : i32
        %mul3A_338 = vector.broadcast %mul3A_337 : i32 to vector<16xi32>
        %mul3A_339 = arith.muli %select_n3A_336, %mul3A_338 : vector<16xi32>
        %gather3A_340 = tpu.vector_load_idx %arg6[%mul3A_339] : memref<32768xf32, #tpu.memory_space<vmem>>[vector<16xi32>], vector<16xf32>,
        %add3A_341 = arith.constant 1 : i32
        %add3A_342 = vector.broadcast %add3A_341 : i32 to vector<16xi32>
        %add3A_343 = arith.addi %mul3A_339, %add3A_342 : vector<16xi32>
        %gather3A_344 = tpu.vector_load_idx %arg6[%add3A_343] : memref<32768xf32, #tpu.memory_space<vmem>>[vector<16xi32>], vector<16xf32>,
        %mul3A_345 = arith.mulf %mul3A_283, %sub3A_281 : vector<16xf32>
        %mul3A_346 = arith.mulf %gather3A_340, %mul3A_345 : vector<16xf32>
        %add3A_347 = arith.addf %add3A_326, %mul3A_346 : vector<16xf32>
        %mul3A_348 = arith.mulf %gather3A_344, %mul3A_345 : vector<16xf32>
        %add3A_349 = arith.addf %add3A_328, %mul3A_348 : vector<16xf32>
        %xor3A_350 = arith.xori %mul3A_264, %add3A_269 : vector<16xi32>
        %xor3A_351 = arith.xori %xor3A_350, %add3A_272 : vector<16xi32>
        %and3A_352 = arith.constant 16383 : i32
        %and3A_353 = vector.broadcast %and3A_352 : i32 to vector<16xi32>
        %and3A_354 = arith.andi %xor3A_351, %and3A_353 : vector<16xi32>
        %add3A_355 = arith.addi %mul3A_264, %add3A_269 : vector<16xi32>
        %add3A_356 = arith.addi %add3A_355, %add3A_272 : vector<16xi32>
        %select_n3A_357 = arith.select %eq3A_22, %add3A_356, %and3A_354 : vector<16xi1>, vector<16xi32>
        %mul3A_358 = arith.constant 2 : i32
        %mul3A_359 = vector.broadcast %mul3A_358 : i32 to vector<16xi32>
        %mul3A_360 = arith.muli %select_n3A_357, %mul3A_359 : vector<16xi32>
        %gather3A_361 = tpu.vector_load_idx %arg6[%mul3A_360] : memref<32768xf32, #tpu.memory_space<vmem>>[vector<16xi32>], vector<16xf32>,
        %add3A_362 = arith.constant 1 : i32
        %add3A_363 = vector.broadcast %add3A_362 : i32 to vector<16xi32>
        %add3A_364 = arith.addi %mul3A_360, %add3A_363 : vector<16xi32>
        %gather3A_365 = tpu.vector_load_idx %arg6[%add3A_364] : memref<32768xf32, #tpu.memory_space<vmem>>[vector<16xi32>], vector<16xf32>,
        %mul3A_366 = arith.mulf %mul3A_283, %sub3A_263 : vector<16xf32>
        %mul3A_367 = arith.mulf %gather3A_361, %mul3A_366 : vector<16xf32>
        %add3A_368 = arith.addf %add3A_347, %mul3A_367 : vector<16xf32>
        %mul3A_369 = arith.mulf %gather3A_365, %mul3A_366 : vector<16xf32>
        %add3A_370 = arith.addf %add3A_349, %mul3A_369 : vector<16xf32>
        %xor3A_371 = arith.xori %add3A_266, %mul3A_267 : vector<16xi32>
        %xor3A_372 = arith.xori %xor3A_371, %mul3A_270 : vector<16xi32>
        %and3A_373 = arith.constant 16383 : i32
        %and3A_374 = vector.broadcast %and3A_373 : i32 to vector<16xi32>
        %and3A_375 = arith.andi %xor3A_372, %and3A_374 : vector<16xi32>
        %add3A_376 = arith.addi %add3A_266, %mul3A_267 : vector<16xi32>
        %add3A_377 = arith.addi %add3A_376, %mul3A_270 : vector<16xi32>
        %select_n3A_378 = arith.select %eq3A_22, %add3A_377, %and3A_375 : vector<16xi1>, vector<16xi32>
        %mul3A_379 = arith.constant 2 : i32
        %mul3A_380 = vector.broadcast %mul3A_379 : i32 to vector<16xi32>
        %mul3A_381 = arith.muli %select_n3A_378, %mul3A_380 : vector<16xi32>
        %gather3A_382 = tpu.vector_load_idx %arg6[%mul3A_381] : memref<32768xf32, #tpu.memory_space<vmem>>[vector<16xi32>], vector<16xf32>,
        %add3A_383 = arith.constant 1 : i32
        %add3A_384 = vector.broadcast %add3A_383 : i32 to vector<16xi32>
        %add3A_385 = arith.addi %mul3A_381, %add3A_384 : vector<16xi32>
        %gather3A_386 = tpu.vector_load_idx %arg6[%add3A_385] : memref<32768xf32, #tpu.memory_space<vmem>>[vector<16xi32>], vector<16xf32>,
        %mul3A_387 = arith.mulf %mul3A_284, %sub3A_281 : vector<16xf32>
        %mul3A_388 = arith.mulf %gather3A_382, %mul3A_387 : vector<16xf32>
        %add3A_389 = arith.addf %add3A_368, %mul3A_388 : vector<16xf32>
        %mul3A_390 = arith.mulf %gather3A_386, %mul3A_387 : vector<16xf32>
        %add3A_391 = arith.addf %add3A_370, %mul3A_390 : vector<16xf32>
        %xor3A_392 = arith.xori %add3A_266, %mul3A_267 : vector<16xi32>
        %xor3A_393 = arith.xori %xor3A_392, %add3A_272 : vector<16xi32>
        %and3A_394 = arith.constant 16383 : i32
        %and3A_395 = vector.broadcast %and3A_394 : i32 to vector<16xi32>
        %and3A_396 = arith.andi %xor3A_393, %and3A_395 : vector<16xi32>
        %add3A_397 = arith.addi %add3A_266, %mul3A_267 : vector<16xi32>
        %add3A_398 = arith.addi %add3A_397, %add3A_272 : vector<16xi32>
        %select_n3A_399 = arith.select %eq3A_22, %add3A_398, %and3A_396 : vector<16xi1>, vector<16xi32>
        %mul3A_400 = arith.constant 2 : i32
        %mul3A_401 = vector.broadcast %mul3A_400 : i32 to vector<16xi32>
        %mul3A_402 = arith.muli %select_n3A_399, %mul3A_401 : vector<16xi32>
        %gather3A_403 = tpu.vector_load_idx %arg6[%mul3A_402] : memref<32768xf32, #tpu.memory_space<vmem>>[vector<16xi32>], vector<16xf32>,
        %add3A_404 = arith.constant 1 : i32
        %add3A_405 = vector.broadcast %add3A_404 : i32 to vector<16xi32>
        %add3A_406 = arith.addi %mul3A_402, %add3A_405 : vector<16xi32>
        %gather3A_407 = tpu.vector_load_idx %arg6[%add3A_406] : memref<32768xf32, #tpu.memory_space<vmem>>[vector<16xi32>], vector<16xf32>,
        %mul3A_408 = arith.mulf %mul3A_284, %sub3A_263 : vector<16xf32>
        %mul3A_409 = arith.mulf %gather3A_403, %mul3A_408 : vector<16xf32>
        %add3A_410 = arith.addf %add3A_389, %mul3A_409 : vector<16xf32>
        %mul3A_411 = arith.mulf %gather3A_407, %mul3A_408 : vector<16xf32>
        %add3A_412 = arith.addf %add3A_391, %mul3A_411 : vector<16xf32>
        %xor3A_413 = arith.xori %add3A_266, %add3A_269 : vector<16xi32>
        %xor3A_414 = arith.xori %xor3A_413, %mul3A_270 : vector<16xi32>
        %and3A_415 = arith.constant 16383 : i32
        %and3A_416 = vector.broadcast %and3A_415 : i32 to vector<16xi32>
        %and3A_417 = arith.andi %xor3A_414, %and3A_416 : vector<16xi32>
        %add3A_418 = arith.addi %add3A_266, %add3A_269 : vector<16xi32>
        %add3A_419 = arith.addi %add3A_418, %mul3A_270 : vector<16xi32>
        %select_n3A_420 = arith.select %eq3A_22, %add3A_419, %and3A_417 : vector<16xi1>, vector<16xi32>
        %mul3A_421 = arith.constant 2 : i32
        %mul3A_422 = vector.broadcast %mul3A_421 : i32 to vector<16xi32>
        %mul3A_423 = arith.muli %select_n3A_420, %mul3A_422 : vector<16xi32>
        %gather3A_424 = tpu.vector_load_idx %arg6[%mul3A_423] : memref<32768xf32, #tpu.memory_space<vmem>>[vector<16xi32>], vector<16xf32>,
        %add3A_425 = arith.constant 1 : i32
        %add3A_426 = vector.broadcast %add3A_425 : i32 to vector<16xi32>
        %add3A_427 = arith.addi %mul3A_423, %add3A_426 : vector<16xi32>
        %gather3A_428 = tpu.vector_load_idx %arg6[%add3A_427] : memref<32768xf32, #tpu.memory_space<vmem>>[vector<16xi32>], vector<16xf32>,
        %mul3A_429 = arith.mulf %mul3A_285, %sub3A_281 : vector<16xf32>
        %mul3A_430 = arith.mulf %gather3A_424, %mul3A_429 : vector<16xf32>
        %add3A_431 = arith.addf %add3A_410, %mul3A_430 : vector<16xf32>
        %mul3A_432 = arith.mulf %gather3A_428, %mul3A_429 : vector<16xf32>
        %add3A_433 = arith.addf %add3A_412, %mul3A_432 : vector<16xf32>
        %xor3A_434 = arith.xori %add3A_266, %add3A_269 : vector<16xi32>
        %xor3A_435 = arith.xori %xor3A_434, %add3A_272 : vector<16xi32>
        %and3A_436 = arith.constant 16383 : i32
        %and3A_437 = vector.broadcast %and3A_436 : i32 to vector<16xi32>
        %and3A_438 = arith.andi %xor3A_435, %and3A_437 : vector<16xi32>
        %add3A_439 = arith.addi %add3A_266, %add3A_269 : vector<16xi32>
        %add3A_440 = arith.addi %add3A_439, %add3A_272 : vector<16xi32>
        %select_n3A_441 = arith.select %eq3A_22, %add3A_440, %and3A_438 : vector<16xi1>, vector<16xi32>
        %mul3A_442 = arith.constant 2 : i32
        %mul3A_443 = vector.broadcast %mul3A_442 : i32 to vector<16xi32>
        %mul3A_444 = arith.muli %select_n3A_441, %mul3A_443 : vector<16xi32>
        %gather3A_445 = tpu.vector_load_idx %arg6[%mul3A_444] : memref<32768xf32, #tpu.memory_space<vmem>>[vector<16xi32>], vector<16xf32>,
        %add3A_446 = arith.constant 1 : i32
        %add3A_447 = vector.broadcast %add3A_446 : i32 to vector<16xi32>
        %add3A_448 = arith.addi %mul3A_444, %add3A_447 : vector<16xi32>
        %gather3A_449 = tpu.vector_load_idx %arg6[%add3A_448] : memref<32768xf32, #tpu.memory_space<vmem>>[vector<16xi32>], vector<16xf32>,
        %mul3A_450 = arith.mulf %mul3A_285, %sub3A_263 : vector<16xf32>
        %mul3A_451 = arith.mulf %gather3A_445, %mul3A_450 : vector<16xf32>
        %add3A_452 = arith.addf %add3A_431, %mul3A_451 : vector<16xf32>
        %mul3A_453 = arith.mulf %gather3A_449, %mul3A_450 : vector<16xf32>
        %add3A_454 = arith.addf %add3A_433, %mul3A_453 : vector<16xf32>
        %swap3A = arith.constant 0 : i64
        %swap3A_455 = arith.constant 0 : i64
        %swap3A_456 = arith.index_cast %swap3A : i64 to index
        %swap3A_457 = arith.index_cast %swap3A_455 : i64 to index
        %swap3A_458 = arith.index_cast %mul3A_201 : i32 to index
        %swap3A_459 = tpu.vector_load %arg8[%swap3A_456, %swap3A_457, %swap3A_458] {strides = array<i32>} : memref<2x2x4096xf32, #tpu.memory_space<vmem>>, vector<16xf32>,
        tpu.vector_store %arg8[%swap3A_456, %swap3A_457, %swap3A_458], %add3A_452 {strides = array<i32>} : memref<2x2x4096xf32, #tpu.memory_space<vmem>>, vector<16xf32>,
        %swap3A_460 = arith.constant 0 : i64
        %swap3A_461 = arith.constant 1 : i64
        %swap3A_462 = arith.index_cast %swap3A_460 : i64 to index
        %swap3A_463 = arith.index_cast %swap3A_461 : i64 to index
        %swap3A_464 = arith.index_cast %mul3A_201 : i32 to index
        %swap3A_465 = tpu.vector_load %arg8[%swap3A_462, %swap3A_463, %swap3A_464] {strides = array<i32>} : memref<2x2x4096xf32, #tpu.memory_space<vmem>>, vector<16xf32>,
        tpu.vector_store %arg8[%swap3A_462, %swap3A_463, %swap3A_464], %add3A_454 {strides = array<i32>} : memref<2x2x4096xf32, #tpu.memory_space<vmem>>, vector<16xf32>,
      }
      %while3A_123 = arith.constant 1 : i32
      scf.for %while3A_199 = %while3A_121 to %while3A_117 step %while3A_123  : i32 {
        %mul3A_200 = arith.constant 16 : i32
        %mul3A_201 = arith.muli %while3A_199, %mul3A_200 : i32
        %get3A = arith.constant 0 : i64
        %get3A_202 = arith.constant 0 : i64
        %get3A_203 = arith.index_cast %get3A : i64 to index
        %get3A_204 = arith.index_cast %get3A_202 : i64 to index
        %get3A_205 = arith.index_cast %mul3A_201 : i32 to index
        %get3A_206 = tpu.vector_load %arg7[%get3A_203, %get3A_204, %get3A_205] {strides = array<i32>} : memref<2x3x4096xf32, #tpu.memory_space<vmem>>, vector<16xf32>,
        %mul3A_207 = arith.constant 1.000000e-01 : f32
        %mul3A_208 = vector.broadcast %mul3A_207 : f32 to vector<16xf32>
        %mul3A_209 = arith.mulf %get3A_206, %mul3A_208 : vector<16xf32>
        %add3A_210 = arith.constant 5.000000e-01 : f32
        %add3A_211 = vector.broadcast %add3A_210 : f32 to vector<16xf32>
        %add3A_212 = arith.addf %mul3A_209, %add3A_211 : vector<16xf32>
        %max3A = arith.constant 0.000000e+00 : f32
        %max3A_213 = vector.broadcast %max3A : f32 to vector<16xf32>
        %max3A_214 = arith.maximumf %add3A_212, %max3A_213 : vector<16xf32>
        %min3A = arith.constant 0.999998986 : f32
        %min3A_215 = vector.broadcast %min3A : f32 to vector<16xf32>
        %min3A_216 = arith.minimumf %max3A_214, %min3A_215 : vector<16xf32>
        %mul3A_217 = arith.mulf %min3A_216, %convert_element_type3A : vector<16xf32>
        %convert_element_type3A_218 = arith.fptosi %mul3A_217 : vector<16xf32> to vector<16xi32>
        %convert_element_type3A_219 = arith.sitofp %convert_element_type3A_218 : vector<16xi32> to vector<16xf32>
        %sub3A = arith.subf %mul3A_217, %convert_element_type3A_219 : vector<16xf32>
        %get3A_220 = arith.constant 0 : i64
        %get3A_221 = arith.constant 1 : i64
        %get3A_222 = arith.index_cast %get3A_220 : i64 to index
        %get3A_223 = arith.index_cast %get3A_221 : i64 to index
        %get3A_224 = arith.index_cast %mul3A_201 : i32 to index
        %get3A_225 = tpu.vector_load %arg7[%get3A_222, %get3A_223, %get3A_224] {strides = array<i32>} : memref<2x3x4096xf32, #tpu.memory_space<vmem>>, vector<16xf32>,
        %mul3A_226 = arith.constant 1.000000e-01 : f32
        %mul3A_227 = vector.broadcast %mul3A_226 : f32 to vector<16xf32>
        %mul3A_228 = arith.mulf %get3A_225, %mul3A_227 : vector<16xf32>
        %add3A_229 = arith.constant 5.000000e-01 : f32
        %add3A_230 = vector.broadcast %add3A_229 : f32 to vector<16xf32>
        %add3A_231 = arith.addf %mul3A_228, %add3A_230 : vector<16xf32>
        %max3A_232 = arith.constant 0.000000e+00 : f32
        %max3A_233 = vector.broadcast %max3A_232 : f32 to vector<16xf32>
        %max3A_234 = arith.maximumf %add3A_231, %max3A_233 : vector<16xf32>
        %min3A_235 = arith.constant 0.999998986 : f32
        %min3A_236 = vector.broadcast %min3A_235 : f32 to vector<16xf32>
        %min3A_237 = arith.minimumf %max3A_234, %min3A_236 : vector<16xf32>
        %mul3A_238 = arith.mulf %min3A_237, %convert_element_type3A : vector<16xf32>
        %convert_element_type3A_239 = arith.fptosi %mul3A_238 : vector<16xf32> to vector<16xi32>
        %convert_element_type3A_240 = arith.sitofp %convert_element_type3A_239 : vector<16xi32> to vector<16xf32>
        %sub3A_241 = arith.subf %mul3A_238, %convert_element_type3A_240 : vector<16xf32>
        %get3A_242 = arith.constant 0 : i64
        %get3A_243 = arith.constant 2 : i64
        %get3A_244 = arith.index_cast %get3A_242 : i64 to index
        %get3A_245 = arith.index_cast %get3A_243 : i64 to index
        %get3A_246 = arith.index_cast %mul3A_201 : i32 to index
        %get3A_247 = tpu.vector_load %arg7[%get3A_244, %get3A_245, %get3A_246] {strides = array<i32>} : memref<2x3x4096xf32, #tpu.memory_space<vmem>>, vector<16xf32>,
        %mul3A_248 = arith.constant 1.000000e-01 : f32
        %mul3A_249 = vector.broadcast %mul3A_248 : f32 to vector<16xf32>
        %mul3A_250 = arith.mulf %get3A_247, %mul3A_249 : vector<16xf32>
        %add3A_251 = arith.constant 5.000000e-01 : f32
        %add3A_252 = vector.broadcast %add3A_251 : f32 to vector<16xf32>
        %add3A_253 = arith.addf %mul3A_250, %add3A_252 : vector<16xf32>
        %max3A_254 = arith.constant 0.000000e+00 : f32
        %max3A_255 = vector.broadcast %max3A_254 : f32 to vector<16xf32>
        %max3A_256 = arith.maximumf %add3A_253, %max3A_255 : vector<16xf32>
        %min3A_257 = arith.constant 0.999998986 : f32
        %min3A_258 = vector.broadcast %min3A_257 : f32 to vector<16xf32>
        %min3A_259 = arith.minimumf %max3A_256, %min3A_258 : vector<16xf32>
        %mul3A_260 = arith.mulf %min3A_259, %convert_element_type3A : vector<16xf32>
        %convert_element_type3A_261 = arith.fptosi %mul3A_260 : vector<16xf32> to vector<16xi32>
        %convert_element_type3A_262 = arith.sitofp %convert_element_type3A_261 : vector<16xi32> to vector<16xf32>
        %sub3A_263 = arith.subf %mul3A_260, %convert_element_type3A_262 : vector<16xf32>
        %mul3A_264 = arith.muli %convert_element_type3A_218, %gather3A_8 : vector<16xi32>
        %mul3A_265 = arith.muli %convert_element_type3A_218, %gather3A_8 : vector<16xi32>
        %add3A_266 = arith.addi %mul3A_265, %gather3A_8 : vector<16xi32>
        %mul3A_267 = arith.muli %convert_element_type3A_239, %gather3A_12 : vector<16xi32>
        %mul3A_268 = arith.muli %convert_element_type3A_239, %gather3A_12 : vector<16xi32>
        %add3A_269 = arith.addi %mul3A_268, %gather3A_12 : vector<16xi32>
        %mul3A_270 = arith.muli %convert_element_type3A_261, %gather3A_16 : vector<16xi32>
        %mul3A_271 = arith.muli %convert_element_type3A_261, %gather3A_16 : vector<16xi32>
        %add3A_272 = arith.addi %mul3A_271, %gather3A_16 : vector<16xi32>
        %sub3A_273 = arith.constant 1.000000e+00 : f32
        %sub3A_274 = vector.broadcast %sub3A_273 : f32 to vector<16xf32>
        %sub3A_275 = arith.subf %sub3A_274, %sub3A : vector<16xf32>
        %sub3A_276 = arith.constant 1.000000e+00 : f32
        %sub3A_277 = vector.broadcast %sub3A_276 : f32 to vector<16xf32>
        %sub3A_278 = arith.subf %sub3A_277, %sub3A_241 : vector<16xf32>
        %sub3A_279 = arith.constant 1.000000e+00 : f32
        %sub3A_280 = vector.broadcast %sub3A_279 : f32 to vector<16xf32>
        %sub3A_281 = arith.subf %sub3A_280, %sub3A_263 : vector<16xf32>
        %mul3A_282 = arith.mulf %sub3A_275, %sub3A_278 : vector<16xf32>
        %mul3A_283 = arith.mulf %sub3A_275, %sub3A_241 : vector<16xf32>
        %mul3A_284 = arith.mulf %sub3A, %sub3A_278 : vector<16xf32>
        %mul3A_285 = arith.mulf %sub3A, %sub3A_241 : vector<16xf32>
        %broadcast_in_dim3A_286 = arith.constant 0.000000e+00 : f32
        %broadcast_in_dim3A_287 = vector.broadcast %broadcast_in_dim3A_286 : f32 to vector<16xf32>
        %broadcast_in_dim3A_288 = arith.constant 0.000000e+00 : f32
        %broadcast_in_dim3A_289 = vector.broadcast %broadcast_in_dim3A_288 : f32 to vector<16xf32>
        %xor3A = arith.xori %mul3A_264, %mul3A_267 : vector<16xi32>
        %xor3A_290 = arith.xori %xor3A, %mul3A_270 : vector<16xi32>
        %and3A = arith.constant 16383 : i32
        %and3A_291 = vector.broadcast %and3A : i32 to vector<16xi32>
        %and3A_292 = arith.andi %xor3A_290, %and3A_291 : vector<16xi32>
        %add3A_293 = arith.addi %mul3A_264, %mul3A_267 : vector<16xi32>
        %add3A_294 = arith.addi %add3A_293, %mul3A_270 : vector<16xi32>
        %select_n3A = arith.select %eq3A_22, %add3A_294, %and3A_292 : vector<16xi1>, vector<16xi32>
        %mul3A_295 = arith.constant 2 : i32
        %mul3A_296 = vector.broadcast %mul3A_295 : i32 to vector<16xi32>
        %mul3A_297 = arith.muli %select_n3A, %mul3A_296 : vector<16xi32>
        %gather3A_298 = tpu.vector_load_idx %arg6[%mul3A_297] : memref<32768xf32, #tpu.memory_space<vmem>>[vector<16xi32>], vector<16xf32>,
        %add3A_299 = arith.constant 1 : i32
        %add3A_300 = vector.broadcast %add3A_299 : i32 to vector<16xi32>
        %add3A_301 = arith.addi %mul3A_297, %add3A_300 : vector<16xi32>
        %gather3A_302 = tpu.vector_load_idx %arg6[%add3A_301] : memref<32768xf32, #tpu.memory_space<vmem>>[vector<16xi32>], vector<16xf32>,
        %mul3A_303 = arith.mulf %mul3A_282, %sub3A_281 : vector<16xf32>
        %mul3A_304 = arith.mulf %gather3A_298, %mul3A_303 : vector<16xf32>
        %add3A_305 = arith.addf %broadcast_in_dim3A_287, %mul3A_304 : vector<16xf32>
        %mul3A_306 = arith.mulf %gather3A_302, %mul3A_303 : vector<16xf32>
        %add3A_307 = arith.addf %broadcast_in_dim3A_289, %mul3A_306 : vector<16xf32>
        %xor3A_308 = arith.xori %mul3A_264, %mul3A_267 : vector<16xi32>
        %xor3A_309 = arith.xori %xor3A_308, %add3A_272 : vector<16xi32>
        %and3A_310 = arith.constant 16383 : i32
        %and3A_311 = vector.broadcast %and3A_310 : i32 to vector<16xi32>
        %and3A_312 = arith.andi %xor3A_309, %and3A_311 : vector<16xi32>
        %add3A_313 = arith.addi %mul3A_264, %mul3A_267 : vector<16xi32>
        %add3A_314 = arith.addi %add3A_313, %add3A_272 : vector<16xi32>
        %select_n3A_315 = arith.select %eq3A_22, %add3A_314, %and3A_312 : vector<16xi1>, vector<16xi32>
        %mul3A_316 = arith.constant 2 : i32
        %mul3A_317 = vector.broadcast %mul3A_316 : i32 to vector<16xi32>
        %mul3A_318 = arith.muli %select_n3A_315, %mul3A_317 : vector<16xi32>
        %gather3A_319 = tpu.vector_load_idx %arg6[%mul3A_318] : memref<32768xf32, #tpu.memory_space<vmem>>[vector<16xi32>], vector<16xf32>,
        %add3A_320 = arith.constant 1 : i32
        %add3A_321 = vector.broadcast %add3A_320 : i32 to vector<16xi32>
        %add3A_322 = arith.addi %mul3A_318, %add3A_321 : vector<16xi32>
        %gather3A_323 = tpu.vector_load_idx %arg6[%add3A_322] : memref<32768xf32, #tpu.memory_space<vmem>>[vector<16xi32>], vector<16xf32>,
        %mul3A_324 = arith.mulf %mul3A_282, %sub3A_263 : vector<16xf32>
        %mul3A_325 = arith.mulf %gather3A_319, %mul3A_324 : vector<16xf32>
        %add3A_326 = arith.addf %add3A_305, %mul3A_325 : vector<16xf32>
        %mul3A_327 = arith.mulf %gather3A_323, %mul3A_324 : vector<16xf32>
        %add3A_328 = arith.addf %add3A_307, %mul3A_327 : vector<16xf32>
        %xor3A_329 = arith.xori %mul3A_264, %add3A_269 : vector<16xi32>
        %xor3A_330 = arith.xori %xor3A_329, %mul3A_270 : vector<16xi32>
        %and3A_331 = arith.constant 16383 : i32
        %and3A_332 = vector.broadcast %and3A_331 : i32 to vector<16xi32>
        %and3A_333 = arith.andi %xor3A_330, %and3A_332 : vector<16xi32>
        %add3A_334 = arith.addi %mul3A_264, %add3A_269 : vector<16xi32>
        %add3A_335 = arith.addi %add3A_334, %mul3A_270 : vector<16xi32>
        %select_n3A_336 = arith.select %eq3A_22, %add3A_335, %and3A_333 : vector<16xi1>, vector<16xi32>
        %mul3A_337 = arith.constant 2 : i32
        %mul3A_338 = vector.broadcast %mul3A_337 : i32 to vector<16xi32>
        %mul3A_339 = arith.muli %select_n3A_336, %mul3A_338 : vector<16xi32>
        %gather3A_340 = tpu.vector_load_idx %arg6[%mul3A_339] : memref<32768xf32, #tpu.memory_space<vmem>>[vector<16xi32>], vector<16xf32>,
        %add3A_341 = arith.constant 1 : i32
        %add3A_342 = vector.broadcast %add3A_341 : i32 to vector<16xi32>
        %add3A_343 = arith.addi %mul3A_339, %add3A_342 : vector<16xi32>
        %gather3A_344 = tpu.vector_load_idx %arg6[%add3A_343] : memref<32768xf32, #tpu.memory_space<vmem>>[vector<16xi32>], vector<16xf32>,
        %mul3A_345 = arith.mulf %mul3A_283, %sub3A_281 : vector<16xf32>
        %mul3A_346 = arith.mulf %gather3A_340, %mul3A_345 : vector<16xf32>
        %add3A_347 = arith.addf %add3A_326, %mul3A_346 : vector<16xf32>
        %mul3A_348 = arith.mulf %gather3A_344, %mul3A_345 : vector<16xf32>
        %add3A_349 = arith.addf %add3A_328, %mul3A_348 : vector<16xf32>
        %xor3A_350 = arith.xori %mul3A_264, %add3A_269 : vector<16xi32>
        %xor3A_351 = arith.xori %xor3A_350, %add3A_272 : vector<16xi32>
        %and3A_352 = arith.constant 16383 : i32
        %and3A_353 = vector.broadcast %and3A_352 : i32 to vector<16xi32>
        %and3A_354 = arith.andi %xor3A_351, %and3A_353 : vector<16xi32>
        %add3A_355 = arith.addi %mul3A_264, %add3A_269 : vector<16xi32>
        %add3A_356 = arith.addi %add3A_355, %add3A_272 : vector<16xi32>
        %select_n3A_357 = arith.select %eq3A_22, %add3A_356, %and3A_354 : vector<16xi1>, vector<16xi32>
        %mul3A_358 = arith.constant 2 : i32
        %mul3A_359 = vector.broadcast %mul3A_358 : i32 to vector<16xi32>
        %mul3A_360 = arith.muli %select_n3A_357, %mul3A_359 : vector<16xi32>
        %gather3A_361 = tpu.vector_load_idx %arg6[%mul3A_360] : memref<32768xf32, #tpu.memory_space<vmem>>[vector<16xi32>], vector<16xf32>,
        %add3A_362 = arith.constant 1 : i32
        %add3A_363 = vector.broadcast %add3A_362 : i32 to vector<16xi32>
        %add3A_364 = arith.addi %mul3A_360, %add3A_363 : vector<16xi32>
        %gather3A_365 = tpu.vector_load_idx %arg6[%add3A_364] : memref<32768xf32, #tpu.memory_space<vmem>>[vector<16xi32>], vector<16xf32>,
        %mul3A_366 = arith.mulf %mul3A_283, %sub3A_263 : vector<16xf32>
        %mul3A_367 = arith.mulf %gather3A_361, %mul3A_366 : vector<16xf32>
        %add3A_368 = arith.addf %add3A_347, %mul3A_367 : vector<16xf32>
        %mul3A_369 = arith.mulf %gather3A_365, %mul3A_366 : vector<16xf32>
        %add3A_370 = arith.addf %add3A_349, %mul3A_369 : vector<16xf32>
        %xor3A_371 = arith.xori %add3A_266, %mul3A_267 : vector<16xi32>
        %xor3A_372 = arith.xori %xor3A_371, %mul3A_270 : vector<16xi32>
        %and3A_373 = arith.constant 16383 : i32
        %and3A_374 = vector.broadcast %and3A_373 : i32 to vector<16xi32>
        %and3A_375 = arith.andi %xor3A_372, %and3A_374 : vector<16xi32>
        %add3A_376 = arith.addi %add3A_266, %mul3A_267 : vector<16xi32>
        %add3A_377 = arith.addi %add3A_376, %mul3A_270 : vector<16xi32>
        %select_n3A_378 = arith.select %eq3A_22, %add3A_377, %and3A_375 : vector<16xi1>, vector<16xi32>
        %mul3A_379 = arith.constant 2 : i32
        %mul3A_380 = vector.broadcast %mul3A_379 : i32 to vector<16xi32>
        %mul3A_381 = arith.muli %select_n3A_378, %mul3A_380 : vector<16xi32>
        %gather3A_382 = tpu.vector_load_idx %arg6[%mul3A_381] : memref<32768xf32, #tpu.memory_space<vmem>>[vector<16xi32>], vector<16xf32>,
        %add3A_383 = arith.constant 1 : i32
        %add3A_384 = vector.broadcast %add3A_383 : i32 to vector<16xi32>
        %add3A_385 = arith.addi %mul3A_381, %add3A_384 : vector<16xi32>
        %gather3A_386 = tpu.vector_load_idx %arg6[%add3A_385] : memref<32768xf32, #tpu.memory_space<vmem>>[vector<16xi32>], vector<16xf32>,
        %mul3A_387 = arith.mulf %mul3A_284, %sub3A_281 : vector<16xf32>
        %mul3A_388 = arith.mulf %gather3A_382, %mul3A_387 : vector<16xf32>
        %add3A_389 = arith.addf %add3A_368, %mul3A_388 : vector<16xf32>
        %mul3A_390 = arith.mulf %gather3A_386, %mul3A_387 : vector<16xf32>
        %add3A_391 = arith.addf %add3A_370, %mul3A_390 : vector<16xf32>
        %xor3A_392 = arith.xori %add3A_266, %mul3A_267 : vector<16xi32>
        %xor3A_393 = arith.xori %xor3A_392, %add3A_272 : vector<16xi32>
        %and3A_394 = arith.constant 16383 : i32
        %and3A_395 = vector.broadcast %and3A_394 : i32 to vector<16xi32>
        %and3A_396 = arith.andi %xor3A_393, %and3A_395 : vector<16xi32>
        %add3A_397 = arith.addi %add3A_266, %mul3A_267 : vector<16xi32>
        %add3A_398 = arith.addi %add3A_397, %add3A_272 : vector<16xi32>
        %select_n3A_399 = arith.select %eq3A_22, %add3A_398, %and3A_396 : vector<16xi1>, vector<16xi32>
        %mul3A_400 = arith.constant 2 : i32
        %mul3A_401 = vector.broadcast %mul3A_400 : i32 to vector<16xi32>
        %mul3A_402 = arith.muli %select_n3A_399, %mul3A_401 : vector<16xi32>
        %gather3A_403 = tpu.vector_load_idx %arg6[%mul3A_402] : memref<32768xf32, #tpu.memory_space<vmem>>[vector<16xi32>], vector<16xf32>,
        %add3A_404 = arith.constant 1 : i32
        %add3A_405 = vector.broadcast %add3A_404 : i32 to vector<16xi32>
        %add3A_406 = arith.addi %mul3A_402, %add3A_405 : vector<16xi32>
        %gather3A_407 = tpu.vector_load_idx %arg6[%add3A_406] : memref<32768xf32, #tpu.memory_space<vmem>>[vector<16xi32>], vector<16xf32>,
        %mul3A_408 = arith.mulf %mul3A_284, %sub3A_263 : vector<16xf32>
        %mul3A_409 = arith.mulf %gather3A_403, %mul3A_408 : vector<16xf32>
        %add3A_410 = arith.addf %add3A_389, %mul3A_409 : vector<16xf32>
        %mul3A_411 = arith.mulf %gather3A_407, %mul3A_408 : vector<16xf32>
        %add3A_412 = arith.addf %add3A_391, %mul3A_411 : vector<16xf32>
        %xor3A_413 = arith.xori %add3A_266, %add3A_269 : vector<16xi32>
        %xor3A_414 = arith.xori %xor3A_413, %mul3A_270 : vector<16xi32>
        %and3A_415 = arith.constant 16383 : i32
        %and3A_416 = vector.broadcast %and3A_415 : i32 to vector<16xi32>
        %and3A_417 = arith.andi %xor3A_414, %and3A_416 : vector<16xi32>
        %add3A_418 = arith.addi %add3A_266, %add3A_269 : vector<16xi32>
        %add3A_419 = arith.addi %add3A_418, %mul3A_270 : vector<16xi32>
        %select_n3A_420 = arith.select %eq3A_22, %add3A_419, %and3A_417 : vector<16xi1>, vector<16xi32>
        %mul3A_421 = arith.constant 2 : i32
        %mul3A_422 = vector.broadcast %mul3A_421 : i32 to vector<16xi32>
        %mul3A_423 = arith.muli %select_n3A_420, %mul3A_422 : vector<16xi32>
        %gather3A_424 = tpu.vector_load_idx %arg6[%mul3A_423] : memref<32768xf32, #tpu.memory_space<vmem>>[vector<16xi32>], vector<16xf32>,
        %add3A_425 = arith.constant 1 : i32
        %add3A_426 = vector.broadcast %add3A_425 : i32 to vector<16xi32>
        %add3A_427 = arith.addi %mul3A_423, %add3A_426 : vector<16xi32>
        %gather3A_428 = tpu.vector_load_idx %arg6[%add3A_427] : memref<32768xf32, #tpu.memory_space<vmem>>[vector<16xi32>], vector<16xf32>,
        %mul3A_429 = arith.mulf %mul3A_285, %sub3A_281 : vector<16xf32>
        %mul3A_430 = arith.mulf %gather3A_424, %mul3A_429 : vector<16xf32>
        %add3A_431 = arith.addf %add3A_410, %mul3A_430 : vector<16xf32>
        %mul3A_432 = arith.mulf %gather3A_428, %mul3A_429 : vector<16xf32>
        %add3A_433 = arith.addf %add3A_412, %mul3A_432 : vector<16xf32>
        %xor3A_434 = arith.xori %add3A_266, %add3A_269 : vector<16xi32>
        %xor3A_435 = arith.xori %xor3A_434, %add3A_272 : vector<16xi32>
        %and3A_436 = arith.constant 16383 : i32
        %and3A_437 = vector.broadcast %and3A_436 : i32 to vector<16xi32>
        %and3A_438 = arith.andi %xor3A_435, %and3A_437 : vector<16xi32>
        %add3A_439 = arith.addi %add3A_266, %add3A_269 : vector<16xi32>
        %add3A_440 = arith.addi %add3A_439, %add3A_272 : vector<16xi32>
        %select_n3A_441 = arith.select %eq3A_22, %add3A_440, %and3A_438 : vector<16xi1>, vector<16xi32>
        %mul3A_442 = arith.constant 2 : i32
        %mul3A_443 = vector.broadcast %mul3A_442 : i32 to vector<16xi32>
        %mul3A_444 = arith.muli %select_n3A_441, %mul3A_443 : vector<16xi32>
        %gather3A_445 = tpu.vector_load_idx %arg6[%mul3A_444] : memref<32768xf32, #tpu.memory_space<vmem>>[vector<16xi32>], vector<16xf32>,
        %add3A_446 = arith.constant 1 : i32
        %add3A_447 = vector.broadcast %add3A_446 : i32 to vector<16xi32>
        %add3A_448 = arith.addi %mul3A_444, %add3A_447 : vector<16xi32>
        %gather3A_449 = tpu.vector_load_idx %arg6[%add3A_448] : memref<32768xf32, #tpu.memory_space<vmem>>[vector<16xi32>], vector<16xf32>,
        %mul3A_450 = arith.mulf %mul3A_285, %sub3A_263 : vector<16xf32>
        %mul3A_451 = arith.mulf %gather3A_445, %mul3A_450 : vector<16xf32>
        %add3A_452 = arith.addf %add3A_431, %mul3A_451 : vector<16xf32>
        %mul3A_453 = arith.mulf %gather3A_449, %mul3A_450 : vector<16xf32>
        %add3A_454 = arith.addf %add3A_433, %mul3A_453 : vector<16xf32>
        %swap3A = arith.constant 0 : i64
        %swap3A_455 = arith.constant 0 : i64
        %swap3A_456 = arith.index_cast %swap3A : i64 to index
        %swap3A_457 = arith.index_cast %swap3A_455 : i64 to index
        %swap3A_458 = arith.index_cast %mul3A_201 : i32 to index
        %swap3A_459 = tpu.vector_load %arg8[%swap3A_456, %swap3A_457, %swap3A_458] {strides = array<i32>} : memref<2x2x4096xf32, #tpu.memory_space<vmem>>, vector<16xf32>,
        tpu.vector_store %arg8[%swap3A_456, %swap3A_457, %swap3A_458], %add3A_452 {strides = array<i32>} : memref<2x2x4096xf32, #tpu.memory_space<vmem>>, vector<16xf32>,
        %swap3A_460 = arith.constant 0 : i64
        %swap3A_461 = arith.constant 1 : i64
        %swap3A_462 = arith.index_cast %swap3A_460 : i64 to index
        %swap3A_463 = arith.index_cast %swap3A_461 : i64 to index
        %swap3A_464 = arith.index_cast %mul3A_201 : i32 to index
        %swap3A_465 = tpu.vector_load %arg8[%swap3A_462, %swap3A_463, %swap3A_464] {strides = array<i32>} : memref<2x2x4096xf32, #tpu.memory_space<vmem>>, vector<16xf32>,
        tpu.vector_store %arg8[%swap3A_462, %swap3A_463, %swap3A_464], %add3A_454 {strides = array<i32>} : memref<2x2x4096xf32, #tpu.memory_space<vmem>>, vector<16xf32>,
      }
      %mul3A_124 = arith.constant 4096 : i32
      %mul3A_125 = arith.muli %add3A_87, %mul3A_124 : i32
      %add3A_126 = arith.addi %mul3A_23, %mul3A_125 : i32
      %mul3A_127 = arith.constant 2 : i32
      %mul3A_128 = arith.muli %mul3A_127, %arg1 : i32
      %dma_start3A_129 = arith.constant 0 : i32
      %dma_start3A_130 = arith.constant 0 : i32
      %dma_start3A_131 = arith.constant 0 : i32
      %dma_start3A_132 = tpu.memref_slice %arg8[%dma_start3A_129, %dma_start3A_130, %dma_start3A_131] : memref<2x2x4096xf32, #tpu.memory_space<vmem>> -> memref<1x2x4096xf32, #tpu.memory_space<vmem>>
      %dma_start3A_133 = tpu.memref_squeeze %dma_start3A_132 : memref<1x2x4096xf32, #tpu.memory_space<vmem>> -> memref<2x4096xf32, #tpu.memory_space<vmem>>
      %dma_start3A_134 = tpu.memref_slice %arg5[%mul3A_128, %add3A_126] : memref<32x262144xf32, #tpu.memory_space<hbm>> -> memref<2x4096xf32, #tpu.memory_space<hbm>>
      %dma_start3A_135 = tpu.memref_slice %arg5[%mul3A_128, %add3A_126] : memref<32x262144xf32, #tpu.memory_space<hbm>> -> memref<2x4096xf32, #tpu.memory_space<hbm>>
      %dma_start3A_136 = arith.constant 0 : i32
      %dma_start3A_137 = arith.constant 0 : i32
      %dma_start3A_138 = tpu.memref_slice %arg8[%dma_start3A_129, %dma_start3A_136, %dma_start3A_137] : memref<2x2x4096xf32, #tpu.memory_space<vmem>> -> memref<1x2x4096xf32, #tpu.memory_space<vmem>>
      %dma_start3A_139 = tpu.memref_squeeze %dma_start3A_138 : memref<1x2x4096xf32, #tpu.memory_space<vmem>> -> memref<2x4096xf32, #tpu.memory_space<vmem>>
      tpu.enqueue_dma source(%dma_start3A_139 : memref<2x4096xf32, #tpu.memory_space<vmem>>) target(%dma_start3A_135 : memref<2x4096xf32, #tpu.memory_space<hbm>>) target_semaphore(%arg12 : memref<!tpu.dma_semaphore, #tpu.memory_space<semaphore_mem>>)
      %mul3A_140 = arith.constant 2 : i32
      %mul3A_141 = arith.muli %while3A_83, %mul3A_140 : i32
      %add3A_142 = arith.constant 1 : i32
      %add3A_143 = arith.addi %mul3A_141, %add3A_142 : i32
      %mul3A_144 = arith.constant 4096 : i32
      %mul3A_145 = arith.muli %add3A_143, %mul3A_144 : i32
      %add3A_146 = arith.addi %mul3A_23, %mul3A_145 : i32
      %dma_wait3A_147 = arith.constant 1 : i32
      %dma_wait3A_148 = arith.constant 0 : i32
      %dma_wait3A_149 = arith.constant 0 : i32
      %dma_wait3A_150 = tpu.memref_slice %arg7[%dma_wait3A_147, %dma_wait3A_148, %dma_wait3A_149] : memref<2x3x4096xf32, #tpu.memory_space<vmem>> -> memref<1x3x4096xf32, #tpu.memory_space<vmem>>
      %dma_wait3A_151 = tpu.memref_squeeze %dma_wait3A_150 : memref<1x3x4096xf32, #tpu.memory_space<vmem>> -> memref<3x4096xf32, #tpu.memory_space<vmem>>
      %dma_wait3A_152 = arith.constant 0 : i32
      %dma_wait3A_153 = tpu.memref_slice %arg2[%dma_wait3A_152, %add3A_146] : memref<3x262144xf32, #tpu.memory_space<hbm>> -> memref<3x4096xf32, #tpu.memory_space<hbm>>
      %dma_wait3A_154 = arith.constant 0 : i32
      %dma_wait3A_155 = arith.constant 0 : i32
      %dma_wait3A_156 = tpu.memref_slice %arg7[%dma_wait3A_147, %dma_wait3A_154, %dma_wait3A_155] : memref<2x3x4096xf32, #tpu.memory_space<vmem>> -> memref<1x3x4096xf32, #tpu.memory_space<vmem>>
      %dma_wait3A_157 = tpu.memref_squeeze %dma_wait3A_156 : memref<1x3x4096xf32, #tpu.memory_space<vmem>> -> memref<3x4096xf32, #tpu.memory_space<vmem>>
      %dma_wait3A_158 = arith.constant 0 : i32
      %dma_wait3A_159 = tpu.memref_slice %arg2[%dma_wait3A_158, %add3A_146] : memref<3x262144xf32, #tpu.memory_space<hbm>> -> memref<3x4096xf32, #tpu.memory_space<hbm>>
      tpu.wait_dma2 semaphore(%arg11 : memref<!tpu.dma_semaphore, #tpu.memory_space<semaphore_mem>>) src(%dma_wait3A_159 : memref<3x4096xf32, #tpu.memory_space<hbm>>) dst(%dma_wait3A_157 : memref<3x4096xf32, #tpu.memory_space<vmem>>)
      %add3A_160 = arith.constant 1 : i32
      %add3A_161 = arith.addi %add3A_143, %add3A_160 : i32
      %lt3A_162 = arith.constant 32 : i32
      %lt3A_163 = arith.cmpi slt, %add3A_161, %lt3A_162 : i32
      %convert_element_type3A_164 = arith.extui %lt3A_163 : i1 to i32
      %cond3A_165 = arith.constant 0 : i32
      %cond3A_166 = arith.cmpi ne, %convert_element_type3A_164, %cond3A_165 : i32
      scf.if %cond3A_166 {
        %add3A_199 = arith.constant 1 : i32
        %add3A_200 = arith.addi %add3A_143, %add3A_199 : i32
        %mul3A_201 = arith.constant 4096 : i32
        %mul3A_202 = arith.muli %add3A_200, %mul3A_201 : i32
        %add3A_203 = arith.addi %mul3A_23, %mul3A_202 : i32
        %dma_start3A_204 = arith.constant 0 : i32
        %dma_start3A_205 = arith.constant 0 : i32
        %dma_start3A_206 = arith.constant 0 : i32
        %dma_start3A_207 = tpu.memref_slice %arg7[%dma_start3A_204, %dma_start3A_205, %dma_start3A_206] : memref<2x3x4096xf32, #tpu.memory_space<vmem>> -> memref<1x3x4096xf32, #tpu.memory_space<vmem>>
        %dma_start3A_208 = tpu.memref_squeeze %dma_start3A_207 : memref<1x3x4096xf32, #tpu.memory_space<vmem>> -> memref<3x4096xf32, #tpu.memory_space<vmem>>
        %dma_start3A_209 = arith.constant 0 : i32
        %dma_start3A_210 = tpu.memref_slice %arg2[%dma_start3A_209, %add3A_203] : memref<3x262144xf32, #tpu.memory_space<hbm>> -> memref<3x4096xf32, #tpu.memory_space<hbm>>
        %dma_start3A_211 = arith.constant 0 : i32
        %dma_start3A_212 = arith.constant 0 : i32
        %dma_start3A_213 = tpu.memref_slice %arg7[%dma_start3A_204, %dma_start3A_211, %dma_start3A_212] : memref<2x3x4096xf32, #tpu.memory_space<vmem>> -> memref<1x3x4096xf32, #tpu.memory_space<vmem>>
        %dma_start3A_214 = tpu.memref_squeeze %dma_start3A_213 : memref<1x3x4096xf32, #tpu.memory_space<vmem>> -> memref<3x4096xf32, #tpu.memory_space<vmem>>
        %dma_start3A_215 = arith.constant 0 : i32
        %dma_start3A_216 = tpu.memref_slice %arg2[%dma_start3A_215, %add3A_203] : memref<3x262144xf32, #tpu.memory_space<hbm>> -> memref<3x4096xf32, #tpu.memory_space<hbm>>
        tpu.enqueue_dma source(%dma_start3A_216 : memref<3x4096xf32, #tpu.memory_space<hbm>>) target(%dma_start3A_214 : memref<3x4096xf32, #tpu.memory_space<vmem>>) target_semaphore(%arg10 : memref<!tpu.dma_semaphore, #tpu.memory_space<semaphore_mem>>)
      } else {
      }
      %ge3A_167 = arith.constant 2 : i32
      %ge3A_168 = arith.cmpi sge, %add3A_143, %ge3A_167 : i32
      %convert_element_type3A_169 = arith.extui %ge3A_168 : i1 to i32
      %cond3A_170 = arith.constant 0 : i32
      %cond3A_171 = arith.cmpi ne, %convert_element_type3A_169, %cond3A_170 : i32
      scf.if %cond3A_171 {
        %sub3A = arith.constant 2 : i32
        %sub3A_199 = arith.subi %add3A_143, %sub3A : i32
        %mul3A_200 = arith.constant 4096 : i32
        %mul3A_201 = arith.muli %sub3A_199, %mul3A_200 : i32
        %add3A_202 = arith.addi %mul3A_23, %mul3A_201 : i32
        %mul3A_203 = arith.constant 2 : i32
        %mul3A_204 = arith.muli %mul3A_203, %arg1 : i32
        %dma_wait3A_205 = arith.constant 1 : i32
        %dma_wait3A_206 = arith.constant 0 : i32
        %dma_wait3A_207 = arith.constant 0 : i32
        %dma_wait3A_208 = tpu.memref_slice %arg8[%dma_wait3A_205, %dma_wait3A_206, %dma_wait3A_207] : memref<2x2x4096xf32, #tpu.memory_space<vmem>> -> memref<1x2x4096xf32, #tpu.memory_space<vmem>>
        %dma_wait3A_209 = tpu.memref_squeeze %dma_wait3A_208 : memref<1x2x4096xf32, #tpu.memory_space<vmem>> -> memref<2x4096xf32, #tpu.memory_space<vmem>>
        %dma_wait3A_210 = tpu.memref_slice %arg5[%mul3A_204, %add3A_202] : memref<32x262144xf32, #tpu.memory_space<hbm>> -> memref<2x4096xf32, #tpu.memory_space<hbm>>
        %dma_wait3A_211 = tpu.memref_slice %arg5[%mul3A_204, %add3A_202] : memref<32x262144xf32, #tpu.memory_space<hbm>> -> memref<2x4096xf32, #tpu.memory_space<hbm>>
        %dma_wait3A_212 = arith.constant 0 : i32
        %dma_wait3A_213 = arith.constant 0 : i32
        %dma_wait3A_214 = tpu.memref_slice %arg8[%dma_wait3A_205, %dma_wait3A_212, %dma_wait3A_213] : memref<2x2x4096xf32, #tpu.memory_space<vmem>> -> memref<1x2x4096xf32, #tpu.memory_space<vmem>>
        %dma_wait3A_215 = tpu.memref_squeeze %dma_wait3A_214 : memref<1x2x4096xf32, #tpu.memory_space<vmem>> -> memref<2x4096xf32, #tpu.memory_space<vmem>>
        tpu.wait_dma2 semaphore(%arg13 : memref<!tpu.dma_semaphore, #tpu.memory_space<semaphore_mem>>) src(%dma_wait3A_215 : memref<2x4096xf32, #tpu.memory_space<vmem>>) dst(%dma_wait3A_211 : memref<2x4096xf32, #tpu.memory_space<hbm>>)
      } else {
      }
      %while3A_172 = arith.constant 0 : i32
      %while3A_173 = arith.constant 0 : i32
      %while3A_174 = arith.constant 256 : i32
      %while3A_175 = arith.subi %while3A_174, %while3A_173 : i32
      %while3A_176 = arith.addi %while3A_173, %while3A_175 : i32
      %while3A_177 = arith.constant 1 : i32
      %while3A_178 = arith.divsi %while3A_175, %while3A_177 : i32
      %while3A_179 = arith.muli %while3A_178, %while3A_177 : i32
      %while3A_180 = arith.addi %while3A_173, %while3A_179 : i32
      %while3A_181 = arith.constant 1 : i32
      scf.for %while3A_199 = %while3A_173 to %while3A_180 step %while3A_181  : i32 {
        %mul3A_200 = arith.constant 16 : i32
        %mul3A_201 = arith.muli %while3A_199, %mul3A_200 : i32
        %get3A = arith.constant 1 : i64
        %get3A_202 = arith.constant 0 : i64
        %get3A_203 = arith.index_cast %get3A : i64 to index
        %get3A_204 = arith.index_cast %get3A_202 : i64 to index
        %get3A_205 = arith.index_cast %mul3A_201 : i32 to index
        %get3A_206 = tpu.vector_load %arg7[%get3A_203, %get3A_204, %get3A_205] {strides = array<i32>} : memref<2x3x4096xf32, #tpu.memory_space<vmem>>, vector<16xf32>,
        %mul3A_207 = arith.constant 1.000000e-01 : f32
        %mul3A_208 = vector.broadcast %mul3A_207 : f32 to vector<16xf32>
        %mul3A_209 = arith.mulf %get3A_206, %mul3A_208 : vector<16xf32>
        %add3A_210 = arith.constant 5.000000e-01 : f32
        %add3A_211 = vector.broadcast %add3A_210 : f32 to vector<16xf32>
        %add3A_212 = arith.addf %mul3A_209, %add3A_211 : vector<16xf32>
        %max3A = arith.constant 0.000000e+00 : f32
        %max3A_213 = vector.broadcast %max3A : f32 to vector<16xf32>
        %max3A_214 = arith.maximumf %add3A_212, %max3A_213 : vector<16xf32>
        %min3A = arith.constant 0.999998986 : f32
        %min3A_215 = vector.broadcast %min3A : f32 to vector<16xf32>
        %min3A_216 = arith.minimumf %max3A_214, %min3A_215 : vector<16xf32>
        %mul3A_217 = arith.mulf %min3A_216, %convert_element_type3A : vector<16xf32>
        %convert_element_type3A_218 = arith.fptosi %mul3A_217 : vector<16xf32> to vector<16xi32>
        %convert_element_type3A_219 = arith.sitofp %convert_element_type3A_218 : vector<16xi32> to vector<16xf32>
        %sub3A = arith.subf %mul3A_217, %convert_element_type3A_219 : vector<16xf32>
        %get3A_220 = arith.constant 1 : i64
        %get3A_221 = arith.constant 1 : i64
        %get3A_222 = arith.index_cast %get3A_220 : i64 to index
        %get3A_223 = arith.index_cast %get3A_221 : i64 to index
        %get3A_224 = arith.index_cast %mul3A_201 : i32 to index
        %get3A_225 = tpu.vector_load %arg7[%get3A_222, %get3A_223, %get3A_224] {strides = array<i32>} : memref<2x3x4096xf32, #tpu.memory_space<vmem>>, vector<16xf32>,
        %mul3A_226 = arith.constant 1.000000e-01 : f32
        %mul3A_227 = vector.broadcast %mul3A_226 : f32 to vector<16xf32>
        %mul3A_228 = arith.mulf %get3A_225, %mul3A_227 : vector<16xf32>
        %add3A_229 = arith.constant 5.000000e-01 : f32
        %add3A_230 = vector.broadcast %add3A_229 : f32 to vector<16xf32>
        %add3A_231 = arith.addf %mul3A_228, %add3A_230 : vector<16xf32>
        %max3A_232 = arith.constant 0.000000e+00 : f32
        %max3A_233 = vector.broadcast %max3A_232 : f32 to vector<16xf32>
        %max3A_234 = arith.maximumf %add3A_231, %max3A_233 : vector<16xf32>
        %min3A_235 = arith.constant 0.999998986 : f32
        %min3A_236 = vector.broadcast %min3A_235 : f32 to vector<16xf32>
        %min3A_237 = arith.minimumf %max3A_234, %min3A_236 : vector<16xf32>
        %mul3A_238 = arith.mulf %min3A_237, %convert_element_type3A : vector<16xf32>
        %convert_element_type3A_239 = arith.fptosi %mul3A_238 : vector<16xf32> to vector<16xi32>
        %convert_element_type3A_240 = arith.sitofp %convert_element_type3A_239 : vector<16xi32> to vector<16xf32>
        %sub3A_241 = arith.subf %mul3A_238, %convert_element_type3A_240 : vector<16xf32>
        %get3A_242 = arith.constant 1 : i64
        %get3A_243 = arith.constant 2 : i64
        %get3A_244 = arith.index_cast %get3A_242 : i64 to index
        %get3A_245 = arith.index_cast %get3A_243 : i64 to index
        %get3A_246 = arith.index_cast %mul3A_201 : i32 to index
        %get3A_247 = tpu.vector_load %arg7[%get3A_244, %get3A_245, %get3A_246] {strides = array<i32>} : memref<2x3x4096xf32, #tpu.memory_space<vmem>>, vector<16xf32>,
        %mul3A_248 = arith.constant 1.000000e-01 : f32
        %mul3A_249 = vector.broadcast %mul3A_248 : f32 to vector<16xf32>
        %mul3A_250 = arith.mulf %get3A_247, %mul3A_249 : vector<16xf32>
        %add3A_251 = arith.constant 5.000000e-01 : f32
        %add3A_252 = vector.broadcast %add3A_251 : f32 to vector<16xf32>
        %add3A_253 = arith.addf %mul3A_250, %add3A_252 : vector<16xf32>
        %max3A_254 = arith.constant 0.000000e+00 : f32
        %max3A_255 = vector.broadcast %max3A_254 : f32 to vector<16xf32>
        %max3A_256 = arith.maximumf %add3A_253, %max3A_255 : vector<16xf32>
        %min3A_257 = arith.constant 0.999998986 : f32
        %min3A_258 = vector.broadcast %min3A_257 : f32 to vector<16xf32>
        %min3A_259 = arith.minimumf %max3A_256, %min3A_258 : vector<16xf32>
        %mul3A_260 = arith.mulf %min3A_259, %convert_element_type3A : vector<16xf32>
        %convert_element_type3A_261 = arith.fptosi %mul3A_260 : vector<16xf32> to vector<16xi32>
        %convert_element_type3A_262 = arith.sitofp %convert_element_type3A_261 : vector<16xi32> to vector<16xf32>
        %sub3A_263 = arith.subf %mul3A_260, %convert_element_type3A_262 : vector<16xf32>
        %mul3A_264 = arith.muli %convert_element_type3A_218, %gather3A_8 : vector<16xi32>
        %mul3A_265 = arith.muli %convert_element_type3A_218, %gather3A_8 : vector<16xi32>
        %add3A_266 = arith.addi %mul3A_265, %gather3A_8 : vector<16xi32>
        %mul3A_267 = arith.muli %convert_element_type3A_239, %gather3A_12 : vector<16xi32>
        %mul3A_268 = arith.muli %convert_element_type3A_239, %gather3A_12 : vector<16xi32>
        %add3A_269 = arith.addi %mul3A_268, %gather3A_12 : vector<16xi32>
        %mul3A_270 = arith.muli %convert_element_type3A_261, %gather3A_16 : vector<16xi32>
        %mul3A_271 = arith.muli %convert_element_type3A_261, %gather3A_16 : vector<16xi32>
        %add3A_272 = arith.addi %mul3A_271, %gather3A_16 : vector<16xi32>
        %sub3A_273 = arith.constant 1.000000e+00 : f32
        %sub3A_274 = vector.broadcast %sub3A_273 : f32 to vector<16xf32>
        %sub3A_275 = arith.subf %sub3A_274, %sub3A : vector<16xf32>
        %sub3A_276 = arith.constant 1.000000e+00 : f32
        %sub3A_277 = vector.broadcast %sub3A_276 : f32 to vector<16xf32>
        %sub3A_278 = arith.subf %sub3A_277, %sub3A_241 : vector<16xf32>
        %sub3A_279 = arith.constant 1.000000e+00 : f32
        %sub3A_280 = vector.broadcast %sub3A_279 : f32 to vector<16xf32>
        %sub3A_281 = arith.subf %sub3A_280, %sub3A_263 : vector<16xf32>
        %mul3A_282 = arith.mulf %sub3A_275, %sub3A_278 : vector<16xf32>
        %mul3A_283 = arith.mulf %sub3A_275, %sub3A_241 : vector<16xf32>
        %mul3A_284 = arith.mulf %sub3A, %sub3A_278 : vector<16xf32>
        %mul3A_285 = arith.mulf %sub3A, %sub3A_241 : vector<16xf32>
        %broadcast_in_dim3A_286 = arith.constant 0.000000e+00 : f32
        %broadcast_in_dim3A_287 = vector.broadcast %broadcast_in_dim3A_286 : f32 to vector<16xf32>
        %broadcast_in_dim3A_288 = arith.constant 0.000000e+00 : f32
        %broadcast_in_dim3A_289 = vector.broadcast %broadcast_in_dim3A_288 : f32 to vector<16xf32>
        %xor3A = arith.xori %mul3A_264, %mul3A_267 : vector<16xi32>
        %xor3A_290 = arith.xori %xor3A, %mul3A_270 : vector<16xi32>
        %and3A = arith.constant 16383 : i32
        %and3A_291 = vector.broadcast %and3A : i32 to vector<16xi32>
        %and3A_292 = arith.andi %xor3A_290, %and3A_291 : vector<16xi32>
        %add3A_293 = arith.addi %mul3A_264, %mul3A_267 : vector<16xi32>
        %add3A_294 = arith.addi %add3A_293, %mul3A_270 : vector<16xi32>
        %select_n3A = arith.select %eq3A_22, %add3A_294, %and3A_292 : vector<16xi1>, vector<16xi32>
        %mul3A_295 = arith.constant 2 : i32
        %mul3A_296 = vector.broadcast %mul3A_295 : i32 to vector<16xi32>
        %mul3A_297 = arith.muli %select_n3A, %mul3A_296 : vector<16xi32>
        %gather3A_298 = tpu.vector_load_idx %arg6[%mul3A_297] : memref<32768xf32, #tpu.memory_space<vmem>>[vector<16xi32>], vector<16xf32>,
        %add3A_299 = arith.constant 1 : i32
        %add3A_300 = vector.broadcast %add3A_299 : i32 to vector<16xi32>
        %add3A_301 = arith.addi %mul3A_297, %add3A_300 : vector<16xi32>
        %gather3A_302 = tpu.vector_load_idx %arg6[%add3A_301] : memref<32768xf32, #tpu.memory_space<vmem>>[vector<16xi32>], vector<16xf32>,
        %mul3A_303 = arith.mulf %mul3A_282, %sub3A_281 : vector<16xf32>
        %mul3A_304 = arith.mulf %gather3A_298, %mul3A_303 : vector<16xf32>
        %add3A_305 = arith.addf %broadcast_in_dim3A_287, %mul3A_304 : vector<16xf32>
        %mul3A_306 = arith.mulf %gather3A_302, %mul3A_303 : vector<16xf32>
        %add3A_307 = arith.addf %broadcast_in_dim3A_289, %mul3A_306 : vector<16xf32>
        %xor3A_308 = arith.xori %mul3A_264, %mul3A_267 : vector<16xi32>
        %xor3A_309 = arith.xori %xor3A_308, %add3A_272 : vector<16xi32>
        %and3A_310 = arith.constant 16383 : i32
        %and3A_311 = vector.broadcast %and3A_310 : i32 to vector<16xi32>
        %and3A_312 = arith.andi %xor3A_309, %and3A_311 : vector<16xi32>
        %add3A_313 = arith.addi %mul3A_264, %mul3A_267 : vector<16xi32>
        %add3A_314 = arith.addi %add3A_313, %add3A_272 : vector<16xi32>
        %select_n3A_315 = arith.select %eq3A_22, %add3A_314, %and3A_312 : vector<16xi1>, vector<16xi32>
        %mul3A_316 = arith.constant 2 : i32
        %mul3A_317 = vector.broadcast %mul3A_316 : i32 to vector<16xi32>
        %mul3A_318 = arith.muli %select_n3A_315, %mul3A_317 : vector<16xi32>
        %gather3A_319 = tpu.vector_load_idx %arg6[%mul3A_318] : memref<32768xf32, #tpu.memory_space<vmem>>[vector<16xi32>], vector<16xf32>,
        %add3A_320 = arith.constant 1 : i32
        %add3A_321 = vector.broadcast %add3A_320 : i32 to vector<16xi32>
        %add3A_322 = arith.addi %mul3A_318, %add3A_321 : vector<16xi32>
        %gather3A_323 = tpu.vector_load_idx %arg6[%add3A_322] : memref<32768xf32, #tpu.memory_space<vmem>>[vector<16xi32>], vector<16xf32>,
        %mul3A_324 = arith.mulf %mul3A_282, %sub3A_263 : vector<16xf32>
        %mul3A_325 = arith.mulf %gather3A_319, %mul3A_324 : vector<16xf32>
        %add3A_326 = arith.addf %add3A_305, %mul3A_325 : vector<16xf32>
        %mul3A_327 = arith.mulf %gather3A_323, %mul3A_324 : vector<16xf32>
        %add3A_328 = arith.addf %add3A_307, %mul3A_327 : vector<16xf32>
        %xor3A_329 = arith.xori %mul3A_264, %add3A_269 : vector<16xi32>
        %xor3A_330 = arith.xori %xor3A_329, %mul3A_270 : vector<16xi32>
        %and3A_331 = arith.constant 16383 : i32
        %and3A_332 = vector.broadcast %and3A_331 : i32 to vector<16xi32>
        %and3A_333 = arith.andi %xor3A_330, %and3A_332 : vector<16xi32>
        %add3A_334 = arith.addi %mul3A_264, %add3A_269 : vector<16xi32>
        %add3A_335 = arith.addi %add3A_334, %mul3A_270 : vector<16xi32>
        %select_n3A_336 = arith.select %eq3A_22, %add3A_335, %and3A_333 : vector<16xi1>, vector<16xi32>
        %mul3A_337 = arith.constant 2 : i32
        %mul3A_338 = vector.broadcast %mul3A_337 : i32 to vector<16xi32>
        %mul3A_339 = arith.muli %select_n3A_336, %mul3A_338 : vector<16xi32>
        %gather3A_340 = tpu.vector_load_idx %arg6[%mul3A_339] : memref<32768xf32, #tpu.memory_space<vmem>>[vector<16xi32>], vector<16xf32>,
        %add3A_341 = arith.constant 1 : i32
        %add3A_342 = vector.broadcast %add3A_341 : i32 to vector<16xi32>
        %add3A_343 = arith.addi %mul3A_339, %add3A_342 : vector<16xi32>
        %gather3A_344 = tpu.vector_load_idx %arg6[%add3A_343] : memref<32768xf32, #tpu.memory_space<vmem>>[vector<16xi32>], vector<16xf32>,
        %mul3A_345 = arith.mulf %mul3A_283, %sub3A_281 : vector<16xf32>
        %mul3A_346 = arith.mulf %gather3A_340, %mul3A_345 : vector<16xf32>
        %add3A_347 = arith.addf %add3A_326, %mul3A_346 : vector<16xf32>
        %mul3A_348 = arith.mulf %gather3A_344, %mul3A_345 : vector<16xf32>
        %add3A_349 = arith.addf %add3A_328, %mul3A_348 : vector<16xf32>
        %xor3A_350 = arith.xori %mul3A_264, %add3A_269 : vector<16xi32>
        %xor3A_351 = arith.xori %xor3A_350, %add3A_272 : vector<16xi32>
        %and3A_352 = arith.constant 16383 : i32
        %and3A_353 = vector.broadcast %and3A_352 : i32 to vector<16xi32>
        %and3A_354 = arith.andi %xor3A_351, %and3A_353 : vector<16xi32>
        %add3A_355 = arith.addi %mul3A_264, %add3A_269 : vector<16xi32>
        %add3A_356 = arith.addi %add3A_355, %add3A_272 : vector<16xi32>
        %select_n3A_357 = arith.select %eq3A_22, %add3A_356, %and3A_354 : vector<16xi1>, vector<16xi32>
        %mul3A_358 = arith.constant 2 : i32
        %mul3A_359 = vector.broadcast %mul3A_358 : i32 to vector<16xi32>
        %mul3A_360 = arith.muli %select_n3A_357, %mul3A_359 : vector<16xi32>
        %gather3A_361 = tpu.vector_load_idx %arg6[%mul3A_360] : memref<32768xf32, #tpu.memory_space<vmem>>[vector<16xi32>], vector<16xf32>,
        %add3A_362 = arith.constant 1 : i32
        %add3A_363 = vector.broadcast %add3A_362 : i32 to vector<16xi32>
        %add3A_364 = arith.addi %mul3A_360, %add3A_363 : vector<16xi32>
        %gather3A_365 = tpu.vector_load_idx %arg6[%add3A_364] : memref<32768xf32, #tpu.memory_space<vmem>>[vector<16xi32>], vector<16xf32>,
        %mul3A_366 = arith.mulf %mul3A_283, %sub3A_263 : vector<16xf32>
        %mul3A_367 = arith.mulf %gather3A_361, %mul3A_366 : vector<16xf32>
        %add3A_368 = arith.addf %add3A_347, %mul3A_367 : vector<16xf32>
        %mul3A_369 = arith.mulf %gather3A_365, %mul3A_366 : vector<16xf32>
        %add3A_370 = arith.addf %add3A_349, %mul3A_369 : vector<16xf32>
        %xor3A_371 = arith.xori %add3A_266, %mul3A_267 : vector<16xi32>
        %xor3A_372 = arith.xori %xor3A_371, %mul3A_270 : vector<16xi32>
        %and3A_373 = arith.constant 16383 : i32
        %and3A_374 = vector.broadcast %and3A_373 : i32 to vector<16xi32>
        %and3A_375 = arith.andi %xor3A_372, %and3A_374 : vector<16xi32>
        %add3A_376 = arith.addi %add3A_266, %mul3A_267 : vector<16xi32>
        %add3A_377 = arith.addi %add3A_376, %mul3A_270 : vector<16xi32>
        %select_n3A_378 = arith.select %eq3A_22, %add3A_377, %and3A_375 : vector<16xi1>, vector<16xi32>
        %mul3A_379 = arith.constant 2 : i32
        %mul3A_380 = vector.broadcast %mul3A_379 : i32 to vector<16xi32>
        %mul3A_381 = arith.muli %select_n3A_378, %mul3A_380 : vector<16xi32>
        %gather3A_382 = tpu.vector_load_idx %arg6[%mul3A_381] : memref<32768xf32, #tpu.memory_space<vmem>>[vector<16xi32>], vector<16xf32>,
        %add3A_383 = arith.constant 1 : i32
        %add3A_384 = vector.broadcast %add3A_383 : i32 to vector<16xi32>
        %add3A_385 = arith.addi %mul3A_381, %add3A_384 : vector<16xi32>
        %gather3A_386 = tpu.vector_load_idx %arg6[%add3A_385] : memref<32768xf32, #tpu.memory_space<vmem>>[vector<16xi32>], vector<16xf32>,
        %mul3A_387 = arith.mulf %mul3A_284, %sub3A_281 : vector<16xf32>
        %mul3A_388 = arith.mulf %gather3A_382, %mul3A_387 : vector<16xf32>
        %add3A_389 = arith.addf %add3A_368, %mul3A_388 : vector<16xf32>
        %mul3A_390 = arith.mulf %gather3A_386, %mul3A_387 : vector<16xf32>
        %add3A_391 = arith.addf %add3A_370, %mul3A_390 : vector<16xf32>
        %xor3A_392 = arith.xori %add3A_266, %mul3A_267 : vector<16xi32>
        %xor3A_393 = arith.xori %xor3A_392, %add3A_272 : vector<16xi32>
        %and3A_394 = arith.constant 16383 : i32
        %and3A_395 = vector.broadcast %and3A_394 : i32 to vector<16xi32>
        %and3A_396 = arith.andi %xor3A_393, %and3A_395 : vector<16xi32>
        %add3A_397 = arith.addi %add3A_266, %mul3A_267 : vector<16xi32>
        %add3A_398 = arith.addi %add3A_397, %add3A_272 : vector<16xi32>
        %select_n3A_399 = arith.select %eq3A_22, %add3A_398, %and3A_396 : vector<16xi1>, vector<16xi32>
        %mul3A_400 = arith.constant 2 : i32
        %mul3A_401 = vector.broadcast %mul3A_400 : i32 to vector<16xi32>
        %mul3A_402 = arith.muli %select_n3A_399, %mul3A_401 : vector<16xi32>
        %gather3A_403 = tpu.vector_load_idx %arg6[%mul3A_402] : memref<32768xf32, #tpu.memory_space<vmem>>[vector<16xi32>], vector<16xf32>,
        %add3A_404 = arith.constant 1 : i32
        %add3A_405 = vector.broadcast %add3A_404 : i32 to vector<16xi32>
        %add3A_406 = arith.addi %mul3A_402, %add3A_405 : vector<16xi32>
        %gather3A_407 = tpu.vector_load_idx %arg6[%add3A_406] : memref<32768xf32, #tpu.memory_space<vmem>>[vector<16xi32>], vector<16xf32>,
        %mul3A_408 = arith.mulf %mul3A_284, %sub3A_263 : vector<16xf32>
        %mul3A_409 = arith.mulf %gather3A_403, %mul3A_408 : vector<16xf32>
        %add3A_410 = arith.addf %add3A_389, %mul3A_409 : vector<16xf32>
        %mul3A_411 = arith.mulf %gather3A_407, %mul3A_408 : vector<16xf32>
        %add3A_412 = arith.addf %add3A_391, %mul3A_411 : vector<16xf32>
        %xor3A_413 = arith.xori %add3A_266, %add3A_269 : vector<16xi32>
        %xor3A_414 = arith.xori %xor3A_413, %mul3A_270 : vector<16xi32>
        %and3A_415 = arith.constant 16383 : i32
        %and3A_416 = vector.broadcast %and3A_415 : i32 to vector<16xi32>
        %and3A_417 = arith.andi %xor3A_414, %and3A_416 : vector<16xi32>
        %add3A_418 = arith.addi %add3A_266, %add3A_269 : vector<16xi32>
        %add3A_419 = arith.addi %add3A_418, %mul3A_270 : vector<16xi32>
        %select_n3A_420 = arith.select %eq3A_22, %add3A_419, %and3A_417 : vector<16xi1>, vector<16xi32>
        %mul3A_421 = arith.constant 2 : i32
        %mul3A_422 = vector.broadcast %mul3A_421 : i32 to vector<16xi32>
        %mul3A_423 = arith.muli %select_n3A_420, %mul3A_422 : vector<16xi32>
        %gather3A_424 = tpu.vector_load_idx %arg6[%mul3A_423] : memref<32768xf32, #tpu.memory_space<vmem>>[vector<16xi32>], vector<16xf32>,
        %add3A_425 = arith.constant 1 : i32
        %add3A_426 = vector.broadcast %add3A_425 : i32 to vector<16xi32>
        %add3A_427 = arith.addi %mul3A_423, %add3A_426 : vector<16xi32>
        %gather3A_428 = tpu.vector_load_idx %arg6[%add3A_427] : memref<32768xf32, #tpu.memory_space<vmem>>[vector<16xi32>], vector<16xf32>,
        %mul3A_429 = arith.mulf %mul3A_285, %sub3A_281 : vector<16xf32>
        %mul3A_430 = arith.mulf %gather3A_424, %mul3A_429 : vector<16xf32>
        %add3A_431 = arith.addf %add3A_410, %mul3A_430 : vector<16xf32>
        %mul3A_432 = arith.mulf %gather3A_428, %mul3A_429 : vector<16xf32>
        %add3A_433 = arith.addf %add3A_412, %mul3A_432 : vector<16xf32>
        %xor3A_434 = arith.xori %add3A_266, %add3A_269 : vector<16xi32>
        %xor3A_435 = arith.xori %xor3A_434, %add3A_272 : vector<16xi32>
        %and3A_436 = arith.constant 16383 : i32
        %and3A_437 = vector.broadcast %and3A_436 : i32 to vector<16xi32>
        %and3A_438 = arith.andi %xor3A_435, %and3A_437 : vector<16xi32>
        %add3A_439 = arith.addi %add3A_266, %add3A_269 : vector<16xi32>
        %add3A_440 = arith.addi %add3A_439, %add3A_272 : vector<16xi32>
        %select_n3A_441 = arith.select %eq3A_22, %add3A_440, %and3A_438 : vector<16xi1>, vector<16xi32>
        %mul3A_442 = arith.constant 2 : i32
        %mul3A_443 = vector.broadcast %mul3A_442 : i32 to vector<16xi32>
        %mul3A_444 = arith.muli %select_n3A_441, %mul3A_443 : vector<16xi32>
        %gather3A_445 = tpu.vector_load_idx %arg6[%mul3A_444] : memref<32768xf32, #tpu.memory_space<vmem>>[vector<16xi32>], vector<16xf32>,
        %add3A_446 = arith.constant 1 : i32
        %add3A_447 = vector.broadcast %add3A_446 : i32 to vector<16xi32>
        %add3A_448 = arith.addi %mul3A_444, %add3A_447 : vector<16xi32>
        %gather3A_449 = tpu.vector_load_idx %arg6[%add3A_448] : memref<32768xf32, #tpu.memory_space<vmem>>[vector<16xi32>], vector<16xf32>,
        %mul3A_450 = arith.mulf %mul3A_285, %sub3A_263 : vector<16xf32>
        %mul3A_451 = arith.mulf %gather3A_445, %mul3A_450 : vector<16xf32>
        %add3A_452 = arith.addf %add3A_431, %mul3A_451 : vector<16xf32>
        %mul3A_453 = arith.mulf %gather3A_449, %mul3A_450 : vector<16xf32>
        %add3A_454 = arith.addf %add3A_433, %mul3A_453 : vector<16xf32>
        %swap3A = arith.constant 1 : i64
        %swap3A_455 = arith.constant 0 : i64
        %swap3A_456 = arith.index_cast %swap3A : i64 to index
        %swap3A_457 = arith.index_cast %swap3A_455 : i64 to index
        %swap3A_458 = arith.index_cast %mul3A_201 : i32 to index
        %swap3A_459 = tpu.vector_load %arg8[%swap3A_456, %swap3A_457, %swap3A_458] {strides = array<i32>} : memref<2x2x4096xf32, #tpu.memory_space<vmem>>, vector<16xf32>,
        tpu.vector_store %arg8[%swap3A_456, %swap3A_457, %swap3A_458], %add3A_452 {strides = array<i32>} : memref<2x2x4096xf32, #tpu.memory_space<vmem>>, vector<16xf32>,
        %swap3A_460 = arith.constant 1 : i64
        %swap3A_461 = arith.constant 1 : i64
        %swap3A_462 = arith.index_cast %swap3A_460 : i64 to index
        %swap3A_463 = arith.index_cast %swap3A_461 : i64 to index
        %swap3A_464 = arith.index_cast %mul3A_201 : i32 to index
        %swap3A_465 = tpu.vector_load %arg8[%swap3A_462, %swap3A_463, %swap3A_464] {strides = array<i32>} : memref<2x2x4096xf32, #tpu.memory_space<vmem>>, vector<16xf32>,
        tpu.vector_store %arg8[%swap3A_462, %swap3A_463, %swap3A_464], %add3A_454 {strides = array<i32>} : memref<2x2x4096xf32, #tpu.memory_space<vmem>>, vector<16xf32>,
      }
      %while3A_182 = arith.constant 1 : i32
      scf.for %while3A_199 = %while3A_180 to %while3A_176 step %while3A_182  : i32 {
        %mul3A_200 = arith.constant 16 : i32
        %mul3A_201 = arith.muli %while3A_199, %mul3A_200 : i32
        %get3A = arith.constant 1 : i64
        %get3A_202 = arith.constant 0 : i64
        %get3A_203 = arith.index_cast %get3A : i64 to index
        %get3A_204 = arith.index_cast %get3A_202 : i64 to index
        %get3A_205 = arith.index_cast %mul3A_201 : i32 to index
        %get3A_206 = tpu.vector_load %arg7[%get3A_203, %get3A_204, %get3A_205] {strides = array<i32>} : memref<2x3x4096xf32, #tpu.memory_space<vmem>>, vector<16xf32>,
        %mul3A_207 = arith.constant 1.000000e-01 : f32
        %mul3A_208 = vector.broadcast %mul3A_207 : f32 to vector<16xf32>
        %mul3A_209 = arith.mulf %get3A_206, %mul3A_208 : vector<16xf32>
        %add3A_210 = arith.constant 5.000000e-01 : f32
        %add3A_211 = vector.broadcast %add3A_210 : f32 to vector<16xf32>
        %add3A_212 = arith.addf %mul3A_209, %add3A_211 : vector<16xf32>
        %max3A = arith.constant 0.000000e+00 : f32
        %max3A_213 = vector.broadcast %max3A : f32 to vector<16xf32>
        %max3A_214 = arith.maximumf %add3A_212, %max3A_213 : vector<16xf32>
        %min3A = arith.constant 0.999998986 : f32
        %min3A_215 = vector.broadcast %min3A : f32 to vector<16xf32>
        %min3A_216 = arith.minimumf %max3A_214, %min3A_215 : vector<16xf32>
        %mul3A_217 = arith.mulf %min3A_216, %convert_element_type3A : vector<16xf32>
        %convert_element_type3A_218 = arith.fptosi %mul3A_217 : vector<16xf32> to vector<16xi32>
        %convert_element_type3A_219 = arith.sitofp %convert_element_type3A_218 : vector<16xi32> to vector<16xf32>
        %sub3A = arith.subf %mul3A_217, %convert_element_type3A_219 : vector<16xf32>
        %get3A_220 = arith.constant 1 : i64
        %get3A_221 = arith.constant 1 : i64
        %get3A_222 = arith.index_cast %get3A_220 : i64 to index
        %get3A_223 = arith.index_cast %get3A_221 : i64 to index
        %get3A_224 = arith.index_cast %mul3A_201 : i32 to index
        %get3A_225 = tpu.vector_load %arg7[%get3A_222, %get3A_223, %get3A_224] {strides = array<i32>} : memref<2x3x4096xf32, #tpu.memory_space<vmem>>, vector<16xf32>,
        %mul3A_226 = arith.constant 1.000000e-01 : f32
        %mul3A_227 = vector.broadcast %mul3A_226 : f32 to vector<16xf32>
        %mul3A_228 = arith.mulf %get3A_225, %mul3A_227 : vector<16xf32>
        %add3A_229 = arith.constant 5.000000e-01 : f32
        %add3A_230 = vector.broadcast %add3A_229 : f32 to vector<16xf32>
        %add3A_231 = arith.addf %mul3A_228, %add3A_230 : vector<16xf32>
        %max3A_232 = arith.constant 0.000000e+00 : f32
        %max3A_233 = vector.broadcast %max3A_232 : f32 to vector<16xf32>
        %max3A_234 = arith.maximumf %add3A_231, %max3A_233 : vector<16xf32>
        %min3A_235 = arith.constant 0.999998986 : f32
        %min3A_236 = vector.broadcast %min3A_235 : f32 to vector<16xf32>
        %min3A_237 = arith.minimumf %max3A_234, %min3A_236 : vector<16xf32>
        %mul3A_238 = arith.mulf %min3A_237, %convert_element_type3A : vector<16xf32>
        %convert_element_type3A_239 = arith.fptosi %mul3A_238 : vector<16xf32> to vector<16xi32>
        %convert_element_type3A_240 = arith.sitofp %convert_element_type3A_239 : vector<16xi32> to vector<16xf32>
        %sub3A_241 = arith.subf %mul3A_238, %convert_element_type3A_240 : vector<16xf32>
        %get3A_242 = arith.constant 1 : i64
        %get3A_243 = arith.constant 2 : i64
        %get3A_244 = arith.index_cast %get3A_242 : i64 to index
        %get3A_245 = arith.index_cast %get3A_243 : i64 to index
        %get3A_246 = arith.index_cast %mul3A_201 : i32 to index
        %get3A_247 = tpu.vector_load %arg7[%get3A_244, %get3A_245, %get3A_246] {strides = array<i32>} : memref<2x3x4096xf32, #tpu.memory_space<vmem>>, vector<16xf32>,
        %mul3A_248 = arith.constant 1.000000e-01 : f32
        %mul3A_249 = vector.broadcast %mul3A_248 : f32 to vector<16xf32>
        %mul3A_250 = arith.mulf %get3A_247, %mul3A_249 : vector<16xf32>
        %add3A_251 = arith.constant 5.000000e-01 : f32
        %add3A_252 = vector.broadcast %add3A_251 : f32 to vector<16xf32>
        %add3A_253 = arith.addf %mul3A_250, %add3A_252 : vector<16xf32>
        %max3A_254 = arith.constant 0.000000e+00 : f32
        %max3A_255 = vector.broadcast %max3A_254 : f32 to vector<16xf32>
        %max3A_256 = arith.maximumf %add3A_253, %max3A_255 : vector<16xf32>
        %min3A_257 = arith.constant 0.999998986 : f32
        %min3A_258 = vector.broadcast %min3A_257 : f32 to vector<16xf32>
        %min3A_259 = arith.minimumf %max3A_256, %min3A_258 : vector<16xf32>
        %mul3A_260 = arith.mulf %min3A_259, %convert_element_type3A : vector<16xf32>
        %convert_element_type3A_261 = arith.fptosi %mul3A_260 : vector<16xf32> to vector<16xi32>
        %convert_element_type3A_262 = arith.sitofp %convert_element_type3A_261 : vector<16xi32> to vector<16xf32>
        %sub3A_263 = arith.subf %mul3A_260, %convert_element_type3A_262 : vector<16xf32>
        %mul3A_264 = arith.muli %convert_element_type3A_218, %gather3A_8 : vector<16xi32>
        %mul3A_265 = arith.muli %convert_element_type3A_218, %gather3A_8 : vector<16xi32>
        %add3A_266 = arith.addi %mul3A_265, %gather3A_8 : vector<16xi32>
        %mul3A_267 = arith.muli %convert_element_type3A_239, %gather3A_12 : vector<16xi32>
        %mul3A_268 = arith.muli %convert_element_type3A_239, %gather3A_12 : vector<16xi32>
        %add3A_269 = arith.addi %mul3A_268, %gather3A_12 : vector<16xi32>
        %mul3A_270 = arith.muli %convert_element_type3A_261, %gather3A_16 : vector<16xi32>
        %mul3A_271 = arith.muli %convert_element_type3A_261, %gather3A_16 : vector<16xi32>
        %add3A_272 = arith.addi %mul3A_271, %gather3A_16 : vector<16xi32>
        %sub3A_273 = arith.constant 1.000000e+00 : f32
        %sub3A_274 = vector.broadcast %sub3A_273 : f32 to vector<16xf32>
        %sub3A_275 = arith.subf %sub3A_274, %sub3A : vector<16xf32>
        %sub3A_276 = arith.constant 1.000000e+00 : f32
        %sub3A_277 = vector.broadcast %sub3A_276 : f32 to vector<16xf32>
        %sub3A_278 = arith.subf %sub3A_277, %sub3A_241 : vector<16xf32>
        %sub3A_279 = arith.constant 1.000000e+00 : f32
        %sub3A_280 = vector.broadcast %sub3A_279 : f32 to vector<16xf32>
        %sub3A_281 = arith.subf %sub3A_280, %sub3A_263 : vector<16xf32>
        %mul3A_282 = arith.mulf %sub3A_275, %sub3A_278 : vector<16xf32>
        %mul3A_283 = arith.mulf %sub3A_275, %sub3A_241 : vector<16xf32>
        %mul3A_284 = arith.mulf %sub3A, %sub3A_278 : vector<16xf32>
        %mul3A_285 = arith.mulf %sub3A, %sub3A_241 : vector<16xf32>
        %broadcast_in_dim3A_286 = arith.constant 0.000000e+00 : f32
        %broadcast_in_dim3A_287 = vector.broadcast %broadcast_in_dim3A_286 : f32 to vector<16xf32>
        %broadcast_in_dim3A_288 = arith.constant 0.000000e+00 : f32
        %broadcast_in_dim3A_289 = vector.broadcast %broadcast_in_dim3A_288 : f32 to vector<16xf32>
        %xor3A = arith.xori %mul3A_264, %mul3A_267 : vector<16xi32>
        %xor3A_290 = arith.xori %xor3A, %mul3A_270 : vector<16xi32>
        %and3A = arith.constant 16383 : i32
        %and3A_291 = vector.broadcast %and3A : i32 to vector<16xi32>
        %and3A_292 = arith.andi %xor3A_290, %and3A_291 : vector<16xi32>
        %add3A_293 = arith.addi %mul3A_264, %mul3A_267 : vector<16xi32>
        %add3A_294 = arith.addi %add3A_293, %mul3A_270 : vector<16xi32>
        %select_n3A = arith.select %eq3A_22, %add3A_294, %and3A_292 : vector<16xi1>, vector<16xi32>
        %mul3A_295 = arith.constant 2 : i32
        %mul3A_296 = vector.broadcast %mul3A_295 : i32 to vector<16xi32>
        %mul3A_297 = arith.muli %select_n3A, %mul3A_296 : vector<16xi32>
        %gather3A_298 = tpu.vector_load_idx %arg6[%mul3A_297] : memref<32768xf32, #tpu.memory_space<vmem>>[vector<16xi32>], vector<16xf32>,
        %add3A_299 = arith.constant 1 : i32
        %add3A_300 = vector.broadcast %add3A_299 : i32 to vector<16xi32>
        %add3A_301 = arith.addi %mul3A_297, %add3A_300 : vector<16xi32>
        %gather3A_302 = tpu.vector_load_idx %arg6[%add3A_301] : memref<32768xf32, #tpu.memory_space<vmem>>[vector<16xi32>], vector<16xf32>,
        %mul3A_303 = arith.mulf %mul3A_282, %sub3A_281 : vector<16xf32>
        %mul3A_304 = arith.mulf %gather3A_298, %mul3A_303 : vector<16xf32>
        %add3A_305 = arith.addf %broadcast_in_dim3A_287, %mul3A_304 : vector<16xf32>
        %mul3A_306 = arith.mulf %gather3A_302, %mul3A_303 : vector<16xf32>
        %add3A_307 = arith.addf %broadcast_in_dim3A_289, %mul3A_306 : vector<16xf32>
        %xor3A_308 = arith.xori %mul3A_264, %mul3A_267 : vector<16xi32>
        %xor3A_309 = arith.xori %xor3A_308, %add3A_272 : vector<16xi32>
        %and3A_310 = arith.constant 16383 : i32
        %and3A_311 = vector.broadcast %and3A_310 : i32 to vector<16xi32>
        %and3A_312 = arith.andi %xor3A_309, %and3A_311 : vector<16xi32>
        %add3A_313 = arith.addi %mul3A_264, %mul3A_267 : vector<16xi32>
        %add3A_314 = arith.addi %add3A_313, %add3A_272 : vector<16xi32>
        %select_n3A_315 = arith.select %eq3A_22, %add3A_314, %and3A_312 : vector<16xi1>, vector<16xi32>
        %mul3A_316 = arith.constant 2 : i32
        %mul3A_317 = vector.broadcast %mul3A_316 : i32 to vector<16xi32>
        %mul3A_318 = arith.muli %select_n3A_315, %mul3A_317 : vector<16xi32>
        %gather3A_319 = tpu.vector_load_idx %arg6[%mul3A_318] : memref<32768xf32, #tpu.memory_space<vmem>>[vector<16xi32>], vector<16xf32>,
        %add3A_320 = arith.constant 1 : i32
        %add3A_321 = vector.broadcast %add3A_320 : i32 to vector<16xi32>
        %add3A_322 = arith.addi %mul3A_318, %add3A_321 : vector<16xi32>
        %gather3A_323 = tpu.vector_load_idx %arg6[%add3A_322] : memref<32768xf32, #tpu.memory_space<vmem>>[vector<16xi32>], vector<16xf32>,
        %mul3A_324 = arith.mulf %mul3A_282, %sub3A_263 : vector<16xf32>
        %mul3A_325 = arith.mulf %gather3A_319, %mul3A_324 : vector<16xf32>
        %add3A_326 = arith.addf %add3A_305, %mul3A_325 : vector<16xf32>
        %mul3A_327 = arith.mulf %gather3A_323, %mul3A_324 : vector<16xf32>
        %add3A_328 = arith.addf %add3A_307, %mul3A_327 : vector<16xf32>
        %xor3A_329 = arith.xori %mul3A_264, %add3A_269 : vector<16xi32>
        %xor3A_330 = arith.xori %xor3A_329, %mul3A_270 : vector<16xi32>
        %and3A_331 = arith.constant 16383 : i32
        %and3A_332 = vector.broadcast %and3A_331 : i32 to vector<16xi32>
        %and3A_333 = arith.andi %xor3A_330, %and3A_332 : vector<16xi32>
        %add3A_334 = arith.addi %mul3A_264, %add3A_269 : vector<16xi32>
        %add3A_335 = arith.addi %add3A_334, %mul3A_270 : vector<16xi32>
        %select_n3A_336 = arith.select %eq3A_22, %add3A_335, %and3A_333 : vector<16xi1>, vector<16xi32>
        %mul3A_337 = arith.constant 2 : i32
        %mul3A_338 = vector.broadcast %mul3A_337 : i32 to vector<16xi32>
        %mul3A_339 = arith.muli %select_n3A_336, %mul3A_338 : vector<16xi32>
        %gather3A_340 = tpu.vector_load_idx %arg6[%mul3A_339] : memref<32768xf32, #tpu.memory_space<vmem>>[vector<16xi32>], vector<16xf32>,
        %add3A_341 = arith.constant 1 : i32
        %add3A_342 = vector.broadcast %add3A_341 : i32 to vector<16xi32>
        %add3A_343 = arith.addi %mul3A_339, %add3A_342 : vector<16xi32>
        %gather3A_344 = tpu.vector_load_idx %arg6[%add3A_343] : memref<32768xf32, #tpu.memory_space<vmem>>[vector<16xi32>], vector<16xf32>,
        %mul3A_345 = arith.mulf %mul3A_283, %sub3A_281 : vector<16xf32>
        %mul3A_346 = arith.mulf %gather3A_340, %mul3A_345 : vector<16xf32>
        %add3A_347 = arith.addf %add3A_326, %mul3A_346 : vector<16xf32>
        %mul3A_348 = arith.mulf %gather3A_344, %mul3A_345 : vector<16xf32>
        %add3A_349 = arith.addf %add3A_328, %mul3A_348 : vector<16xf32>
        %xor3A_350 = arith.xori %mul3A_264, %add3A_269 : vector<16xi32>
        %xor3A_351 = arith.xori %xor3A_350, %add3A_272 : vector<16xi32>
        %and3A_352 = arith.constant 16383 : i32
        %and3A_353 = vector.broadcast %and3A_352 : i32 to vector<16xi32>
        %and3A_354 = arith.andi %xor3A_351, %and3A_353 : vector<16xi32>
        %add3A_355 = arith.addi %mul3A_264, %add3A_269 : vector<16xi32>
        %add3A_356 = arith.addi %add3A_355, %add3A_272 : vector<16xi32>
        %select_n3A_357 = arith.select %eq3A_22, %add3A_356, %and3A_354 : vector<16xi1>, vector<16xi32>
        %mul3A_358 = arith.constant 2 : i32
        %mul3A_359 = vector.broadcast %mul3A_358 : i32 to vector<16xi32>
        %mul3A_360 = arith.muli %select_n3A_357, %mul3A_359 : vector<16xi32>
        %gather3A_361 = tpu.vector_load_idx %arg6[%mul3A_360] : memref<32768xf32, #tpu.memory_space<vmem>>[vector<16xi32>], vector<16xf32>,
        %add3A_362 = arith.constant 1 : i32
        %add3A_363 = vector.broadcast %add3A_362 : i32 to vector<16xi32>
        %add3A_364 = arith.addi %mul3A_360, %add3A_363 : vector<16xi32>
        %gather3A_365 = tpu.vector_load_idx %arg6[%add3A_364] : memref<32768xf32, #tpu.memory_space<vmem>>[vector<16xi32>], vector<16xf32>,
        %mul3A_366 = arith.mulf %mul3A_283, %sub3A_263 : vector<16xf32>
        %mul3A_367 = arith.mulf %gather3A_361, %mul3A_366 : vector<16xf32>
        %add3A_368 = arith.addf %add3A_347, %mul3A_367 : vector<16xf32>
        %mul3A_369 = arith.mulf %gather3A_365, %mul3A_366 : vector<16xf32>
        %add3A_370 = arith.addf %add3A_349, %mul3A_369 : vector<16xf32>
        %xor3A_371 = arith.xori %add3A_266, %mul3A_267 : vector<16xi32>
        %xor3A_372 = arith.xori %xor3A_371, %mul3A_270 : vector<16xi32>
        %and3A_373 = arith.constant 16383 : i32
        %and3A_374 = vector.broadcast %and3A_373 : i32 to vector<16xi32>
        %and3A_375 = arith.andi %xor3A_372, %and3A_374 : vector<16xi32>
        %add3A_376 = arith.addi %add3A_266, %mul3A_267 : vector<16xi32>
        %add3A_377 = arith.addi %add3A_376, %mul3A_270 : vector<16xi32>
        %select_n3A_378 = arith.select %eq3A_22, %add3A_377, %and3A_375 : vector<16xi1>, vector<16xi32>
        %mul3A_379 = arith.constant 2 : i32
        %mul3A_380 = vector.broadcast %mul3A_379 : i32 to vector<16xi32>
        %mul3A_381 = arith.muli %select_n3A_378, %mul3A_380 : vector<16xi32>
        %gather3A_382 = tpu.vector_load_idx %arg6[%mul3A_381] : memref<32768xf32, #tpu.memory_space<vmem>>[vector<16xi32>], vector<16xf32>,
        %add3A_383 = arith.constant 1 : i32
        %add3A_384 = vector.broadcast %add3A_383 : i32 to vector<16xi32>
        %add3A_385 = arith.addi %mul3A_381, %add3A_384 : vector<16xi32>
        %gather3A_386 = tpu.vector_load_idx %arg6[%add3A_385] : memref<32768xf32, #tpu.memory_space<vmem>>[vector<16xi32>], vector<16xf32>,
        %mul3A_387 = arith.mulf %mul3A_284, %sub3A_281 : vector<16xf32>
        %mul3A_388 = arith.mulf %gather3A_382, %mul3A_387 : vector<16xf32>
        %add3A_389 = arith.addf %add3A_368, %mul3A_388 : vector<16xf32>
        %mul3A_390 = arith.mulf %gather3A_386, %mul3A_387 : vector<16xf32>
        %add3A_391 = arith.addf %add3A_370, %mul3A_390 : vector<16xf32>
        %xor3A_392 = arith.xori %add3A_266, %mul3A_267 : vector<16xi32>
        %xor3A_393 = arith.xori %xor3A_392, %add3A_272 : vector<16xi32>
        %and3A_394 = arith.constant 16383 : i32
        %and3A_395 = vector.broadcast %and3A_394 : i32 to vector<16xi32>
        %and3A_396 = arith.andi %xor3A_393, %and3A_395 : vector<16xi32>
        %add3A_397 = arith.addi %add3A_266, %mul3A_267 : vector<16xi32>
        %add3A_398 = arith.addi %add3A_397, %add3A_272 : vector<16xi32>
        %select_n3A_399 = arith.select %eq3A_22, %add3A_398, %and3A_396 : vector<16xi1>, vector<16xi32>
        %mul3A_400 = arith.constant 2 : i32
        %mul3A_401 = vector.broadcast %mul3A_400 : i32 to vector<16xi32>
        %mul3A_402 = arith.muli %select_n3A_399, %mul3A_401 : vector<16xi32>
        %gather3A_403 = tpu.vector_load_idx %arg6[%mul3A_402] : memref<32768xf32, #tpu.memory_space<vmem>>[vector<16xi32>], vector<16xf32>,
        %add3A_404 = arith.constant 1 : i32
        %add3A_405 = vector.broadcast %add3A_404 : i32 to vector<16xi32>
        %add3A_406 = arith.addi %mul3A_402, %add3A_405 : vector<16xi32>
        %gather3A_407 = tpu.vector_load_idx %arg6[%add3A_406] : memref<32768xf32, #tpu.memory_space<vmem>>[vector<16xi32>], vector<16xf32>,
        %mul3A_408 = arith.mulf %mul3A_284, %sub3A_263 : vector<16xf32>
        %mul3A_409 = arith.mulf %gather3A_403, %mul3A_408 : vector<16xf32>
        %add3A_410 = arith.addf %add3A_389, %mul3A_409 : vector<16xf32>
        %mul3A_411 = arith.mulf %gather3A_407, %mul3A_408 : vector<16xf32>
        %add3A_412 = arith.addf %add3A_391, %mul3A_411 : vector<16xf32>
        %xor3A_413 = arith.xori %add3A_266, %add3A_269 : vector<16xi32>
        %xor3A_414 = arith.xori %xor3A_413, %mul3A_270 : vector<16xi32>
        %and3A_415 = arith.constant 16383 : i32
        %and3A_416 = vector.broadcast %and3A_415 : i32 to vector<16xi32>
        %and3A_417 = arith.andi %xor3A_414, %and3A_416 : vector<16xi32>
        %add3A_418 = arith.addi %add3A_266, %add3A_269 : vector<16xi32>
        %add3A_419 = arith.addi %add3A_418, %mul3A_270 : vector<16xi32>
        %select_n3A_420 = arith.select %eq3A_22, %add3A_419, %and3A_417 : vector<16xi1>, vector<16xi32>
        %mul3A_421 = arith.constant 2 : i32
        %mul3A_422 = vector.broadcast %mul3A_421 : i32 to vector<16xi32>
        %mul3A_423 = arith.muli %select_n3A_420, %mul3A_422 : vector<16xi32>
        %gather3A_424 = tpu.vector_load_idx %arg6[%mul3A_423] : memref<32768xf32, #tpu.memory_space<vmem>>[vector<16xi32>], vector<16xf32>,
        %add3A_425 = arith.constant 1 : i32
        %add3A_426 = vector.broadcast %add3A_425 : i32 to vector<16xi32>
        %add3A_427 = arith.addi %mul3A_423, %add3A_426 : vector<16xi32>
        %gather3A_428 = tpu.vector_load_idx %arg6[%add3A_427] : memref<32768xf32, #tpu.memory_space<vmem>>[vector<16xi32>], vector<16xf32>,
        %mul3A_429 = arith.mulf %mul3A_285, %sub3A_281 : vector<16xf32>
        %mul3A_430 = arith.mulf %gather3A_424, %mul3A_429 : vector<16xf32>
        %add3A_431 = arith.addf %add3A_410, %mul3A_430 : vector<16xf32>
        %mul3A_432 = arith.mulf %gather3A_428, %mul3A_429 : vector<16xf32>
        %add3A_433 = arith.addf %add3A_412, %mul3A_432 : vector<16xf32>
        %xor3A_434 = arith.xori %add3A_266, %add3A_269 : vector<16xi32>
        %xor3A_435 = arith.xori %xor3A_434, %add3A_272 : vector<16xi32>
        %and3A_436 = arith.constant 16383 : i32
        %and3A_437 = vector.broadcast %and3A_436 : i32 to vector<16xi32>
        %and3A_438 = arith.andi %xor3A_435, %and3A_437 : vector<16xi32>
        %add3A_439 = arith.addi %add3A_266, %add3A_269 : vector<16xi32>
        %add3A_440 = arith.addi %add3A_439, %add3A_272 : vector<16xi32>
        %select_n3A_441 = arith.select %eq3A_22, %add3A_440, %and3A_438 : vector<16xi1>, vector<16xi32>
        %mul3A_442 = arith.constant 2 : i32
        %mul3A_443 = vector.broadcast %mul3A_442 : i32 to vector<16xi32>
        %mul3A_444 = arith.muli %select_n3A_441, %mul3A_443 : vector<16xi32>
        %gather3A_445 = tpu.vector_load_idx %arg6[%mul3A_444] : memref<32768xf32, #tpu.memory_space<vmem>>[vector<16xi32>], vector<16xf32>,
        %add3A_446 = arith.constant 1 : i32
        %add3A_447 = vector.broadcast %add3A_446 : i32 to vector<16xi32>
        %add3A_448 = arith.addi %mul3A_444, %add3A_447 : vector<16xi32>
        %gather3A_449 = tpu.vector_load_idx %arg6[%add3A_448] : memref<32768xf32, #tpu.memory_space<vmem>>[vector<16xi32>], vector<16xf32>,
        %mul3A_450 = arith.mulf %mul3A_285, %sub3A_263 : vector<16xf32>
        %mul3A_451 = arith.mulf %gather3A_445, %mul3A_450 : vector<16xf32>
        %add3A_452 = arith.addf %add3A_431, %mul3A_451 : vector<16xf32>
        %mul3A_453 = arith.mulf %gather3A_449, %mul3A_450 : vector<16xf32>
        %add3A_454 = arith.addf %add3A_433, %mul3A_453 : vector<16xf32>
        %swap3A = arith.constant 1 : i64
        %swap3A_455 = arith.constant 0 : i64
        %swap3A_456 = arith.index_cast %swap3A : i64 to index
        %swap3A_457 = arith.index_cast %swap3A_455 : i64 to index
        %swap3A_458 = arith.index_cast %mul3A_201 : i32 to index
        %swap3A_459 = tpu.vector_load %arg8[%swap3A_456, %swap3A_457, %swap3A_458] {strides = array<i32>} : memref<2x2x4096xf32, #tpu.memory_space<vmem>>, vector<16xf32>,
        tpu.vector_store %arg8[%swap3A_456, %swap3A_457, %swap3A_458], %add3A_452 {strides = array<i32>} : memref<2x2x4096xf32, #tpu.memory_space<vmem>>, vector<16xf32>,
        %swap3A_460 = arith.constant 1 : i64
        %swap3A_461 = arith.constant 1 : i64
        %swap3A_462 = arith.index_cast %swap3A_460 : i64 to index
        %swap3A_463 = arith.index_cast %swap3A_461 : i64 to index
        %swap3A_464 = arith.index_cast %mul3A_201 : i32 to index
        %swap3A_465 = tpu.vector_load %arg8[%swap3A_462, %swap3A_463, %swap3A_464] {strides = array<i32>} : memref<2x2x4096xf32, #tpu.memory_space<vmem>>, vector<16xf32>,
        tpu.vector_store %arg8[%swap3A_462, %swap3A_463, %swap3A_464], %add3A_454 {strides = array<i32>} : memref<2x2x4096xf32, #tpu.memory_space<vmem>>, vector<16xf32>,
      }
      %mul3A_183 = arith.constant 4096 : i32
      %mul3A_184 = arith.muli %add3A_143, %mul3A_183 : i32
      %add3A_185 = arith.addi %mul3A_23, %mul3A_184 : i32
      %mul3A_186 = arith.constant 2 : i32
      %mul3A_187 = arith.muli %mul3A_186, %arg1 : i32
      %dma_start3A_188 = arith.constant 1 : i32
      %dma_start3A_189 = arith.constant 0 : i32
      %dma_start3A_190 = arith.constant 0 : i32
      %dma_start3A_191 = tpu.memref_slice %arg8[%dma_start3A_188, %dma_start3A_189, %dma_start3A_190] : memref<2x2x4096xf32, #tpu.memory_space<vmem>> -> memref<1x2x4096xf32, #tpu.memory_space<vmem>>
      %dma_start3A_192 = tpu.memref_squeeze %dma_start3A_191 : memref<1x2x4096xf32, #tpu.memory_space<vmem>> -> memref<2x4096xf32, #tpu.memory_space<vmem>>
      %dma_start3A_193 = tpu.memref_slice %arg5[%mul3A_187, %add3A_185] : memref<32x262144xf32, #tpu.memory_space<hbm>> -> memref<2x4096xf32, #tpu.memory_space<hbm>>
      %dma_start3A_194 = tpu.memref_slice %arg5[%mul3A_187, %add3A_185] : memref<32x262144xf32, #tpu.memory_space<hbm>> -> memref<2x4096xf32, #tpu.memory_space<hbm>>
      %dma_start3A_195 = arith.constant 0 : i32
      %dma_start3A_196 = arith.constant 0 : i32
      %dma_start3A_197 = tpu.memref_slice %arg8[%dma_start3A_188, %dma_start3A_195, %dma_start3A_196] : memref<2x2x4096xf32, #tpu.memory_space<vmem>> -> memref<1x2x4096xf32, #tpu.memory_space<vmem>>
      %dma_start3A_198 = tpu.memref_squeeze %dma_start3A_197 : memref<1x2x4096xf32, #tpu.memory_space<vmem>> -> memref<2x4096xf32, #tpu.memory_space<vmem>>
      tpu.enqueue_dma source(%dma_start3A_198 : memref<2x4096xf32, #tpu.memory_space<vmem>>) target(%dma_start3A_194 : memref<2x4096xf32, #tpu.memory_space<hbm>>) target_semaphore(%arg13 : memref<!tpu.dma_semaphore, #tpu.memory_space<semaphore_mem>>)
    }
    %while3A_49 = arith.constant 1 : i32
    scf.for %while3A_83 = %while3A_47 to %while3A_43 step %while3A_49  : i32 {
      %mul3A_84 = arith.constant 2 : i32
      %mul3A_85 = arith.muli %while3A_83, %mul3A_84 : i32
      %add3A_86 = arith.constant 0 : i32
      %add3A_87 = arith.addi %mul3A_85, %add3A_86 : i32
      %mul3A_88 = arith.constant 4096 : i32
      %mul3A_89 = arith.muli %add3A_87, %mul3A_88 : i32
      %add3A_90 = arith.addi %mul3A_23, %mul3A_89 : i32
      %dma_wait3A_91 = arith.constant 0 : i32
      %dma_wait3A_92 = arith.constant 0 : i32
      %dma_wait3A_93 = arith.constant 0 : i32
      %dma_wait3A_94 = tpu.memref_slice %arg7[%dma_wait3A_91, %dma_wait3A_92, %dma_wait3A_93] : memref<2x3x4096xf32, #tpu.memory_space<vmem>> -> memref<1x3x4096xf32, #tpu.memory_space<vmem>>
      %dma_wait3A_95 = tpu.memref_squeeze %dma_wait3A_94 : memref<1x3x4096xf32, #tpu.memory_space<vmem>> -> memref<3x4096xf32, #tpu.memory_space<vmem>>
      %dma_wait3A_96 = arith.constant 0 : i32
      %dma_wait3A_97 = tpu.memref_slice %arg2[%dma_wait3A_96, %add3A_90] : memref<3x262144xf32, #tpu.memory_space<hbm>> -> memref<3x4096xf32, #tpu.memory_space<hbm>>
      %dma_wait3A_98 = arith.constant 0 : i32
      %dma_wait3A_99 = arith.constant 0 : i32
      %dma_wait3A_100 = tpu.memref_slice %arg7[%dma_wait3A_91, %dma_wait3A_98, %dma_wait3A_99] : memref<2x3x4096xf32, #tpu.memory_space<vmem>> -> memref<1x3x4096xf32, #tpu.memory_space<vmem>>
      %dma_wait3A_101 = tpu.memref_squeeze %dma_wait3A_100 : memref<1x3x4096xf32, #tpu.memory_space<vmem>> -> memref<3x4096xf32, #tpu.memory_space<vmem>>
      %dma_wait3A_102 = arith.constant 0 : i32
      %dma_wait3A_103 = tpu.memref_slice %arg2[%dma_wait3A_102, %add3A_90] : memref<3x262144xf32, #tpu.memory_space<hbm>> -> memref<3x4096xf32, #tpu.memory_space<hbm>>
      tpu.wait_dma2 semaphore(%arg10 : memref<!tpu.dma_semaphore, #tpu.memory_space<semaphore_mem>>) src(%dma_wait3A_103 : memref<3x4096xf32, #tpu.memory_space<hbm>>) dst(%dma_wait3A_101 : memref<3x4096xf32, #tpu.memory_space<vmem>>)
      %add3A_104 = arith.constant 1 : i32
      %add3A_105 = arith.addi %add3A_87, %add3A_104 : i32
      %lt3A = arith.constant 32 : i32
      %lt3A_106 = arith.cmpi slt, %add3A_105, %lt3A : i32
      %convert_element_type3A_107 = arith.extui %lt3A_106 : i1 to i32
      %cond3A = arith.constant 0 : i32
      %cond3A_108 = arith.cmpi ne, %convert_element_type3A_107, %cond3A : i32
      scf.if %cond3A_108 {
        %add3A_199 = arith.constant 1 : i32
        %add3A_200 = arith.addi %add3A_87, %add3A_199 : i32
        %mul3A_201 = arith.constant 4096 : i32
        %mul3A_202 = arith.muli %add3A_200, %mul3A_201 : i32
        %add3A_203 = arith.addi %mul3A_23, %mul3A_202 : i32
        %dma_start3A_204 = arith.constant 1 : i32
        %dma_start3A_205 = arith.constant 0 : i32
        %dma_start3A_206 = arith.constant 0 : i32
        %dma_start3A_207 = tpu.memref_slice %arg7[%dma_start3A_204, %dma_start3A_205, %dma_start3A_206] : memref<2x3x4096xf32, #tpu.memory_space<vmem>> -> memref<1x3x4096xf32, #tpu.memory_space<vmem>>
        %dma_start3A_208 = tpu.memref_squeeze %dma_start3A_207 : memref<1x3x4096xf32, #tpu.memory_space<vmem>> -> memref<3x4096xf32, #tpu.memory_space<vmem>>
        %dma_start3A_209 = arith.constant 0 : i32
        %dma_start3A_210 = tpu.memref_slice %arg2[%dma_start3A_209, %add3A_203] : memref<3x262144xf32, #tpu.memory_space<hbm>> -> memref<3x4096xf32, #tpu.memory_space<hbm>>
        %dma_start3A_211 = arith.constant 0 : i32
        %dma_start3A_212 = arith.constant 0 : i32
        %dma_start3A_213 = tpu.memref_slice %arg7[%dma_start3A_204, %dma_start3A_211, %dma_start3A_212] : memref<2x3x4096xf32, #tpu.memory_space<vmem>> -> memref<1x3x4096xf32, #tpu.memory_space<vmem>>
        %dma_start3A_214 = tpu.memref_squeeze %dma_start3A_213 : memref<1x3x4096xf32, #tpu.memory_space<vmem>> -> memref<3x4096xf32, #tpu.memory_space<vmem>>
        %dma_start3A_215 = arith.constant 0 : i32
        %dma_start3A_216 = tpu.memref_slice %arg2[%dma_start3A_215, %add3A_203] : memref<3x262144xf32, #tpu.memory_space<hbm>> -> memref<3x4096xf32, #tpu.memory_space<hbm>>
        tpu.enqueue_dma source(%dma_start3A_216 : memref<3x4096xf32, #tpu.memory_space<hbm>>) target(%dma_start3A_214 : memref<3x4096xf32, #tpu.memory_space<vmem>>) target_semaphore(%arg11 : memref<!tpu.dma_semaphore, #tpu.memory_space<semaphore_mem>>)
      } else {
      }
      %ge3A = arith.constant 2 : i32
      %ge3A_109 = arith.cmpi sge, %add3A_87, %ge3A : i32
      %convert_element_type3A_110 = arith.extui %ge3A_109 : i1 to i32
      %cond3A_111 = arith.constant 0 : i32
      %cond3A_112 = arith.cmpi ne, %convert_element_type3A_110, %cond3A_111 : i32
      scf.if %cond3A_112 {
        %sub3A = arith.constant 2 : i32
        %sub3A_199 = arith.subi %add3A_87, %sub3A : i32
        %mul3A_200 = arith.constant 4096 : i32
        %mul3A_201 = arith.muli %sub3A_199, %mul3A_200 : i32
        %add3A_202 = arith.addi %mul3A_23, %mul3A_201 : i32
        %mul3A_203 = arith.constant 2 : i32
        %mul3A_204 = arith.muli %mul3A_203, %arg1 : i32
        %dma_wait3A_205 = arith.constant 0 : i32
        %dma_wait3A_206 = arith.constant 0 : i32
        %dma_wait3A_207 = arith.constant 0 : i32
        %dma_wait3A_208 = tpu.memref_slice %arg8[%dma_wait3A_205, %dma_wait3A_206, %dma_wait3A_207] : memref<2x2x4096xf32, #tpu.memory_space<vmem>> -> memref<1x2x4096xf32, #tpu.memory_space<vmem>>
        %dma_wait3A_209 = tpu.memref_squeeze %dma_wait3A_208 : memref<1x2x4096xf32, #tpu.memory_space<vmem>> -> memref<2x4096xf32, #tpu.memory_space<vmem>>
        %dma_wait3A_210 = tpu.memref_slice %arg5[%mul3A_204, %add3A_202] : memref<32x262144xf32, #tpu.memory_space<hbm>> -> memref<2x4096xf32, #tpu.memory_space<hbm>>
        %dma_wait3A_211 = tpu.memref_slice %arg5[%mul3A_204, %add3A_202] : memref<32x262144xf32, #tpu.memory_space<hbm>> -> memref<2x4096xf32, #tpu.memory_space<hbm>>
        %dma_wait3A_212 = arith.constant 0 : i32
        %dma_wait3A_213 = arith.constant 0 : i32
        %dma_wait3A_214 = tpu.memref_slice %arg8[%dma_wait3A_205, %dma_wait3A_212, %dma_wait3A_213] : memref<2x2x4096xf32, #tpu.memory_space<vmem>> -> memref<1x2x4096xf32, #tpu.memory_space<vmem>>
        %dma_wait3A_215 = tpu.memref_squeeze %dma_wait3A_214 : memref<1x2x4096xf32, #tpu.memory_space<vmem>> -> memref<2x4096xf32, #tpu.memory_space<vmem>>
        tpu.wait_dma2 semaphore(%arg12 : memref<!tpu.dma_semaphore, #tpu.memory_space<semaphore_mem>>) src(%dma_wait3A_215 : memref<2x4096xf32, #tpu.memory_space<vmem>>) dst(%dma_wait3A_211 : memref<2x4096xf32, #tpu.memory_space<hbm>>)
      } else {
      }
      %while3A_113 = arith.constant 0 : i32
      %while3A_114 = arith.constant 0 : i32
      %while3A_115 = arith.constant 256 : i32
      %while3A_116 = arith.subi %while3A_115, %while3A_114 : i32
      %while3A_117 = arith.addi %while3A_114, %while3A_116 : i32
      %while3A_118 = arith.constant 1 : i32
      %while3A_119 = arith.divsi %while3A_116, %while3A_118 : i32
      %while3A_120 = arith.muli %while3A_119, %while3A_118 : i32
      %while3A_121 = arith.addi %while3A_114, %while3A_120 : i32
      %while3A_122 = arith.constant 1 : i32
      scf.for %while3A_199 = %while3A_114 to %while3A_121 step %while3A_122  : i32 {
        %mul3A_200 = arith.constant 16 : i32
        %mul3A_201 = arith.muli %while3A_199, %mul3A_200 : i32
        %get3A = arith.constant 0 : i64
        %get3A_202 = arith.constant 0 : i64
        %get3A_203 = arith.index_cast %get3A : i64 to index
        %get3A_204 = arith.index_cast %get3A_202 : i64 to index
        %get3A_205 = arith.index_cast %mul3A_201 : i32 to index
        %get3A_206 = tpu.vector_load %arg7[%get3A_203, %get3A_204, %get3A_205] {strides = array<i32>} : memref<2x3x4096xf32, #tpu.memory_space<vmem>>, vector<16xf32>,
        %mul3A_207 = arith.constant 1.000000e-01 : f32
        %mul3A_208 = vector.broadcast %mul3A_207 : f32 to vector<16xf32>
        %mul3A_209 = arith.mulf %get3A_206, %mul3A_208 : vector<16xf32>
        %add3A_210 = arith.constant 5.000000e-01 : f32
        %add3A_211 = vector.broadcast %add3A_210 : f32 to vector<16xf32>
        %add3A_212 = arith.addf %mul3A_209, %add3A_211 : vector<16xf32>
        %max3A = arith.constant 0.000000e+00 : f32
        %max3A_213 = vector.broadcast %max3A : f32 to vector<16xf32>
        %max3A_214 = arith.maximumf %add3A_212, %max3A_213 : vector<16xf32>
        %min3A = arith.constant 0.999998986 : f32
        %min3A_215 = vector.broadcast %min3A : f32 to vector<16xf32>
        %min3A_216 = arith.minimumf %max3A_214, %min3A_215 : vector<16xf32>
        %mul3A_217 = arith.mulf %min3A_216, %convert_element_type3A : vector<16xf32>
        %convert_element_type3A_218 = arith.fptosi %mul3A_217 : vector<16xf32> to vector<16xi32>
        %convert_element_type3A_219 = arith.sitofp %convert_element_type3A_218 : vector<16xi32> to vector<16xf32>
        %sub3A = arith.subf %mul3A_217, %convert_element_type3A_219 : vector<16xf32>
        %get3A_220 = arith.constant 0 : i64
        %get3A_221 = arith.constant 1 : i64
        %get3A_222 = arith.index_cast %get3A_220 : i64 to index
        %get3A_223 = arith.index_cast %get3A_221 : i64 to index
        %get3A_224 = arith.index_cast %mul3A_201 : i32 to index
        %get3A_225 = tpu.vector_load %arg7[%get3A_222, %get3A_223, %get3A_224] {strides = array<i32>} : memref<2x3x4096xf32, #tpu.memory_space<vmem>>, vector<16xf32>,
        %mul3A_226 = arith.constant 1.000000e-01 : f32
        %mul3A_227 = vector.broadcast %mul3A_226 : f32 to vector<16xf32>
        %mul3A_228 = arith.mulf %get3A_225, %mul3A_227 : vector<16xf32>
        %add3A_229 = arith.constant 5.000000e-01 : f32
        %add3A_230 = vector.broadcast %add3A_229 : f32 to vector<16xf32>
        %add3A_231 = arith.addf %mul3A_228, %add3A_230 : vector<16xf32>
        %max3A_232 = arith.constant 0.000000e+00 : f32
        %max3A_233 = vector.broadcast %max3A_232 : f32 to vector<16xf32>
        %max3A_234 = arith.maximumf %add3A_231, %max3A_233 : vector<16xf32>
        %min3A_235 = arith.constant 0.999998986 : f32
        %min3A_236 = vector.broadcast %min3A_235 : f32 to vector<16xf32>
        %min3A_237 = arith.minimumf %max3A_234, %min3A_236 : vector<16xf32>
        %mul3A_238 = arith.mulf %min3A_237, %convert_element_type3A : vector<16xf32>
        %convert_element_type3A_239 = arith.fptosi %mul3A_238 : vector<16xf32> to vector<16xi32>
        %convert_element_type3A_240 = arith.sitofp %convert_element_type3A_239 : vector<16xi32> to vector<16xf32>
        %sub3A_241 = arith.subf %mul3A_238, %convert_element_type3A_240 : vector<16xf32>
        %get3A_242 = arith.constant 0 : i64
        %get3A_243 = arith.constant 2 : i64
        %get3A_244 = arith.index_cast %get3A_242 : i64 to index
        %get3A_245 = arith.index_cast %get3A_243 : i64 to index
        %get3A_246 = arith.index_cast %mul3A_201 : i32 to index
        %get3A_247 = tpu.vector_load %arg7[%get3A_244, %get3A_245, %get3A_246] {strides = array<i32>} : memref<2x3x4096xf32, #tpu.memory_space<vmem>>, vector<16xf32>,
        %mul3A_248 = arith.constant 1.000000e-01 : f32
        %mul3A_249 = vector.broadcast %mul3A_248 : f32 to vector<16xf32>
        %mul3A_250 = arith.mulf %get3A_247, %mul3A_249 : vector<16xf32>
        %add3A_251 = arith.constant 5.000000e-01 : f32
        %add3A_252 = vector.broadcast %add3A_251 : f32 to vector<16xf32>
        %add3A_253 = arith.addf %mul3A_250, %add3A_252 : vector<16xf32>
        %max3A_254 = arith.constant 0.000000e+00 : f32
        %max3A_255 = vector.broadcast %max3A_254 : f32 to vector<16xf32>
        %max3A_256 = arith.maximumf %add3A_253, %max3A_255 : vector<16xf32>
        %min3A_257 = arith.constant 0.999998986 : f32
        %min3A_258 = vector.broadcast %min3A_257 : f32 to vector<16xf32>
        %min3A_259 = arith.minimumf %max3A_256, %min3A_258 : vector<16xf32>
        %mul3A_260 = arith.mulf %min3A_259, %convert_element_type3A : vector<16xf32>
        %convert_element_type3A_261 = arith.fptosi %mul3A_260 : vector<16xf32> to vector<16xi32>
        %convert_element_type3A_262 = arith.sitofp %convert_element_type3A_261 : vector<16xi32> to vector<16xf32>
        %sub3A_263 = arith.subf %mul3A_260, %convert_element_type3A_262 : vector<16xf32>
        %mul3A_264 = arith.muli %convert_element_type3A_218, %gather3A_8 : vector<16xi32>
        %mul3A_265 = arith.muli %convert_element_type3A_218, %gather3A_8 : vector<16xi32>
        %add3A_266 = arith.addi %mul3A_265, %gather3A_8 : vector<16xi32>
        %mul3A_267 = arith.muli %convert_element_type3A_239, %gather3A_12 : vector<16xi32>
        %mul3A_268 = arith.muli %convert_element_type3A_239, %gather3A_12 : vector<16xi32>
        %add3A_269 = arith.addi %mul3A_268, %gather3A_12 : vector<16xi32>
        %mul3A_270 = arith.muli %convert_element_type3A_261, %gather3A_16 : vector<16xi32>
        %mul3A_271 = arith.muli %convert_element_type3A_261, %gather3A_16 : vector<16xi32>
        %add3A_272 = arith.addi %mul3A_271, %gather3A_16 : vector<16xi32>
        %sub3A_273 = arith.constant 1.000000e+00 : f32
        %sub3A_274 = vector.broadcast %sub3A_273 : f32 to vector<16xf32>
        %sub3A_275 = arith.subf %sub3A_274, %sub3A : vector<16xf32>
        %sub3A_276 = arith.constant 1.000000e+00 : f32
        %sub3A_277 = vector.broadcast %sub3A_276 : f32 to vector<16xf32>
        %sub3A_278 = arith.subf %sub3A_277, %sub3A_241 : vector<16xf32>
        %sub3A_279 = arith.constant 1.000000e+00 : f32
        %sub3A_280 = vector.broadcast %sub3A_279 : f32 to vector<16xf32>
        %sub3A_281 = arith.subf %sub3A_280, %sub3A_263 : vector<16xf32>
        %mul3A_282 = arith.mulf %sub3A_275, %sub3A_278 : vector<16xf32>
        %mul3A_283 = arith.mulf %sub3A_275, %sub3A_241 : vector<16xf32>
        %mul3A_284 = arith.mulf %sub3A, %sub3A_278 : vector<16xf32>
        %mul3A_285 = arith.mulf %sub3A, %sub3A_241 : vector<16xf32>
        %broadcast_in_dim3A_286 = arith.constant 0.000000e+00 : f32
        %broadcast_in_dim3A_287 = vector.broadcast %broadcast_in_dim3A_286 : f32 to vector<16xf32>
        %broadcast_in_dim3A_288 = arith.constant 0.000000e+00 : f32
        %broadcast_in_dim3A_289 = vector.broadcast %broadcast_in_dim3A_288 : f32 to vector<16xf32>
        %xor3A = arith.xori %mul3A_264, %mul3A_267 : vector<16xi32>
        %xor3A_290 = arith.xori %xor3A, %mul3A_270 : vector<16xi32>
        %and3A = arith.constant 16383 : i32
        %and3A_291 = vector.broadcast %and3A : i32 to vector<16xi32>
        %and3A_292 = arith.andi %xor3A_290, %and3A_291 : vector<16xi32>
        %add3A_293 = arith.addi %mul3A_264, %mul3A_267 : vector<16xi32>
        %add3A_294 = arith.addi %add3A_293, %mul3A_270 : vector<16xi32>
        %select_n3A = arith.select %eq3A_22, %add3A_294, %and3A_292 : vector<16xi1>, vector<16xi32>
        %mul3A_295 = arith.constant 2 : i32
        %mul3A_296 = vector.broadcast %mul3A_295 : i32 to vector<16xi32>
        %mul3A_297 = arith.muli %select_n3A, %mul3A_296 : vector<16xi32>
        %gather3A_298 = tpu.vector_load_idx %arg6[%mul3A_297] : memref<32768xf32, #tpu.memory_space<vmem>>[vector<16xi32>], vector<16xf32>,
        %add3A_299 = arith.constant 1 : i32
        %add3A_300 = vector.broadcast %add3A_299 : i32 to vector<16xi32>
        %add3A_301 = arith.addi %mul3A_297, %add3A_300 : vector<16xi32>
        %gather3A_302 = tpu.vector_load_idx %arg6[%add3A_301] : memref<32768xf32, #tpu.memory_space<vmem>>[vector<16xi32>], vector<16xf32>,
        %mul3A_303 = arith.mulf %mul3A_282, %sub3A_281 : vector<16xf32>
        %mul3A_304 = arith.mulf %gather3A_298, %mul3A_303 : vector<16xf32>
        %add3A_305 = arith.addf %broadcast_in_dim3A_287, %mul3A_304 : vector<16xf32>
        %mul3A_306 = arith.mulf %gather3A_302, %mul3A_303 : vector<16xf32>
        %add3A_307 = arith.addf %broadcast_in_dim3A_289, %mul3A_306 : vector<16xf32>
        %xor3A_308 = arith.xori %mul3A_264, %mul3A_267 : vector<16xi32>
        %xor3A_309 = arith.xori %xor3A_308, %add3A_272 : vector<16xi32>
        %and3A_310 = arith.constant 16383 : i32
        %and3A_311 = vector.broadcast %and3A_310 : i32 to vector<16xi32>
        %and3A_312 = arith.andi %xor3A_309, %and3A_311 : vector<16xi32>
        %add3A_313 = arith.addi %mul3A_264, %mul3A_267 : vector<16xi32>
        %add3A_314 = arith.addi %add3A_313, %add3A_272 : vector<16xi32>
        %select_n3A_315 = arith.select %eq3A_22, %add3A_314, %and3A_312 : vector<16xi1>, vector<16xi32>
        %mul3A_316 = arith.constant 2 : i32
        %mul3A_317 = vector.broadcast %mul3A_316 : i32 to vector<16xi32>
        %mul3A_318 = arith.muli %select_n3A_315, %mul3A_317 : vector<16xi32>
        %gather3A_319 = tpu.vector_load_idx %arg6[%mul3A_318] : memref<32768xf32, #tpu.memory_space<vmem>>[vector<16xi32>], vector<16xf32>,
        %add3A_320 = arith.constant 1 : i32
        %add3A_321 = vector.broadcast %add3A_320 : i32 to vector<16xi32>
        %add3A_322 = arith.addi %mul3A_318, %add3A_321 : vector<16xi32>
        %gather3A_323 = tpu.vector_load_idx %arg6[%add3A_322] : memref<32768xf32, #tpu.memory_space<vmem>>[vector<16xi32>], vector<16xf32>,
        %mul3A_324 = arith.mulf %mul3A_282, %sub3A_263 : vector<16xf32>
        %mul3A_325 = arith.mulf %gather3A_319, %mul3A_324 : vector<16xf32>
        %add3A_326 = arith.addf %add3A_305, %mul3A_325 : vector<16xf32>
        %mul3A_327 = arith.mulf %gather3A_323, %mul3A_324 : vector<16xf32>
        %add3A_328 = arith.addf %add3A_307, %mul3A_327 : vector<16xf32>
        %xor3A_329 = arith.xori %mul3A_264, %add3A_269 : vector<16xi32>
        %xor3A_330 = arith.xori %xor3A_329, %mul3A_270 : vector<16xi32>
        %and3A_331 = arith.constant 16383 : i32
        %and3A_332 = vector.broadcast %and3A_331 : i32 to vector<16xi32>
        %and3A_333 = arith.andi %xor3A_330, %and3A_332 : vector<16xi32>
        %add3A_334 = arith.addi %mul3A_264, %add3A_269 : vector<16xi32>
        %add3A_335 = arith.addi %add3A_334, %mul3A_270 : vector<16xi32>
        %select_n3A_336 = arith.select %eq3A_22, %add3A_335, %and3A_333 : vector<16xi1>, vector<16xi32>
        %mul3A_337 = arith.constant 2 : i32
        %mul3A_338 = vector.broadcast %mul3A_337 : i32 to vector<16xi32>
        %mul3A_339 = arith.muli %select_n3A_336, %mul3A_338 : vector<16xi32>
        %gather3A_340 = tpu.vector_load_idx %arg6[%mul3A_339] : memref<32768xf32, #tpu.memory_space<vmem>>[vector<16xi32>], vector<16xf32>,
        %add3A_341 = arith.constant 1 : i32
        %add3A_342 = vector.broadcast %add3A_341 : i32 to vector<16xi32>
        %add3A_343 = arith.addi %mul3A_339, %add3A_342 : vector<16xi32>
        %gather3A_344 = tpu.vector_load_idx %arg6[%add3A_343] : memref<32768xf32, #tpu.memory_space<vmem>>[vector<16xi32>], vector<16xf32>,
        %mul3A_345 = arith.mulf %mul3A_283, %sub3A_281 : vector<16xf32>
        %mul3A_346 = arith.mulf %gather3A_340, %mul3A_345 : vector<16xf32>
        %add3A_347 = arith.addf %add3A_326, %mul3A_346 : vector<16xf32>
        %mul3A_348 = arith.mulf %gather3A_344, %mul3A_345 : vector<16xf32>
        %add3A_349 = arith.addf %add3A_328, %mul3A_348 : vector<16xf32>
        %xor3A_350 = arith.xori %mul3A_264, %add3A_269 : vector<16xi32>
        %xor3A_351 = arith.xori %xor3A_350, %add3A_272 : vector<16xi32>
        %and3A_352 = arith.constant 16383 : i32
        %and3A_353 = vector.broadcast %and3A_352 : i32 to vector<16xi32>
        %and3A_354 = arith.andi %xor3A_351, %and3A_353 : vector<16xi32>
        %add3A_355 = arith.addi %mul3A_264, %add3A_269 : vector<16xi32>
        %add3A_356 = arith.addi %add3A_355, %add3A_272 : vector<16xi32>
        %select_n3A_357 = arith.select %eq3A_22, %add3A_356, %and3A_354 : vector<16xi1>, vector<16xi32>
        %mul3A_358 = arith.constant 2 : i32
        %mul3A_359 = vector.broadcast %mul3A_358 : i32 to vector<16xi32>
        %mul3A_360 = arith.muli %select_n3A_357, %mul3A_359 : vector<16xi32>
        %gather3A_361 = tpu.vector_load_idx %arg6[%mul3A_360] : memref<32768xf32, #tpu.memory_space<vmem>>[vector<16xi32>], vector<16xf32>,
        %add3A_362 = arith.constant 1 : i32
        %add3A_363 = vector.broadcast %add3A_362 : i32 to vector<16xi32>
        %add3A_364 = arith.addi %mul3A_360, %add3A_363 : vector<16xi32>
        %gather3A_365 = tpu.vector_load_idx %arg6[%add3A_364] : memref<32768xf32, #tpu.memory_space<vmem>>[vector<16xi32>], vector<16xf32>,
        %mul3A_366 = arith.mulf %mul3A_283, %sub3A_263 : vector<16xf32>
        %mul3A_367 = arith.mulf %gather3A_361, %mul3A_366 : vector<16xf32>
        %add3A_368 = arith.addf %add3A_347, %mul3A_367 : vector<16xf32>
        %mul3A_369 = arith.mulf %gather3A_365, %mul3A_366 : vector<16xf32>
        %add3A_370 = arith.addf %add3A_349, %mul3A_369 : vector<16xf32>
        %xor3A_371 = arith.xori %add3A_266, %mul3A_267 : vector<16xi32>
        %xor3A_372 = arith.xori %xor3A_371, %mul3A_270 : vector<16xi32>
        %and3A_373 = arith.constant 16383 : i32
        %and3A_374 = vector.broadcast %and3A_373 : i32 to vector<16xi32>
        %and3A_375 = arith.andi %xor3A_372, %and3A_374 : vector<16xi32>
        %add3A_376 = arith.addi %add3A_266, %mul3A_267 : vector<16xi32>
        %add3A_377 = arith.addi %add3A_376, %mul3A_270 : vector<16xi32>
        %select_n3A_378 = arith.select %eq3A_22, %add3A_377, %and3A_375 : vector<16xi1>, vector<16xi32>
        %mul3A_379 = arith.constant 2 : i32
        %mul3A_380 = vector.broadcast %mul3A_379 : i32 to vector<16xi32>
        %mul3A_381 = arith.muli %select_n3A_378, %mul3A_380 : vector<16xi32>
        %gather3A_382 = tpu.vector_load_idx %arg6[%mul3A_381] : memref<32768xf32, #tpu.memory_space<vmem>>[vector<16xi32>], vector<16xf32>,
        %add3A_383 = arith.constant 1 : i32
        %add3A_384 = vector.broadcast %add3A_383 : i32 to vector<16xi32>
        %add3A_385 = arith.addi %mul3A_381, %add3A_384 : vector<16xi32>
        %gather3A_386 = tpu.vector_load_idx %arg6[%add3A_385] : memref<32768xf32, #tpu.memory_space<vmem>>[vector<16xi32>], vector<16xf32>,
        %mul3A_387 = arith.mulf %mul3A_284, %sub3A_281 : vector<16xf32>
        %mul3A_388 = arith.mulf %gather3A_382, %mul3A_387 : vector<16xf32>
        %add3A_389 = arith.addf %add3A_368, %mul3A_388 : vector<16xf32>
        %mul3A_390 = arith.mulf %gather3A_386, %mul3A_387 : vector<16xf32>
        %add3A_391 = arith.addf %add3A_370, %mul3A_390 : vector<16xf32>
        %xor3A_392 = arith.xori %add3A_266, %mul3A_267 : vector<16xi32>
        %xor3A_393 = arith.xori %xor3A_392, %add3A_272 : vector<16xi32>
        %and3A_394 = arith.constant 16383 : i32
        %and3A_395 = vector.broadcast %and3A_394 : i32 to vector<16xi32>
        %and3A_396 = arith.andi %xor3A_393, %and3A_395 : vector<16xi32>
        %add3A_397 = arith.addi %add3A_266, %mul3A_267 : vector<16xi32>
        %add3A_398 = arith.addi %add3A_397, %add3A_272 : vector<16xi32>
        %select_n3A_399 = arith.select %eq3A_22, %add3A_398, %and3A_396 : vector<16xi1>, vector<16xi32>
        %mul3A_400 = arith.constant 2 : i32
        %mul3A_401 = vector.broadcast %mul3A_400 : i32 to vector<16xi32>
        %mul3A_402 = arith.muli %select_n3A_399, %mul3A_401 : vector<16xi32>
        %gather3A_403 = tpu.vector_load_idx %arg6[%mul3A_402] : memref<32768xf32, #tpu.memory_space<vmem>>[vector<16xi32>], vector<16xf32>,
        %add3A_404 = arith.constant 1 : i32
        %add3A_405 = vector.broadcast %add3A_404 : i32 to vector<16xi32>
        %add3A_406 = arith.addi %mul3A_402, %add3A_405 : vector<16xi32>
        %gather3A_407 = tpu.vector_load_idx %arg6[%add3A_406] : memref<32768xf32, #tpu.memory_space<vmem>>[vector<16xi32>], vector<16xf32>,
        %mul3A_408 = arith.mulf %mul3A_284, %sub3A_263 : vector<16xf32>
        %mul3A_409 = arith.mulf %gather3A_403, %mul3A_408 : vector<16xf32>
        %add3A_410 = arith.addf %add3A_389, %mul3A_409 : vector<16xf32>
        %mul3A_411 = arith.mulf %gather3A_407, %mul3A_408 : vector<16xf32>
        %add3A_412 = arith.addf %add3A_391, %mul3A_411 : vector<16xf32>
        %xor3A_413 = arith.xori %add3A_266, %add3A_269 : vector<16xi32>
        %xor3A_414 = arith.xori %xor3A_413, %mul3A_270 : vector<16xi32>
        %and3A_415 = arith.constant 16383 : i32
        %and3A_416 = vector.broadcast %and3A_415 : i32 to vector<16xi32>
        %and3A_417 = arith.andi %xor3A_414, %and3A_416 : vector<16xi32>
        %add3A_418 = arith.addi %add3A_266, %add3A_269 : vector<16xi32>
        %add3A_419 = arith.addi %add3A_418, %mul3A_270 : vector<16xi32>
        %select_n3A_420 = arith.select %eq3A_22, %add3A_419, %and3A_417 : vector<16xi1>, vector<16xi32>
        %mul3A_421 = arith.constant 2 : i32
        %mul3A_422 = vector.broadcast %mul3A_421 : i32 to vector<16xi32>
        %mul3A_423 = arith.muli %select_n3A_420, %mul3A_422 : vector<16xi32>
        %gather3A_424 = tpu.vector_load_idx %arg6[%mul3A_423] : memref<32768xf32, #tpu.memory_space<vmem>>[vector<16xi32>], vector<16xf32>,
        %add3A_425 = arith.constant 1 : i32
        %add3A_426 = vector.broadcast %add3A_425 : i32 to vector<16xi32>
        %add3A_427 = arith.addi %mul3A_423, %add3A_426 : vector<16xi32>
        %gather3A_428 = tpu.vector_load_idx %arg6[%add3A_427] : memref<32768xf32, #tpu.memory_space<vmem>>[vector<16xi32>], vector<16xf32>,
        %mul3A_429 = arith.mulf %mul3A_285, %sub3A_281 : vector<16xf32>
        %mul3A_430 = arith.mulf %gather3A_424, %mul3A_429 : vector<16xf32>
        %add3A_431 = arith.addf %add3A_410, %mul3A_430 : vector<16xf32>
        %mul3A_432 = arith.mulf %gather3A_428, %mul3A_429 : vector<16xf32>
        %add3A_433 = arith.addf %add3A_412, %mul3A_432 : vector<16xf32>
        %xor3A_434 = arith.xori %add3A_266, %add3A_269 : vector<16xi32>
        %xor3A_435 = arith.xori %xor3A_434, %add3A_272 : vector<16xi32>
        %and3A_436 = arith.constant 16383 : i32
        %and3A_437 = vector.broadcast %and3A_436 : i32 to vector<16xi32>
        %and3A_438 = arith.andi %xor3A_435, %and3A_437 : vector<16xi32>
        %add3A_439 = arith.addi %add3A_266, %add3A_269 : vector<16xi32>
        %add3A_440 = arith.addi %add3A_439, %add3A_272 : vector<16xi32>
        %select_n3A_441 = arith.select %eq3A_22, %add3A_440, %and3A_438 : vector<16xi1>, vector<16xi32>
        %mul3A_442 = arith.constant 2 : i32
        %mul3A_443 = vector.broadcast %mul3A_442 : i32 to vector<16xi32>
        %mul3A_444 = arith.muli %select_n3A_441, %mul3A_443 : vector<16xi32>
        %gather3A_445 = tpu.vector_load_idx %arg6[%mul3A_444] : memref<32768xf32, #tpu.memory_space<vmem>>[vector<16xi32>], vector<16xf32>,
        %add3A_446 = arith.constant 1 : i32
        %add3A_447 = vector.broadcast %add3A_446 : i32 to vector<16xi32>
        %add3A_448 = arith.addi %mul3A_444, %add3A_447 : vector<16xi32>
        %gather3A_449 = tpu.vector_load_idx %arg6[%add3A_448] : memref<32768xf32, #tpu.memory_space<vmem>>[vector<16xi32>], vector<16xf32>,
        %mul3A_450 = arith.mulf %mul3A_285, %sub3A_263 : vector<16xf32>
        %mul3A_451 = arith.mulf %gather3A_445, %mul3A_450 : vector<16xf32>
        %add3A_452 = arith.addf %add3A_431, %mul3A_451 : vector<16xf32>
        %mul3A_453 = arith.mulf %gather3A_449, %mul3A_450 : vector<16xf32>
        %add3A_454 = arith.addf %add3A_433, %mul3A_453 : vector<16xf32>
        %swap3A = arith.constant 0 : i64
        %swap3A_455 = arith.constant 0 : i64
        %swap3A_456 = arith.index_cast %swap3A : i64 to index
        %swap3A_457 = arith.index_cast %swap3A_455 : i64 to index
        %swap3A_458 = arith.index_cast %mul3A_201 : i32 to index
        %swap3A_459 = tpu.vector_load %arg8[%swap3A_456, %swap3A_457, %swap3A_458] {strides = array<i32>} : memref<2x2x4096xf32, #tpu.memory_space<vmem>>, vector<16xf32>,
        tpu.vector_store %arg8[%swap3A_456, %swap3A_457, %swap3A_458], %add3A_452 {strides = array<i32>} : memref<2x2x4096xf32, #tpu.memory_space<vmem>>, vector<16xf32>,
        %swap3A_460 = arith.constant 0 : i64
        %swap3A_461 = arith.constant 1 : i64
        %swap3A_462 = arith.index_cast %swap3A_460 : i64 to index
        %swap3A_463 = arith.index_cast %swap3A_461 : i64 to index
        %swap3A_464 = arith.index_cast %mul3A_201 : i32 to index
        %swap3A_465 = tpu.vector_load %arg8[%swap3A_462, %swap3A_463, %swap3A_464] {strides = array<i32>} : memref<2x2x4096xf32, #tpu.memory_space<vmem>>, vector<16xf32>,
        tpu.vector_store %arg8[%swap3A_462, %swap3A_463, %swap3A_464], %add3A_454 {strides = array<i32>} : memref<2x2x4096xf32, #tpu.memory_space<vmem>>, vector<16xf32>,
      }
      %while3A_123 = arith.constant 1 : i32
      scf.for %while3A_199 = %while3A_121 to %while3A_117 step %while3A_123  : i32 {
        %mul3A_200 = arith.constant 16 : i32
        %mul3A_201 = arith.muli %while3A_199, %mul3A_200 : i32
        %get3A = arith.constant 0 : i64
        %get3A_202 = arith.constant 0 : i64
        %get3A_203 = arith.index_cast %get3A : i64 to index
        %get3A_204 = arith.index_cast %get3A_202 : i64 to index
        %get3A_205 = arith.index_cast %mul3A_201 : i32 to index
        %get3A_206 = tpu.vector_load %arg7[%get3A_203, %get3A_204, %get3A_205] {strides = array<i32>} : memref<2x3x4096xf32, #tpu.memory_space<vmem>>, vector<16xf32>,
        %mul3A_207 = arith.constant 1.000000e-01 : f32
        %mul3A_208 = vector.broadcast %mul3A_207 : f32 to vector<16xf32>
        %mul3A_209 = arith.mulf %get3A_206, %mul3A_208 : vector<16xf32>
        %add3A_210 = arith.constant 5.000000e-01 : f32
        %add3A_211 = vector.broadcast %add3A_210 : f32 to vector<16xf32>
        %add3A_212 = arith.addf %mul3A_209, %add3A_211 : vector<16xf32>
        %max3A = arith.constant 0.000000e+00 : f32
        %max3A_213 = vector.broadcast %max3A : f32 to vector<16xf32>
        %max3A_214 = arith.maximumf %add3A_212, %max3A_213 : vector<16xf32>
        %min3A = arith.constant 0.999998986 : f32
        %min3A_215 = vector.broadcast %min3A : f32 to vector<16xf32>
        %min3A_216 = arith.minimumf %max3A_214, %min3A_215 : vector<16xf32>
        %mul3A_217 = arith.mulf %min3A_216, %convert_element_type3A : vector<16xf32>
        %convert_element_type3A_218 = arith.fptosi %mul3A_217 : vector<16xf32> to vector<16xi32>
        %convert_element_type3A_219 = arith.sitofp %convert_element_type3A_218 : vector<16xi32> to vector<16xf32>
        %sub3A = arith.subf %mul3A_217, %convert_element_type3A_219 : vector<16xf32>
        %get3A_220 = arith.constant 0 : i64
        %get3A_221 = arith.constant 1 : i64
        %get3A_222 = arith.index_cast %get3A_220 : i64 to index
        %get3A_223 = arith.index_cast %get3A_221 : i64 to index
        %get3A_224 = arith.index_cast %mul3A_201 : i32 to index
        %get3A_225 = tpu.vector_load %arg7[%get3A_222, %get3A_223, %get3A_224] {strides = array<i32>} : memref<2x3x4096xf32, #tpu.memory_space<vmem>>, vector<16xf32>,
        %mul3A_226 = arith.constant 1.000000e-01 : f32
        %mul3A_227 = vector.broadcast %mul3A_226 : f32 to vector<16xf32>
        %mul3A_228 = arith.mulf %get3A_225, %mul3A_227 : vector<16xf32>
        %add3A_229 = arith.constant 5.000000e-01 : f32
        %add3A_230 = vector.broadcast %add3A_229 : f32 to vector<16xf32>
        %add3A_231 = arith.addf %mul3A_228, %add3A_230 : vector<16xf32>
        %max3A_232 = arith.constant 0.000000e+00 : f32
        %max3A_233 = vector.broadcast %max3A_232 : f32 to vector<16xf32>
        %max3A_234 = arith.maximumf %add3A_231, %max3A_233 : vector<16xf32>
        %min3A_235 = arith.constant 0.999998986 : f32
        %min3A_236 = vector.broadcast %min3A_235 : f32 to vector<16xf32>
        %min3A_237 = arith.minimumf %max3A_234, %min3A_236 : vector<16xf32>
        %mul3A_238 = arith.mulf %min3A_237, %convert_element_type3A : vector<16xf32>
        %convert_element_type3A_239 = arith.fptosi %mul3A_238 : vector<16xf32> to vector<16xi32>
        %convert_element_type3A_240 = arith.sitofp %convert_element_type3A_239 : vector<16xi32> to vector<16xf32>
        %sub3A_241 = arith.subf %mul3A_238, %convert_element_type3A_240 : vector<16xf32>
        %get3A_242 = arith.constant 0 : i64
        %get3A_243 = arith.constant 2 : i64
        %get3A_244 = arith.index_cast %get3A_242 : i64 to index
        %get3A_245 = arith.index_cast %get3A_243 : i64 to index
        %get3A_246 = arith.index_cast %mul3A_201 : i32 to index
        %get3A_247 = tpu.vector_load %arg7[%get3A_244, %get3A_245, %get3A_246] {strides = array<i32>} : memref<2x3x4096xf32, #tpu.memory_space<vmem>>, vector<16xf32>,
        %mul3A_248 = arith.constant 1.000000e-01 : f32
        %mul3A_249 = vector.broadcast %mul3A_248 : f32 to vector<16xf32>
        %mul3A_250 = arith.mulf %get3A_247, %mul3A_249 : vector<16xf32>
        %add3A_251 = arith.constant 5.000000e-01 : f32
        %add3A_252 = vector.broadcast %add3A_251 : f32 to vector<16xf32>
        %add3A_253 = arith.addf %mul3A_250, %add3A_252 : vector<16xf32>
        %max3A_254 = arith.constant 0.000000e+00 : f32
        %max3A_255 = vector.broadcast %max3A_254 : f32 to vector<16xf32>
        %max3A_256 = arith.maximumf %add3A_253, %max3A_255 : vector<16xf32>
        %min3A_257 = arith.constant 0.999998986 : f32
        %min3A_258 = vector.broadcast %min3A_257 : f32 to vector<16xf32>
        %min3A_259 = arith.minimumf %max3A_256, %min3A_258 : vector<16xf32>
        %mul3A_260 = arith.mulf %min3A_259, %convert_element_type3A : vector<16xf32>
        %convert_element_type3A_261 = arith.fptosi %mul3A_260 : vector<16xf32> to vector<16xi32>
        %convert_element_type3A_262 = arith.sitofp %convert_element_type3A_261 : vector<16xi32> to vector<16xf32>
        %sub3A_263 = arith.subf %mul3A_260, %convert_element_type3A_262 : vector<16xf32>
        %mul3A_264 = arith.muli %convert_element_type3A_218, %gather3A_8 : vector<16xi32>
        %mul3A_265 = arith.muli %convert_element_type3A_218, %gather3A_8 : vector<16xi32>
        %add3A_266 = arith.addi %mul3A_265, %gather3A_8 : vector<16xi32>
        %mul3A_267 = arith.muli %convert_element_type3A_239, %gather3A_12 : vector<16xi32>
        %mul3A_268 = arith.muli %convert_element_type3A_239, %gather3A_12 : vector<16xi32>
        %add3A_269 = arith.addi %mul3A_268, %gather3A_12 : vector<16xi32>
        %mul3A_270 = arith.muli %convert_element_type3A_261, %gather3A_16 : vector<16xi32>
        %mul3A_271 = arith.muli %convert_element_type3A_261, %gather3A_16 : vector<16xi32>
        %add3A_272 = arith.addi %mul3A_271, %gather3A_16 : vector<16xi32>
        %sub3A_273 = arith.constant 1.000000e+00 : f32
        %sub3A_274 = vector.broadcast %sub3A_273 : f32 to vector<16xf32>
        %sub3A_275 = arith.subf %sub3A_274, %sub3A : vector<16xf32>
        %sub3A_276 = arith.constant 1.000000e+00 : f32
        %sub3A_277 = vector.broadcast %sub3A_276 : f32 to vector<16xf32>
        %sub3A_278 = arith.subf %sub3A_277, %sub3A_241 : vector<16xf32>
        %sub3A_279 = arith.constant 1.000000e+00 : f32
        %sub3A_280 = vector.broadcast %sub3A_279 : f32 to vector<16xf32>
        %sub3A_281 = arith.subf %sub3A_280, %sub3A_263 : vector<16xf32>
        %mul3A_282 = arith.mulf %sub3A_275, %sub3A_278 : vector<16xf32>
        %mul3A_283 = arith.mulf %sub3A_275, %sub3A_241 : vector<16xf32>
        %mul3A_284 = arith.mulf %sub3A, %sub3A_278 : vector<16xf32>
        %mul3A_285 = arith.mulf %sub3A, %sub3A_241 : vector<16xf32>
        %broadcast_in_dim3A_286 = arith.constant 0.000000e+00 : f32
        %broadcast_in_dim3A_287 = vector.broadcast %broadcast_in_dim3A_286 : f32 to vector<16xf32>
        %broadcast_in_dim3A_288 = arith.constant 0.000000e+00 : f32
        %broadcast_in_dim3A_289 = vector.broadcast %broadcast_in_dim3A_288 : f32 to vector<16xf32>
        %xor3A = arith.xori %mul3A_264, %mul3A_267 : vector<16xi32>
        %xor3A_290 = arith.xori %xor3A, %mul3A_270 : vector<16xi32>
        %and3A = arith.constant 16383 : i32
        %and3A_291 = vector.broadcast %and3A : i32 to vector<16xi32>
        %and3A_292 = arith.andi %xor3A_290, %and3A_291 : vector<16xi32>
        %add3A_293 = arith.addi %mul3A_264, %mul3A_267 : vector<16xi32>
        %add3A_294 = arith.addi %add3A_293, %mul3A_270 : vector<16xi32>
        %select_n3A = arith.select %eq3A_22, %add3A_294, %and3A_292 : vector<16xi1>, vector<16xi32>
        %mul3A_295 = arith.constant 2 : i32
        %mul3A_296 = vector.broadcast %mul3A_295 : i32 to vector<16xi32>
        %mul3A_297 = arith.muli %select_n3A, %mul3A_296 : vector<16xi32>
        %gather3A_298 = tpu.vector_load_idx %arg6[%mul3A_297] : memref<32768xf32, #tpu.memory_space<vmem>>[vector<16xi32>], vector<16xf32>,
        %add3A_299 = arith.constant 1 : i32
        %add3A_300 = vector.broadcast %add3A_299 : i32 to vector<16xi32>
        %add3A_301 = arith.addi %mul3A_297, %add3A_300 : vector<16xi32>
        %gather3A_302 = tpu.vector_load_idx %arg6[%add3A_301] : memref<32768xf32, #tpu.memory_space<vmem>>[vector<16xi32>], vector<16xf32>,
        %mul3A_303 = arith.mulf %mul3A_282, %sub3A_281 : vector<16xf32>
        %mul3A_304 = arith.mulf %gather3A_298, %mul3A_303 : vector<16xf32>
        %add3A_305 = arith.addf %broadcast_in_dim3A_287, %mul3A_304 : vector<16xf32>
        %mul3A_306 = arith.mulf %gather3A_302, %mul3A_303 : vector<16xf32>
        %add3A_307 = arith.addf %broadcast_in_dim3A_289, %mul3A_306 : vector<16xf32>
        %xor3A_308 = arith.xori %mul3A_264, %mul3A_267 : vector<16xi32>
        %xor3A_309 = arith.xori %xor3A_308, %add3A_272 : vector<16xi32>
        %and3A_310 = arith.constant 16383 : i32
        %and3A_311 = vector.broadcast %and3A_310 : i32 to vector<16xi32>
        %and3A_312 = arith.andi %xor3A_309, %and3A_311 : vector<16xi32>
        %add3A_313 = arith.addi %mul3A_264, %mul3A_267 : vector<16xi32>
        %add3A_314 = arith.addi %add3A_313, %add3A_272 : vector<16xi32>
        %select_n3A_315 = arith.select %eq3A_22, %add3A_314, %and3A_312 : vector<16xi1>, vector<16xi32>
        %mul3A_316 = arith.constant 2 : i32
        %mul3A_317 = vector.broadcast %mul3A_316 : i32 to vector<16xi32>
        %mul3A_318 = arith.muli %select_n3A_315, %mul3A_317 : vector<16xi32>
        %gather3A_319 = tpu.vector_load_idx %arg6[%mul3A_318] : memref<32768xf32, #tpu.memory_space<vmem>>[vector<16xi32>], vector<16xf32>,
        %add3A_320 = arith.constant 1 : i32
        %add3A_321 = vector.broadcast %add3A_320 : i32 to vector<16xi32>
        %add3A_322 = arith.addi %mul3A_318, %add3A_321 : vector<16xi32>
        %gather3A_323 = tpu.vector_load_idx %arg6[%add3A_322] : memref<32768xf32, #tpu.memory_space<vmem>>[vector<16xi32>], vector<16xf32>,
        %mul3A_324 = arith.mulf %mul3A_282, %sub3A_263 : vector<16xf32>
        %mul3A_325 = arith.mulf %gather3A_319, %mul3A_324 : vector<16xf32>
        %add3A_326 = arith.addf %add3A_305, %mul3A_325 : vector<16xf32>
        %mul3A_327 = arith.mulf %gather3A_323, %mul3A_324 : vector<16xf32>
        %add3A_328 = arith.addf %add3A_307, %mul3A_327 : vector<16xf32>
        %xor3A_329 = arith.xori %mul3A_264, %add3A_269 : vector<16xi32>
        %xor3A_330 = arith.xori %xor3A_329, %mul3A_270 : vector<16xi32>
        %and3A_331 = arith.constant 16383 : i32
        %and3A_332 = vector.broadcast %and3A_331 : i32 to vector<16xi32>
        %and3A_333 = arith.andi %xor3A_330, %and3A_332 : vector<16xi32>
        %add3A_334 = arith.addi %mul3A_264, %add3A_269 : vector<16xi32>
        %add3A_335 = arith.addi %add3A_334, %mul3A_270 : vector<16xi32>
        %select_n3A_336 = arith.select %eq3A_22, %add3A_335, %and3A_333 : vector<16xi1>, vector<16xi32>
        %mul3A_337 = arith.constant 2 : i32
        %mul3A_338 = vector.broadcast %mul3A_337 : i32 to vector<16xi32>
        %mul3A_339 = arith.muli %select_n3A_336, %mul3A_338 : vector<16xi32>
        %gather3A_340 = tpu.vector_load_idx %arg6[%mul3A_339] : memref<32768xf32, #tpu.memory_space<vmem>>[vector<16xi32>], vector<16xf32>,
        %add3A_341 = arith.constant 1 : i32
        %add3A_342 = vector.broadcast %add3A_341 : i32 to vector<16xi32>
        %add3A_343 = arith.addi %mul3A_339, %add3A_342 : vector<16xi32>
        %gather3A_344 = tpu.vector_load_idx %arg6[%add3A_343] : memref<32768xf32, #tpu.memory_space<vmem>>[vector<16xi32>], vector<16xf32>,
        %mul3A_345 = arith.mulf %mul3A_283, %sub3A_281 : vector<16xf32>
        %mul3A_346 = arith.mulf %gather3A_340, %mul3A_345 : vector<16xf32>
        %add3A_347 = arith.addf %add3A_326, %mul3A_346 : vector<16xf32>
        %mul3A_348 = arith.mulf %gather3A_344, %mul3A_345 : vector<16xf32>
        %add3A_349 = arith.addf %add3A_328, %mul3A_348 : vector<16xf32>
        %xor3A_350 = arith.xori %mul3A_264, %add3A_269 : vector<16xi32>
        %xor3A_351 = arith.xori %xor3A_350, %add3A_272 : vector<16xi32>
        %and3A_352 = arith.constant 16383 : i32
        %and3A_353 = vector.broadcast %and3A_352 : i32 to vector<16xi32>
        %and3A_354 = arith.andi %xor3A_351, %and3A_353 : vector<16xi32>
        %add3A_355 = arith.addi %mul3A_264, %add3A_269 : vector<16xi32>
        %add3A_356 = arith.addi %add3A_355, %add3A_272 : vector<16xi32>
        %select_n3A_357 = arith.select %eq3A_22, %add3A_356, %and3A_354 : vector<16xi1>, vector<16xi32>
        %mul3A_358 = arith.constant 2 : i32
        %mul3A_359 = vector.broadcast %mul3A_358 : i32 to vector<16xi32>
        %mul3A_360 = arith.muli %select_n3A_357, %mul3A_359 : vector<16xi32>
        %gather3A_361 = tpu.vector_load_idx %arg6[%mul3A_360] : memref<32768xf32, #tpu.memory_space<vmem>>[vector<16xi32>], vector<16xf32>,
        %add3A_362 = arith.constant 1 : i32
        %add3A_363 = vector.broadcast %add3A_362 : i32 to vector<16xi32>
        %add3A_364 = arith.addi %mul3A_360, %add3A_363 : vector<16xi32>
        %gather3A_365 = tpu.vector_load_idx %arg6[%add3A_364] : memref<32768xf32, #tpu.memory_space<vmem>>[vector<16xi32>], vector<16xf32>,
        %mul3A_366 = arith.mulf %mul3A_283, %sub3A_263 : vector<16xf32>
        %mul3A_367 = arith.mulf %gather3A_361, %mul3A_366 : vector<16xf32>
        %add3A_368 = arith.addf %add3A_347, %mul3A_367 : vector<16xf32>
        %mul3A_369 = arith.mulf %gather3A_365, %mul3A_366 : vector<16xf32>
        %add3A_370 = arith.addf %add3A_349, %mul3A_369 : vector<16xf32>
        %xor3A_371 = arith.xori %add3A_266, %mul3A_267 : vector<16xi32>
        %xor3A_372 = arith.xori %xor3A_371, %mul3A_270 : vector<16xi32>
        %and3A_373 = arith.constant 16383 : i32
        %and3A_374 = vector.broadcast %and3A_373 : i32 to vector<16xi32>
        %and3A_375 = arith.andi %xor3A_372, %and3A_374 : vector<16xi32>
        %add3A_376 = arith.addi %add3A_266, %mul3A_267 : vector<16xi32>
        %add3A_377 = arith.addi %add3A_376, %mul3A_270 : vector<16xi32>
        %select_n3A_378 = arith.select %eq3A_22, %add3A_377, %and3A_375 : vector<16xi1>, vector<16xi32>
        %mul3A_379 = arith.constant 2 : i32
        %mul3A_380 = vector.broadcast %mul3A_379 : i32 to vector<16xi32>
        %mul3A_381 = arith.muli %select_n3A_378, %mul3A_380 : vector<16xi32>
        %gather3A_382 = tpu.vector_load_idx %arg6[%mul3A_381] : memref<32768xf32, #tpu.memory_space<vmem>>[vector<16xi32>], vector<16xf32>,
        %add3A_383 = arith.constant 1 : i32
        %add3A_384 = vector.broadcast %add3A_383 : i32 to vector<16xi32>
        %add3A_385 = arith.addi %mul3A_381, %add3A_384 : vector<16xi32>
        %gather3A_386 = tpu.vector_load_idx %arg6[%add3A_385] : memref<32768xf32, #tpu.memory_space<vmem>>[vector<16xi32>], vector<16xf32>,
        %mul3A_387 = arith.mulf %mul3A_284, %sub3A_281 : vector<16xf32>
        %mul3A_388 = arith.mulf %gather3A_382, %mul3A_387 : vector<16xf32>
        %add3A_389 = arith.addf %add3A_368, %mul3A_388 : vector<16xf32>
        %mul3A_390 = arith.mulf %gather3A_386, %mul3A_387 : vector<16xf32>
        %add3A_391 = arith.addf %add3A_370, %mul3A_390 : vector<16xf32>
        %xor3A_392 = arith.xori %add3A_266, %mul3A_267 : vector<16xi32>
        %xor3A_393 = arith.xori %xor3A_392, %add3A_272 : vector<16xi32>
        %and3A_394 = arith.constant 16383 : i32
        %and3A_395 = vector.broadcast %and3A_394 : i32 to vector<16xi32>
        %and3A_396 = arith.andi %xor3A_393, %and3A_395 : vector<16xi32>
        %add3A_397 = arith.addi %add3A_266, %mul3A_267 : vector<16xi32>
        %add3A_398 = arith.addi %add3A_397, %add3A_272 : vector<16xi32>
        %select_n3A_399 = arith.select %eq3A_22, %add3A_398, %and3A_396 : vector<16xi1>, vector<16xi32>
        %mul3A_400 = arith.constant 2 : i32
        %mul3A_401 = vector.broadcast %mul3A_400 : i32 to vector<16xi32>
        %mul3A_402 = arith.muli %select_n3A_399, %mul3A_401 : vector<16xi32>
        %gather3A_403 = tpu.vector_load_idx %arg6[%mul3A_402] : memref<32768xf32, #tpu.memory_space<vmem>>[vector<16xi32>], vector<16xf32>,
        %add3A_404 = arith.constant 1 : i32
        %add3A_405 = vector.broadcast %add3A_404 : i32 to vector<16xi32>
        %add3A_406 = arith.addi %mul3A_402, %add3A_405 : vector<16xi32>
        %gather3A_407 = tpu.vector_load_idx %arg6[%add3A_406] : memref<32768xf32, #tpu.memory_space<vmem>>[vector<16xi32>], vector<16xf32>,
        %mul3A_408 = arith.mulf %mul3A_284, %sub3A_263 : vector<16xf32>
        %mul3A_409 = arith.mulf %gather3A_403, %mul3A_408 : vector<16xf32>
        %add3A_410 = arith.addf %add3A_389, %mul3A_409 : vector<16xf32>
        %mul3A_411 = arith.mulf %gather3A_407, %mul3A_408 : vector<16xf32>
        %add3A_412 = arith.addf %add3A_391, %mul3A_411 : vector<16xf32>
        %xor3A_413 = arith.xori %add3A_266, %add3A_269 : vector<16xi32>
        %xor3A_414 = arith.xori %xor3A_413, %mul3A_270 : vector<16xi32>
        %and3A_415 = arith.constant 16383 : i32
        %and3A_416 = vector.broadcast %and3A_415 : i32 to vector<16xi32>
        %and3A_417 = arith.andi %xor3A_414, %and3A_416 : vector<16xi32>
        %add3A_418 = arith.addi %add3A_266, %add3A_269 : vector<16xi32>
        %add3A_419 = arith.addi %add3A_418, %mul3A_270 : vector<16xi32>
        %select_n3A_420 = arith.select %eq3A_22, %add3A_419, %and3A_417 : vector<16xi1>, vector<16xi32>
        %mul3A_421 = arith.constant 2 : i32
        %mul3A_422 = vector.broadcast %mul3A_421 : i32 to vector<16xi32>
        %mul3A_423 = arith.muli %select_n3A_420, %mul3A_422 : vector<16xi32>
        %gather3A_424 = tpu.vector_load_idx %arg6[%mul3A_423] : memref<32768xf32, #tpu.memory_space<vmem>>[vector<16xi32>], vector<16xf32>,
        %add3A_425 = arith.constant 1 : i32
        %add3A_426 = vector.broadcast %add3A_425 : i32 to vector<16xi32>
        %add3A_427 = arith.addi %mul3A_423, %add3A_426 : vector<16xi32>
        %gather3A_428 = tpu.vector_load_idx %arg6[%add3A_427] : memref<32768xf32, #tpu.memory_space<vmem>>[vector<16xi32>], vector<16xf32>,
        %mul3A_429 = arith.mulf %mul3A_285, %sub3A_281 : vector<16xf32>
        %mul3A_430 = arith.mulf %gather3A_424, %mul3A_429 : vector<16xf32>
        %add3A_431 = arith.addf %add3A_410, %mul3A_430 : vector<16xf32>
        %mul3A_432 = arith.mulf %gather3A_428, %mul3A_429 : vector<16xf32>
        %add3A_433 = arith.addf %add3A_412, %mul3A_432 : vector<16xf32>
        %xor3A_434 = arith.xori %add3A_266, %add3A_269 : vector<16xi32>
        %xor3A_435 = arith.xori %xor3A_434, %add3A_272 : vector<16xi32>
        %and3A_436 = arith.constant 16383 : i32
        %and3A_437 = vector.broadcast %and3A_436 : i32 to vector<16xi32>
        %and3A_438 = arith.andi %xor3A_435, %and3A_437 : vector<16xi32>
        %add3A_439 = arith.addi %add3A_266, %add3A_269 : vector<16xi32>
        %add3A_440 = arith.addi %add3A_439, %add3A_272 : vector<16xi32>
        %select_n3A_441 = arith.select %eq3A_22, %add3A_440, %and3A_438 : vector<16xi1>, vector<16xi32>
        %mul3A_442 = arith.constant 2 : i32
        %mul3A_443 = vector.broadcast %mul3A_442 : i32 to vector<16xi32>
        %mul3A_444 = arith.muli %select_n3A_441, %mul3A_443 : vector<16xi32>
        %gather3A_445 = tpu.vector_load_idx %arg6[%mul3A_444] : memref<32768xf32, #tpu.memory_space<vmem>>[vector<16xi32>], vector<16xf32>,
        %add3A_446 = arith.constant 1 : i32
        %add3A_447 = vector.broadcast %add3A_446 : i32 to vector<16xi32>
        %add3A_448 = arith.addi %mul3A_444, %add3A_447 : vector<16xi32>
        %gather3A_449 = tpu.vector_load_idx %arg6[%add3A_448] : memref<32768xf32, #tpu.memory_space<vmem>>[vector<16xi32>], vector<16xf32>,
        %mul3A_450 = arith.mulf %mul3A_285, %sub3A_263 : vector<16xf32>
        %mul3A_451 = arith.mulf %gather3A_445, %mul3A_450 : vector<16xf32>
        %add3A_452 = arith.addf %add3A_431, %mul3A_451 : vector<16xf32>
        %mul3A_453 = arith.mulf %gather3A_449, %mul3A_450 : vector<16xf32>
        %add3A_454 = arith.addf %add3A_433, %mul3A_453 : vector<16xf32>
        %swap3A = arith.constant 0 : i64
        %swap3A_455 = arith.constant 0 : i64
        %swap3A_456 = arith.index_cast %swap3A : i64 to index
        %swap3A_457 = arith.index_cast %swap3A_455 : i64 to index
        %swap3A_458 = arith.index_cast %mul3A_201 : i32 to index
        %swap3A_459 = tpu.vector_load %arg8[%swap3A_456, %swap3A_457, %swap3A_458] {strides = array<i32>} : memref<2x2x4096xf32, #tpu.memory_space<vmem>>, vector<16xf32>,
        tpu.vector_store %arg8[%swap3A_456, %swap3A_457, %swap3A_458], %add3A_452 {strides = array<i32>} : memref<2x2x4096xf32, #tpu.memory_space<vmem>>, vector<16xf32>,
        %swap3A_460 = arith.constant 0 : i64
        %swap3A_461 = arith.constant 1 : i64
        %swap3A_462 = arith.index_cast %swap3A_460 : i64 to index
        %swap3A_463 = arith.index_cast %swap3A_461 : i64 to index
        %swap3A_464 = arith.index_cast %mul3A_201 : i32 to index
        %swap3A_465 = tpu.vector_load %arg8[%swap3A_462, %swap3A_463, %swap3A_464] {strides = array<i32>} : memref<2x2x4096xf32, #tpu.memory_space<vmem>>, vector<16xf32>,
        tpu.vector_store %arg8[%swap3A_462, %swap3A_463, %swap3A_464], %add3A_454 {strides = array<i32>} : memref<2x2x4096xf32, #tpu.memory_space<vmem>>, vector<16xf32>,
      }
      %mul3A_124 = arith.constant 4096 : i32
      %mul3A_125 = arith.muli %add3A_87, %mul3A_124 : i32
      %add3A_126 = arith.addi %mul3A_23, %mul3A_125 : i32
      %mul3A_127 = arith.constant 2 : i32
      %mul3A_128 = arith.muli %mul3A_127, %arg1 : i32
      %dma_start3A_129 = arith.constant 0 : i32
      %dma_start3A_130 = arith.constant 0 : i32
      %dma_start3A_131 = arith.constant 0 : i32
      %dma_start3A_132 = tpu.memref_slice %arg8[%dma_start3A_129, %dma_start3A_130, %dma_start3A_131] : memref<2x2x4096xf32, #tpu.memory_space<vmem>> -> memref<1x2x4096xf32, #tpu.memory_space<vmem>>
      %dma_start3A_133 = tpu.memref_squeeze %dma_start3A_132 : memref<1x2x4096xf32, #tpu.memory_space<vmem>> -> memref<2x4096xf32, #tpu.memory_space<vmem>>
      %dma_start3A_134 = tpu.memref_slice %arg5[%mul3A_128, %add3A_126] : memref<32x262144xf32, #tpu.memory_space<hbm>> -> memref<2x4096xf32, #tpu.memory_space<hbm>>
      %dma_start3A_135 = tpu.memref_slice %arg5[%mul3A_128, %add3A_126] : memref<32x262144xf32, #tpu.memory_space<hbm>> -> memref<2x4096xf32, #tpu.memory_space<hbm>>
      %dma_start3A_136 = arith.constant 0 : i32
      %dma_start3A_137 = arith.constant 0 : i32
      %dma_start3A_138 = tpu.memref_slice %arg8[%dma_start3A_129, %dma_start3A_136, %dma_start3A_137] : memref<2x2x4096xf32, #tpu.memory_space<vmem>> -> memref<1x2x4096xf32, #tpu.memory_space<vmem>>
      %dma_start3A_139 = tpu.memref_squeeze %dma_start3A_138 : memref<1x2x4096xf32, #tpu.memory_space<vmem>> -> memref<2x4096xf32, #tpu.memory_space<vmem>>
      tpu.enqueue_dma source(%dma_start3A_139 : memref<2x4096xf32, #tpu.memory_space<vmem>>) target(%dma_start3A_135 : memref<2x4096xf32, #tpu.memory_space<hbm>>) target_semaphore(%arg12 : memref<!tpu.dma_semaphore, #tpu.memory_space<semaphore_mem>>)
      %mul3A_140 = arith.constant 2 : i32
      %mul3A_141 = arith.muli %while3A_83, %mul3A_140 : i32
      %add3A_142 = arith.constant 1 : i32
      %add3A_143 = arith.addi %mul3A_141, %add3A_142 : i32
      %mul3A_144 = arith.constant 4096 : i32
      %mul3A_145 = arith.muli %add3A_143, %mul3A_144 : i32
      %add3A_146 = arith.addi %mul3A_23, %mul3A_145 : i32
      %dma_wait3A_147 = arith.constant 1 : i32
      %dma_wait3A_148 = arith.constant 0 : i32
      %dma_wait3A_149 = arith.constant 0 : i32
      %dma_wait3A_150 = tpu.memref_slice %arg7[%dma_wait3A_147, %dma_wait3A_148, %dma_wait3A_149] : memref<2x3x4096xf32, #tpu.memory_space<vmem>> -> memref<1x3x4096xf32, #tpu.memory_space<vmem>>
      %dma_wait3A_151 = tpu.memref_squeeze %dma_wait3A_150 : memref<1x3x4096xf32, #tpu.memory_space<vmem>> -> memref<3x4096xf32, #tpu.memory_space<vmem>>
      %dma_wait3A_152 = arith.constant 0 : i32
      %dma_wait3A_153 = tpu.memref_slice %arg2[%dma_wait3A_152, %add3A_146] : memref<3x262144xf32, #tpu.memory_space<hbm>> -> memref<3x4096xf32, #tpu.memory_space<hbm>>
      %dma_wait3A_154 = arith.constant 0 : i32
      %dma_wait3A_155 = arith.constant 0 : i32
      %dma_wait3A_156 = tpu.memref_slice %arg7[%dma_wait3A_147, %dma_wait3A_154, %dma_wait3A_155] : memref<2x3x4096xf32, #tpu.memory_space<vmem>> -> memref<1x3x4096xf32, #tpu.memory_space<vmem>>
      %dma_wait3A_157 = tpu.memref_squeeze %dma_wait3A_156 : memref<1x3x4096xf32, #tpu.memory_space<vmem>> -> memref<3x4096xf32, #tpu.memory_space<vmem>>
      %dma_wait3A_158 = arith.constant 0 : i32
      %dma_wait3A_159 = tpu.memref_slice %arg2[%dma_wait3A_158, %add3A_146] : memref<3x262144xf32, #tpu.memory_space<hbm>> -> memref<3x4096xf32, #tpu.memory_space<hbm>>
      tpu.wait_dma2 semaphore(%arg11 : memref<!tpu.dma_semaphore, #tpu.memory_space<semaphore_mem>>) src(%dma_wait3A_159 : memref<3x4096xf32, #tpu.memory_space<hbm>>) dst(%dma_wait3A_157 : memref<3x4096xf32, #tpu.memory_space<vmem>>)
      %add3A_160 = arith.constant 1 : i32
      %add3A_161 = arith.addi %add3A_143, %add3A_160 : i32
      %lt3A_162 = arith.constant 32 : i32
      %lt3A_163 = arith.cmpi slt, %add3A_161, %lt3A_162 : i32
      %convert_element_type3A_164 = arith.extui %lt3A_163 : i1 to i32
      %cond3A_165 = arith.constant 0 : i32
      %cond3A_166 = arith.cmpi ne, %convert_element_type3A_164, %cond3A_165 : i32
      scf.if %cond3A_166 {
        %add3A_199 = arith.constant 1 : i32
        %add3A_200 = arith.addi %add3A_143, %add3A_199 : i32
        %mul3A_201 = arith.constant 4096 : i32
        %mul3A_202 = arith.muli %add3A_200, %mul3A_201 : i32
        %add3A_203 = arith.addi %mul3A_23, %mul3A_202 : i32
        %dma_start3A_204 = arith.constant 0 : i32
        %dma_start3A_205 = arith.constant 0 : i32
        %dma_start3A_206 = arith.constant 0 : i32
        %dma_start3A_207 = tpu.memref_slice %arg7[%dma_start3A_204, %dma_start3A_205, %dma_start3A_206] : memref<2x3x4096xf32, #tpu.memory_space<vmem>> -> memref<1x3x4096xf32, #tpu.memory_space<vmem>>
        %dma_start3A_208 = tpu.memref_squeeze %dma_start3A_207 : memref<1x3x4096xf32, #tpu.memory_space<vmem>> -> memref<3x4096xf32, #tpu.memory_space<vmem>>
        %dma_start3A_209 = arith.constant 0 : i32
        %dma_start3A_210 = tpu.memref_slice %arg2[%dma_start3A_209, %add3A_203] : memref<3x262144xf32, #tpu.memory_space<hbm>> -> memref<3x4096xf32, #tpu.memory_space<hbm>>
        %dma_start3A_211 = arith.constant 0 : i32
        %dma_start3A_212 = arith.constant 0 : i32
        %dma_start3A_213 = tpu.memref_slice %arg7[%dma_start3A_204, %dma_start3A_211, %dma_start3A_212] : memref<2x3x4096xf32, #tpu.memory_space<vmem>> -> memref<1x3x4096xf32, #tpu.memory_space<vmem>>
        %dma_start3A_214 = tpu.memref_squeeze %dma_start3A_213 : memref<1x3x4096xf32, #tpu.memory_space<vmem>> -> memref<3x4096xf32, #tpu.memory_space<vmem>>
        %dma_start3A_215 = arith.constant 0 : i32
        %dma_start3A_216 = tpu.memref_slice %arg2[%dma_start3A_215, %add3A_203] : memref<3x262144xf32, #tpu.memory_space<hbm>> -> memref<3x4096xf32, #tpu.memory_space<hbm>>
        tpu.enqueue_dma source(%dma_start3A_216 : memref<3x4096xf32, #tpu.memory_space<hbm>>) target(%dma_start3A_214 : memref<3x4096xf32, #tpu.memory_space<vmem>>) target_semaphore(%arg10 : memref<!tpu.dma_semaphore, #tpu.memory_space<semaphore_mem>>)
      } else {
      }
      %ge3A_167 = arith.constant 2 : i32
      %ge3A_168 = arith.cmpi sge, %add3A_143, %ge3A_167 : i32
      %convert_element_type3A_169 = arith.extui %ge3A_168 : i1 to i32
      %cond3A_170 = arith.constant 0 : i32
      %cond3A_171 = arith.cmpi ne, %convert_element_type3A_169, %cond3A_170 : i32
      scf.if %cond3A_171 {
        %sub3A = arith.constant 2 : i32
        %sub3A_199 = arith.subi %add3A_143, %sub3A : i32
        %mul3A_200 = arith.constant 4096 : i32
        %mul3A_201 = arith.muli %sub3A_199, %mul3A_200 : i32
        %add3A_202 = arith.addi %mul3A_23, %mul3A_201 : i32
        %mul3A_203 = arith.constant 2 : i32
        %mul3A_204 = arith.muli %mul3A_203, %arg1 : i32
        %dma_wait3A_205 = arith.constant 1 : i32
        %dma_wait3A_206 = arith.constant 0 : i32
        %dma_wait3A_207 = arith.constant 0 : i32
        %dma_wait3A_208 = tpu.memref_slice %arg8[%dma_wait3A_205, %dma_wait3A_206, %dma_wait3A_207] : memref<2x2x4096xf32, #tpu.memory_space<vmem>> -> memref<1x2x4096xf32, #tpu.memory_space<vmem>>
        %dma_wait3A_209 = tpu.memref_squeeze %dma_wait3A_208 : memref<1x2x4096xf32, #tpu.memory_space<vmem>> -> memref<2x4096xf32, #tpu.memory_space<vmem>>
        %dma_wait3A_210 = tpu.memref_slice %arg5[%mul3A_204, %add3A_202] : memref<32x262144xf32, #tpu.memory_space<hbm>> -> memref<2x4096xf32, #tpu.memory_space<hbm>>
        %dma_wait3A_211 = tpu.memref_slice %arg5[%mul3A_204, %add3A_202] : memref<32x262144xf32, #tpu.memory_space<hbm>> -> memref<2x4096xf32, #tpu.memory_space<hbm>>
        %dma_wait3A_212 = arith.constant 0 : i32
        %dma_wait3A_213 = arith.constant 0 : i32
        %dma_wait3A_214 = tpu.memref_slice %arg8[%dma_wait3A_205, %dma_wait3A_212, %dma_wait3A_213] : memref<2x2x4096xf32, #tpu.memory_space<vmem>> -> memref<1x2x4096xf32, #tpu.memory_space<vmem>>
        %dma_wait3A_215 = tpu.memref_squeeze %dma_wait3A_214 : memref<1x2x4096xf32, #tpu.memory_space<vmem>> -> memref<2x4096xf32, #tpu.memory_space<vmem>>
        tpu.wait_dma2 semaphore(%arg13 : memref<!tpu.dma_semaphore, #tpu.memory_space<semaphore_mem>>) src(%dma_wait3A_215 : memref<2x4096xf32, #tpu.memory_space<vmem>>) dst(%dma_wait3A_211 : memref<2x4096xf32, #tpu.memory_space<hbm>>)
      } else {
      }
      %while3A_172 = arith.constant 0 : i32
      %while3A_173 = arith.constant 0 : i32
      %while3A_174 = arith.constant 256 : i32
      %while3A_175 = arith.subi %while3A_174, %while3A_173 : i32
      %while3A_176 = arith.addi %while3A_173, %while3A_175 : i32
      %while3A_177 = arith.constant 1 : i32
      %while3A_178 = arith.divsi %while3A_175, %while3A_177 : i32
      %while3A_179 = arith.muli %while3A_178, %while3A_177 : i32
      %while3A_180 = arith.addi %while3A_173, %while3A_179 : i32
      %while3A_181 = arith.constant 1 : i32
      scf.for %while3A_199 = %while3A_173 to %while3A_180 step %while3A_181  : i32 {
        %mul3A_200 = arith.constant 16 : i32
        %mul3A_201 = arith.muli %while3A_199, %mul3A_200 : i32
        %get3A = arith.constant 1 : i64
        %get3A_202 = arith.constant 0 : i64
        %get3A_203 = arith.index_cast %get3A : i64 to index
        %get3A_204 = arith.index_cast %get3A_202 : i64 to index
        %get3A_205 = arith.index_cast %mul3A_201 : i32 to index
        %get3A_206 = tpu.vector_load %arg7[%get3A_203, %get3A_204, %get3A_205] {strides = array<i32>} : memref<2x3x4096xf32, #tpu.memory_space<vmem>>, vector<16xf32>,
        %mul3A_207 = arith.constant 1.000000e-01 : f32
        %mul3A_208 = vector.broadcast %mul3A_207 : f32 to vector<16xf32>
        %mul3A_209 = arith.mulf %get3A_206, %mul3A_208 : vector<16xf32>
        %add3A_210 = arith.constant 5.000000e-01 : f32
        %add3A_211 = vector.broadcast %add3A_210 : f32 to vector<16xf32>
        %add3A_212 = arith.addf %mul3A_209, %add3A_211 : vector<16xf32>
        %max3A = arith.constant 0.000000e+00 : f32
        %max3A_213 = vector.broadcast %max3A : f32 to vector<16xf32>
        %max3A_214 = arith.maximumf %add3A_212, %max3A_213 : vector<16xf32>
        %min3A = arith.constant 0.999998986 : f32
        %min3A_215 = vector.broadcast %min3A : f32 to vector<16xf32>
        %min3A_216 = arith.minimumf %max3A_214, %min3A_215 : vector<16xf32>
        %mul3A_217 = arith.mulf %min3A_216, %convert_element_type3A : vector<16xf32>
        %convert_element_type3A_218 = arith.fptosi %mul3A_217 : vector<16xf32> to vector<16xi32>
        %convert_element_type3A_219 = arith.sitofp %convert_element_type3A_218 : vector<16xi32> to vector<16xf32>
        %sub3A = arith.subf %mul3A_217, %convert_element_type3A_219 : vector<16xf32>
        %get3A_220 = arith.constant 1 : i64
        %get3A_221 = arith.constant 1 : i64
        %get3A_222 = arith.index_cast %get3A_220 : i64 to index
        %get3A_223 = arith.index_cast %get3A_221 : i64 to index
        %get3A_224 = arith.index_cast %mul3A_201 : i32 to index
        %get3A_225 = tpu.vector_load %arg7[%get3A_222, %get3A_223, %get3A_224] {strides = array<i32>} : memref<2x3x4096xf32, #tpu.memory_space<vmem>>, vector<16xf32>,
        %mul3A_226 = arith.constant 1.000000e-01 : f32
        %mul3A_227 = vector.broadcast %mul3A_226 : f32 to vector<16xf32>
        %mul3A_228 = arith.mulf %get3A_225, %mul3A_227 : vector<16xf32>
        %add3A_229 = arith.constant 5.000000e-01 : f32
        %add3A_230 = vector.broadcast %add3A_229 : f32 to vector<16xf32>
        %add3A_231 = arith.addf %mul3A_228, %add3A_230 : vector<16xf32>
        %max3A_232 = arith.constant 0.000000e+00 : f32
        %max3A_233 = vector.broadcast %max3A_232 : f32 to vector<16xf32>
        %max3A_234 = arith.maximumf %add3A_231, %max3A_233 : vector<16xf32>
        %min3A_235 = arith.constant 0.999998986 : f32
        %min3A_236 = vector.broadcast %min3A_235 : f32 to vector<16xf32>
        %min3A_237 = arith.minimumf %max3A_234, %min3A_236 : vector<16xf32>
        %mul3A_238 = arith.mulf %min3A_237, %convert_element_type3A : vector<16xf32>
        %convert_element_type3A_239 = arith.fptosi %mul3A_238 : vector<16xf32> to vector<16xi32>
        %convert_element_type3A_240 = arith.sitofp %convert_element_type3A_239 : vector<16xi32> to vector<16xf32>
        %sub3A_241 = arith.subf %mul3A_238, %convert_element_type3A_240 : vector<16xf32>
        %get3A_242 = arith.constant 1 : i64
        %get3A_243 = arith.constant 2 : i64
        %get3A_244 = arith.index_cast %get3A_242 : i64 to index
        %get3A_245 = arith.index_cast %get3A_243 : i64 to index
        %get3A_246 = arith.index_cast %mul3A_201 : i32 to index
        %get3A_247 = tpu.vector_load %arg7[%get3A_244, %get3A_245, %get3A_246] {strides = array<i32>} : memref<2x3x4096xf32, #tpu.memory_space<vmem>>, vector<16xf32>,
        %mul3A_248 = arith.constant 1.000000e-01 : f32
        %mul3A_249 = vector.broadcast %mul3A_248 : f32 to vector<16xf32>
        %mul3A_250 = arith.mulf %get3A_247, %mul3A_249 : vector<16xf32>
        %add3A_251 = arith.constant 5.000000e-01 : f32
        %add3A_252 = vector.broadcast %add3A_251 : f32 to vector<16xf32>
        %add3A_253 = arith.addf %mul3A_250, %add3A_252 : vector<16xf32>
        %max3A_254 = arith.constant 0.000000e+00 : f32
        %max3A_255 = vector.broadcast %max3A_254 : f32 to vector<16xf32>
        %max3A_256 = arith.maximumf %add3A_253, %max3A_255 : vector<16xf32>
        %min3A_257 = arith.constant 0.999998986 : f32
        %min3A_258 = vector.broadcast %min3A_257 : f32 to vector<16xf32>
        %min3A_259 = arith.minimumf %max3A_256, %min3A_258 : vector<16xf32>
        %mul3A_260 = arith.mulf %min3A_259, %convert_element_type3A : vector<16xf32>
        %convert_element_type3A_261 = arith.fptosi %mul3A_260 : vector<16xf32> to vector<16xi32>
        %convert_element_type3A_262 = arith.sitofp %convert_element_type3A_261 : vector<16xi32> to vector<16xf32>
        %sub3A_263 = arith.subf %mul3A_260, %convert_element_type3A_262 : vector<16xf32>
        %mul3A_264 = arith.muli %convert_element_type3A_218, %gather3A_8 : vector<16xi32>
        %mul3A_265 = arith.muli %convert_element_type3A_218, %gather3A_8 : vector<16xi32>
        %add3A_266 = arith.addi %mul3A_265, %gather3A_8 : vector<16xi32>
        %mul3A_267 = arith.muli %convert_element_type3A_239, %gather3A_12 : vector<16xi32>
        %mul3A_268 = arith.muli %convert_element_type3A_239, %gather3A_12 : vector<16xi32>
        %add3A_269 = arith.addi %mul3A_268, %gather3A_12 : vector<16xi32>
        %mul3A_270 = arith.muli %convert_element_type3A_261, %gather3A_16 : vector<16xi32>
        %mul3A_271 = arith.muli %convert_element_type3A_261, %gather3A_16 : vector<16xi32>
        %add3A_272 = arith.addi %mul3A_271, %gather3A_16 : vector<16xi32>
        %sub3A_273 = arith.constant 1.000000e+00 : f32
        %sub3A_274 = vector.broadcast %sub3A_273 : f32 to vector<16xf32>
        %sub3A_275 = arith.subf %sub3A_274, %sub3A : vector<16xf32>
        %sub3A_276 = arith.constant 1.000000e+00 : f32
        %sub3A_277 = vector.broadcast %sub3A_276 : f32 to vector<16xf32>
        %sub3A_278 = arith.subf %sub3A_277, %sub3A_241 : vector<16xf32>
        %sub3A_279 = arith.constant 1.000000e+00 : f32
        %sub3A_280 = vector.broadcast %sub3A_279 : f32 to vector<16xf32>
        %sub3A_281 = arith.subf %sub3A_280, %sub3A_263 : vector<16xf32>
        %mul3A_282 = arith.mulf %sub3A_275, %sub3A_278 : vector<16xf32>
        %mul3A_283 = arith.mulf %sub3A_275, %sub3A_241 : vector<16xf32>
        %mul3A_284 = arith.mulf %sub3A, %sub3A_278 : vector<16xf32>
        %mul3A_285 = arith.mulf %sub3A, %sub3A_241 : vector<16xf32>
        %broadcast_in_dim3A_286 = arith.constant 0.000000e+00 : f32
        %broadcast_in_dim3A_287 = vector.broadcast %broadcast_in_dim3A_286 : f32 to vector<16xf32>
        %broadcast_in_dim3A_288 = arith.constant 0.000000e+00 : f32
        %broadcast_in_dim3A_289 = vector.broadcast %broadcast_in_dim3A_288 : f32 to vector<16xf32>
        %xor3A = arith.xori %mul3A_264, %mul3A_267 : vector<16xi32>
        %xor3A_290 = arith.xori %xor3A, %mul3A_270 : vector<16xi32>
        %and3A = arith.constant 16383 : i32
        %and3A_291 = vector.broadcast %and3A : i32 to vector<16xi32>
        %and3A_292 = arith.andi %xor3A_290, %and3A_291 : vector<16xi32>
        %add3A_293 = arith.addi %mul3A_264, %mul3A_267 : vector<16xi32>
        %add3A_294 = arith.addi %add3A_293, %mul3A_270 : vector<16xi32>
        %select_n3A = arith.select %eq3A_22, %add3A_294, %and3A_292 : vector<16xi1>, vector<16xi32>
        %mul3A_295 = arith.constant 2 : i32
        %mul3A_296 = vector.broadcast %mul3A_295 : i32 to vector<16xi32>
        %mul3A_297 = arith.muli %select_n3A, %mul3A_296 : vector<16xi32>
        %gather3A_298 = tpu.vector_load_idx %arg6[%mul3A_297] : memref<32768xf32, #tpu.memory_space<vmem>>[vector<16xi32>], vector<16xf32>,
        %add3A_299 = arith.constant 1 : i32
        %add3A_300 = vector.broadcast %add3A_299 : i32 to vector<16xi32>
        %add3A_301 = arith.addi %mul3A_297, %add3A_300 : vector<16xi32>
        %gather3A_302 = tpu.vector_load_idx %arg6[%add3A_301] : memref<32768xf32, #tpu.memory_space<vmem>>[vector<16xi32>], vector<16xf32>,
        %mul3A_303 = arith.mulf %mul3A_282, %sub3A_281 : vector<16xf32>
        %mul3A_304 = arith.mulf %gather3A_298, %mul3A_303 : vector<16xf32>
        %add3A_305 = arith.addf %broadcast_in_dim3A_287, %mul3A_304 : vector<16xf32>
        %mul3A_306 = arith.mulf %gather3A_302, %mul3A_303 : vector<16xf32>
        %add3A_307 = arith.addf %broadcast_in_dim3A_289, %mul3A_306 : vector<16xf32>
        %xor3A_308 = arith.xori %mul3A_264, %mul3A_267 : vector<16xi32>
        %xor3A_309 = arith.xori %xor3A_308, %add3A_272 : vector<16xi32>
        %and3A_310 = arith.constant 16383 : i32
        %and3A_311 = vector.broadcast %and3A_310 : i32 to vector<16xi32>
        %and3A_312 = arith.andi %xor3A_309, %and3A_311 : vector<16xi32>
        %add3A_313 = arith.addi %mul3A_264, %mul3A_267 : vector<16xi32>
        %add3A_314 = arith.addi %add3A_313, %add3A_272 : vector<16xi32>
        %select_n3A_315 = arith.select %eq3A_22, %add3A_314, %and3A_312 : vector<16xi1>, vector<16xi32>
        %mul3A_316 = arith.constant 2 : i32
        %mul3A_317 = vector.broadcast %mul3A_316 : i32 to vector<16xi32>
        %mul3A_318 = arith.muli %select_n3A_315, %mul3A_317 : vector<16xi32>
        %gather3A_319 = tpu.vector_load_idx %arg6[%mul3A_318] : memref<32768xf32, #tpu.memory_space<vmem>>[vector<16xi32>], vector<16xf32>,
        %add3A_320 = arith.constant 1 : i32
        %add3A_321 = vector.broadcast %add3A_320 : i32 to vector<16xi32>
        %add3A_322 = arith.addi %mul3A_318, %add3A_321 : vector<16xi32>
        %gather3A_323 = tpu.vector_load_idx %arg6[%add3A_322] : memref<32768xf32, #tpu.memory_space<vmem>>[vector<16xi32>], vector<16xf32>,
        %mul3A_324 = arith.mulf %mul3A_282, %sub3A_263 : vector<16xf32>
        %mul3A_325 = arith.mulf %gather3A_319, %mul3A_324 : vector<16xf32>
        %add3A_326 = arith.addf %add3A_305, %mul3A_325 : vector<16xf32>
        %mul3A_327 = arith.mulf %gather3A_323, %mul3A_324 : vector<16xf32>
        %add3A_328 = arith.addf %add3A_307, %mul3A_327 : vector<16xf32>
        %xor3A_329 = arith.xori %mul3A_264, %add3A_269 : vector<16xi32>
        %xor3A_330 = arith.xori %xor3A_329, %mul3A_270 : vector<16xi32>
        %and3A_331 = arith.constant 16383 : i32
        %and3A_332 = vector.broadcast %and3A_331 : i32 to vector<16xi32>
        %and3A_333 = arith.andi %xor3A_330, %and3A_332 : vector<16xi32>
        %add3A_334 = arith.addi %mul3A_264, %add3A_269 : vector<16xi32>
        %add3A_335 = arith.addi %add3A_334, %mul3A_270 : vector<16xi32>
        %select_n3A_336 = arith.select %eq3A_22, %add3A_335, %and3A_333 : vector<16xi1>, vector<16xi32>
        %mul3A_337 = arith.constant 2 : i32
        %mul3A_338 = vector.broadcast %mul3A_337 : i32 to vector<16xi32>
        %mul3A_339 = arith.muli %select_n3A_336, %mul3A_338 : vector<16xi32>
        %gather3A_340 = tpu.vector_load_idx %arg6[%mul3A_339] : memref<32768xf32, #tpu.memory_space<vmem>>[vector<16xi32>], vector<16xf32>,
        %add3A_341 = arith.constant 1 : i32
        %add3A_342 = vector.broadcast %add3A_341 : i32 to vector<16xi32>
        %add3A_343 = arith.addi %mul3A_339, %add3A_342 : vector<16xi32>
        %gather3A_344 = tpu.vector_load_idx %arg6[%add3A_343] : memref<32768xf32, #tpu.memory_space<vmem>>[vector<16xi32>], vector<16xf32>,
        %mul3A_345 = arith.mulf %mul3A_283, %sub3A_281 : vector<16xf32>
        %mul3A_346 = arith.mulf %gather3A_340, %mul3A_345 : vector<16xf32>
        %add3A_347 = arith.addf %add3A_326, %mul3A_346 : vector<16xf32>
        %mul3A_348 = arith.mulf %gather3A_344, %mul3A_345 : vector<16xf32>
        %add3A_349 = arith.addf %add3A_328, %mul3A_348 : vector<16xf32>
        %xor3A_350 = arith.xori %mul3A_264, %add3A_269 : vector<16xi32>
        %xor3A_351 = arith.xori %xor3A_350, %add3A_272 : vector<16xi32>
        %and3A_352 = arith.constant 16383 : i32
        %and3A_353 = vector.broadcast %and3A_352 : i32 to vector<16xi32>
        %and3A_354 = arith.andi %xor3A_351, %and3A_353 : vector<16xi32>
        %add3A_355 = arith.addi %mul3A_264, %add3A_269 : vector<16xi32>
        %add3A_356 = arith.addi %add3A_355, %add3A_272 : vector<16xi32>
        %select_n3A_357 = arith.select %eq3A_22, %add3A_356, %and3A_354 : vector<16xi1>, vector<16xi32>
        %mul3A_358 = arith.constant 2 : i32
        %mul3A_359 = vector.broadcast %mul3A_358 : i32 to vector<16xi32>
        %mul3A_360 = arith.muli %select_n3A_357, %mul3A_359 : vector<16xi32>
        %gather3A_361 = tpu.vector_load_idx %arg6[%mul3A_360] : memref<32768xf32, #tpu.memory_space<vmem>>[vector<16xi32>], vector<16xf32>,
        %add3A_362 = arith.constant 1 : i32
        %add3A_363 = vector.broadcast %add3A_362 : i32 to vector<16xi32>
        %add3A_364 = arith.addi %mul3A_360, %add3A_363 : vector<16xi32>
        %gather3A_365 = tpu.vector_load_idx %arg6[%add3A_364] : memref<32768xf32, #tpu.memory_space<vmem>>[vector<16xi32>], vector<16xf32>,
        %mul3A_366 = arith.mulf %mul3A_283, %sub3A_263 : vector<16xf32>
        %mul3A_367 = arith.mulf %gather3A_361, %mul3A_366 : vector<16xf32>
        %add3A_368 = arith.addf %add3A_347, %mul3A_367 : vector<16xf32>
        %mul3A_369 = arith.mulf %gather3A_365, %mul3A_366 : vector<16xf32>
        %add3A_370 = arith.addf %add3A_349, %mul3A_369 : vector<16xf32>
        %xor3A_371 = arith.xori %add3A_266, %mul3A_267 : vector<16xi32>
        %xor3A_372 = arith.xori %xor3A_371, %mul3A_270 : vector<16xi32>
        %and3A_373 = arith.constant 16383 : i32
        %and3A_374 = vector.broadcast %and3A_373 : i32 to vector<16xi32>
        %and3A_375 = arith.andi %xor3A_372, %and3A_374 : vector<16xi32>
        %add3A_376 = arith.addi %add3A_266, %mul3A_267 : vector<16xi32>
        %add3A_377 = arith.addi %add3A_376, %mul3A_270 : vector<16xi32>
        %select_n3A_378 = arith.select %eq3A_22, %add3A_377, %and3A_375 : vector<16xi1>, vector<16xi32>
        %mul3A_379 = arith.constant 2 : i32
        %mul3A_380 = vector.broadcast %mul3A_379 : i32 to vector<16xi32>
        %mul3A_381 = arith.muli %select_n3A_378, %mul3A_380 : vector<16xi32>
        %gather3A_382 = tpu.vector_load_idx %arg6[%mul3A_381] : memref<32768xf32, #tpu.memory_space<vmem>>[vector<16xi32>], vector<16xf32>,
        %add3A_383 = arith.constant 1 : i32
        %add3A_384 = vector.broadcast %add3A_383 : i32 to vector<16xi32>
        %add3A_385 = arith.addi %mul3A_381, %add3A_384 : vector<16xi32>
        %gather3A_386 = tpu.vector_load_idx %arg6[%add3A_385] : memref<32768xf32, #tpu.memory_space<vmem>>[vector<16xi32>], vector<16xf32>,
        %mul3A_387 = arith.mulf %mul3A_284, %sub3A_281 : vector<16xf32>
        %mul3A_388 = arith.mulf %gather3A_382, %mul3A_387 : vector<16xf32>
        %add3A_389 = arith.addf %add3A_368, %mul3A_388 : vector<16xf32>
        %mul3A_390 = arith.mulf %gather3A_386, %mul3A_387 : vector<16xf32>
        %add3A_391 = arith.addf %add3A_370, %mul3A_390 : vector<16xf32>
        %xor3A_392 = arith.xori %add3A_266, %mul3A_267 : vector<16xi32>
        %xor3A_393 = arith.xori %xor3A_392, %add3A_272 : vector<16xi32>
        %and3A_394 = arith.constant 16383 : i32
        %and3A_395 = vector.broadcast %and3A_394 : i32 to vector<16xi32>
        %and3A_396 = arith.andi %xor3A_393, %and3A_395 : vector<16xi32>
        %add3A_397 = arith.addi %add3A_266, %mul3A_267 : vector<16xi32>
        %add3A_398 = arith.addi %add3A_397, %add3A_272 : vector<16xi32>
        %select_n3A_399 = arith.select %eq3A_22, %add3A_398, %and3A_396 : vector<16xi1>, vector<16xi32>
        %mul3A_400 = arith.constant 2 : i32
        %mul3A_401 = vector.broadcast %mul3A_400 : i32 to vector<16xi32>
        %mul3A_402 = arith.muli %select_n3A_399, %mul3A_401 : vector<16xi32>
        %gather3A_403 = tpu.vector_load_idx %arg6[%mul3A_402] : memref<32768xf32, #tpu.memory_space<vmem>>[vector<16xi32>], vector<16xf32>,
        %add3A_404 = arith.constant 1 : i32
        %add3A_405 = vector.broadcast %add3A_404 : i32 to vector<16xi32>
        %add3A_406 = arith.addi %mul3A_402, %add3A_405 : vector<16xi32>
        %gather3A_407 = tpu.vector_load_idx %arg6[%add3A_406] : memref<32768xf32, #tpu.memory_space<vmem>>[vector<16xi32>], vector<16xf32>,
        %mul3A_408 = arith.mulf %mul3A_284, %sub3A_263 : vector<16xf32>
        %mul3A_409 = arith.mulf %gather3A_403, %mul3A_408 : vector<16xf32>
        %add3A_410 = arith.addf %add3A_389, %mul3A_409 : vector<16xf32>
        %mul3A_411 = arith.mulf %gather3A_407, %mul3A_408 : vector<16xf32>
        %add3A_412 = arith.addf %add3A_391, %mul3A_411 : vector<16xf32>
        %xor3A_413 = arith.xori %add3A_266, %add3A_269 : vector<16xi32>
        %xor3A_414 = arith.xori %xor3A_413, %mul3A_270 : vector<16xi32>
        %and3A_415 = arith.constant 16383 : i32
        %and3A_416 = vector.broadcast %and3A_415 : i32 to vector<16xi32>
        %and3A_417 = arith.andi %xor3A_414, %and3A_416 : vector<16xi32>
        %add3A_418 = arith.addi %add3A_266, %add3A_269 : vector<16xi32>
        %add3A_419 = arith.addi %add3A_418, %mul3A_270 : vector<16xi32>
        %select_n3A_420 = arith.select %eq3A_22, %add3A_419, %and3A_417 : vector<16xi1>, vector<16xi32>
        %mul3A_421 = arith.constant 2 : i32
        %mul3A_422 = vector.broadcast %mul3A_421 : i32 to vector<16xi32>
        %mul3A_423 = arith.muli %select_n3A_420, %mul3A_422 : vector<16xi32>
        %gather3A_424 = tpu.vector_load_idx %arg6[%mul3A_423] : memref<32768xf32, #tpu.memory_space<vmem>>[vector<16xi32>], vector<16xf32>,
        %add3A_425 = arith.constant 1 : i32
        %add3A_426 = vector.broadcast %add3A_425 : i32 to vector<16xi32>
        %add3A_427 = arith.addi %mul3A_423, %add3A_426 : vector<16xi32>
        %gather3A_428 = tpu.vector_load_idx %arg6[%add3A_427] : memref<32768xf32, #tpu.memory_space<vmem>>[vector<16xi32>], vector<16xf32>,
        %mul3A_429 = arith.mulf %mul3A_285, %sub3A_281 : vector<16xf32>
        %mul3A_430 = arith.mulf %gather3A_424, %mul3A_429 : vector<16xf32>
        %add3A_431 = arith.addf %add3A_410, %mul3A_430 : vector<16xf32>
        %mul3A_432 = arith.mulf %gather3A_428, %mul3A_429 : vector<16xf32>
        %add3A_433 = arith.addf %add3A_412, %mul3A_432 : vector<16xf32>
        %xor3A_434 = arith.xori %add3A_266, %add3A_269 : vector<16xi32>
        %xor3A_435 = arith.xori %xor3A_434, %add3A_272 : vector<16xi32>
        %and3A_436 = arith.constant 16383 : i32
        %and3A_437 = vector.broadcast %and3A_436 : i32 to vector<16xi32>
        %and3A_438 = arith.andi %xor3A_435, %and3A_437 : vector<16xi32>
        %add3A_439 = arith.addi %add3A_266, %add3A_269 : vector<16xi32>
        %add3A_440 = arith.addi %add3A_439, %add3A_272 : vector<16xi32>
        %select_n3A_441 = arith.select %eq3A_22, %add3A_440, %and3A_438 : vector<16xi1>, vector<16xi32>
        %mul3A_442 = arith.constant 2 : i32
        %mul3A_443 = vector.broadcast %mul3A_442 : i32 to vector<16xi32>
        %mul3A_444 = arith.muli %select_n3A_441, %mul3A_443 : vector<16xi32>
        %gather3A_445 = tpu.vector_load_idx %arg6[%mul3A_444] : memref<32768xf32, #tpu.memory_space<vmem>>[vector<16xi32>], vector<16xf32>,
        %add3A_446 = arith.constant 1 : i32
        %add3A_447 = vector.broadcast %add3A_446 : i32 to vector<16xi32>
        %add3A_448 = arith.addi %mul3A_444, %add3A_447 : vector<16xi32>
        %gather3A_449 = tpu.vector_load_idx %arg6[%add3A_448] : memref<32768xf32, #tpu.memory_space<vmem>>[vector<16xi32>], vector<16xf32>,
        %mul3A_450 = arith.mulf %mul3A_285, %sub3A_263 : vector<16xf32>
        %mul3A_451 = arith.mulf %gather3A_445, %mul3A_450 : vector<16xf32>
        %add3A_452 = arith.addf %add3A_431, %mul3A_451 : vector<16xf32>
        %mul3A_453 = arith.mulf %gather3A_449, %mul3A_450 : vector<16xf32>
        %add3A_454 = arith.addf %add3A_433, %mul3A_453 : vector<16xf32>
        %swap3A = arith.constant 1 : i64
        %swap3A_455 = arith.constant 0 : i64
        %swap3A_456 = arith.index_cast %swap3A : i64 to index
        %swap3A_457 = arith.index_cast %swap3A_455 : i64 to index
        %swap3A_458 = arith.index_cast %mul3A_201 : i32 to index
        %swap3A_459 = tpu.vector_load %arg8[%swap3A_456, %swap3A_457, %swap3A_458] {strides = array<i32>} : memref<2x2x4096xf32, #tpu.memory_space<vmem>>, vector<16xf32>,
        tpu.vector_store %arg8[%swap3A_456, %swap3A_457, %swap3A_458], %add3A_452 {strides = array<i32>} : memref<2x2x4096xf32, #tpu.memory_space<vmem>>, vector<16xf32>,
        %swap3A_460 = arith.constant 1 : i64
        %swap3A_461 = arith.constant 1 : i64
        %swap3A_462 = arith.index_cast %swap3A_460 : i64 to index
        %swap3A_463 = arith.index_cast %swap3A_461 : i64 to index
        %swap3A_464 = arith.index_cast %mul3A_201 : i32 to index
        %swap3A_465 = tpu.vector_load %arg8[%swap3A_462, %swap3A_463, %swap3A_464] {strides = array<i32>} : memref<2x2x4096xf32, #tpu.memory_space<vmem>>, vector<16xf32>,
        tpu.vector_store %arg8[%swap3A_462, %swap3A_463, %swap3A_464], %add3A_454 {strides = array<i32>} : memref<2x2x4096xf32, #tpu.memory_space<vmem>>, vector<16xf32>,
      }
      %while3A_182 = arith.constant 1 : i32
      scf.for %while3A_199 = %while3A_180 to %while3A_176 step %while3A_182  : i32 {
        %mul3A_200 = arith.constant 16 : i32
        %mul3A_201 = arith.muli %while3A_199, %mul3A_200 : i32
        %get3A = arith.constant 1 : i64
        %get3A_202 = arith.constant 0 : i64
        %get3A_203 = arith.index_cast %get3A : i64 to index
        %get3A_204 = arith.index_cast %get3A_202 : i64 to index
        %get3A_205 = arith.index_cast %mul3A_201 : i32 to index
        %get3A_206 = tpu.vector_load %arg7[%get3A_203, %get3A_204, %get3A_205] {strides = array<i32>} : memref<2x3x4096xf32, #tpu.memory_space<vmem>>, vector<16xf32>,
        %mul3A_207 = arith.constant 1.000000e-01 : f32
        %mul3A_208 = vector.broadcast %mul3A_207 : f32 to vector<16xf32>
        %mul3A_209 = arith.mulf %get3A_206, %mul3A_208 : vector<16xf32>
        %add3A_210 = arith.constant 5.000000e-01 : f32
        %add3A_211 = vector.broadcast %add3A_210 : f32 to vector<16xf32>
        %add3A_212 = arith.addf %mul3A_209, %add3A_211 : vector<16xf32>
        %max3A = arith.constant 0.000000e+00 : f32
        %max3A_213 = vector.broadcast %max3A : f32 to vector<16xf32>
        %max3A_214 = arith.maximumf %add3A_212, %max3A_213 : vector<16xf32>
        %min3A = arith.constant 0.999998986 : f32
        %min3A_215 = vector.broadcast %min3A : f32 to vector<16xf32>
        %min3A_216 = arith.minimumf %max3A_214, %min3A_215 : vector<16xf32>
        %mul3A_217 = arith.mulf %min3A_216, %convert_element_type3A : vector<16xf32>
        %convert_element_type3A_218 = arith.fptosi %mul3A_217 : vector<16xf32> to vector<16xi32>
        %convert_element_type3A_219 = arith.sitofp %convert_element_type3A_218 : vector<16xi32> to vector<16xf32>
        %sub3A = arith.subf %mul3A_217, %convert_element_type3A_219 : vector<16xf32>
        %get3A_220 = arith.constant 1 : i64
        %get3A_221 = arith.constant 1 : i64
        %get3A_222 = arith.index_cast %get3A_220 : i64 to index
        %get3A_223 = arith.index_cast %get3A_221 : i64 to index
        %get3A_224 = arith.index_cast %mul3A_201 : i32 to index
        %get3A_225 = tpu.vector_load %arg7[%get3A_222, %get3A_223, %get3A_224] {strides = array<i32>} : memref<2x3x4096xf32, #tpu.memory_space<vmem>>, vector<16xf32>,
        %mul3A_226 = arith.constant 1.000000e-01 : f32
        %mul3A_227 = vector.broadcast %mul3A_226 : f32 to vector<16xf32>
        %mul3A_228 = arith.mulf %get3A_225, %mul3A_227 : vector<16xf32>
        %add3A_229 = arith.constant 5.000000e-01 : f32
        %add3A_230 = vector.broadcast %add3A_229 : f32 to vector<16xf32>
        %add3A_231 = arith.addf %mul3A_228, %add3A_230 : vector<16xf32>
        %max3A_232 = arith.constant 0.000000e+00 : f32
        %max3A_233 = vector.broadcast %max3A_232 : f32 to vector<16xf32>
        %max3A_234 = arith.maximumf %add3A_231, %max3A_233 : vector<16xf32>
        %min3A_235 = arith.constant 0.999998986 : f32
        %min3A_236 = vector.broadcast %min3A_235 : f32 to vector<16xf32>
        %min3A_237 = arith.minimumf %max3A_234, %min3A_236 : vector<16xf32>
        %mul3A_238 = arith.mulf %min3A_237, %convert_element_type3A : vector<16xf32>
        %convert_element_type3A_239 = arith.fptosi %mul3A_238 : vector<16xf32> to vector<16xi32>
        %convert_element_type3A_240 = arith.sitofp %convert_element_type3A_239 : vector<16xi32> to vector<16xf32>
        %sub3A_241 = arith.subf %mul3A_238, %convert_element_type3A_240 : vector<16xf32>
        %get3A_242 = arith.constant 1 : i64
        %get3A_243 = arith.constant 2 : i64
        %get3A_244 = arith.index_cast %get3A_242 : i64 to index
        %get3A_245 = arith.index_cast %get3A_243 : i64 to index
        %get3A_246 = arith.index_cast %mul3A_201 : i32 to index
        %get3A_247 = tpu.vector_load %arg7[%get3A_244, %get3A_245, %get3A_246] {strides = array<i32>} : memref<2x3x4096xf32, #tpu.memory_space<vmem>>, vector<16xf32>,
        %mul3A_248 = arith.constant 1.000000e-01 : f32
        %mul3A_249 = vector.broadcast %mul3A_248 : f32 to vector<16xf32>
        %mul3A_250 = arith.mulf %get3A_247, %mul3A_249 : vector<16xf32>
        %add3A_251 = arith.constant 5.000000e-01 : f32
        %add3A_252 = vector.broadcast %add3A_251 : f32 to vector<16xf32>
        %add3A_253 = arith.addf %mul3A_250, %add3A_252 : vector<16xf32>
        %max3A_254 = arith.constant 0.000000e+00 : f32
        %max3A_255 = vector.broadcast %max3A_254 : f32 to vector<16xf32>
        %max3A_256 = arith.maximumf %add3A_253, %max3A_255 : vector<16xf32>
        %min3A_257 = arith.constant 0.999998986 : f32
        %min3A_258 = vector.broadcast %min3A_257 : f32 to vector<16xf32>
        %min3A_259 = arith.minimumf %max3A_256, %min3A_258 : vector<16xf32>
        %mul3A_260 = arith.mulf %min3A_259, %convert_element_type3A : vector<16xf32>
        %convert_element_type3A_261 = arith.fptosi %mul3A_260 : vector<16xf32> to vector<16xi32>
        %convert_element_type3A_262 = arith.sitofp %convert_element_type3A_261 : vector<16xi32> to vector<16xf32>
        %sub3A_263 = arith.subf %mul3A_260, %convert_element_type3A_262 : vector<16xf32>
        %mul3A_264 = arith.muli %convert_element_type3A_218, %gather3A_8 : vector<16xi32>
        %mul3A_265 = arith.muli %convert_element_type3A_218, %gather3A_8 : vector<16xi32>
        %add3A_266 = arith.addi %mul3A_265, %gather3A_8 : vector<16xi32>
        %mul3A_267 = arith.muli %convert_element_type3A_239, %gather3A_12 : vector<16xi32>
        %mul3A_268 = arith.muli %convert_element_type3A_239, %gather3A_12 : vector<16xi32>
        %add3A_269 = arith.addi %mul3A_268, %gather3A_12 : vector<16xi32>
        %mul3A_270 = arith.muli %convert_element_type3A_261, %gather3A_16 : vector<16xi32>
        %mul3A_271 = arith.muli %convert_element_type3A_261, %gather3A_16 : vector<16xi32>
        %add3A_272 = arith.addi %mul3A_271, %gather3A_16 : vector<16xi32>
        %sub3A_273 = arith.constant 1.000000e+00 : f32
        %sub3A_274 = vector.broadcast %sub3A_273 : f32 to vector<16xf32>
        %sub3A_275 = arith.subf %sub3A_274, %sub3A : vector<16xf32>
        %sub3A_276 = arith.constant 1.000000e+00 : f32
        %sub3A_277 = vector.broadcast %sub3A_276 : f32 to vector<16xf32>
        %sub3A_278 = arith.subf %sub3A_277, %sub3A_241 : vector<16xf32>
        %sub3A_279 = arith.constant 1.000000e+00 : f32
        %sub3A_280 = vector.broadcast %sub3A_279 : f32 to vector<16xf32>
        %sub3A_281 = arith.subf %sub3A_280, %sub3A_263 : vector<16xf32>
        %mul3A_282 = arith.mulf %sub3A_275, %sub3A_278 : vector<16xf32>
        %mul3A_283 = arith.mulf %sub3A_275, %sub3A_241 : vector<16xf32>
        %mul3A_284 = arith.mulf %sub3A, %sub3A_278 : vector<16xf32>
        %mul3A_285 = arith.mulf %sub3A, %sub3A_241 : vector<16xf32>
        %broadcast_in_dim3A_286 = arith.constant 0.000000e+00 : f32
        %broadcast_in_dim3A_287 = vector.broadcast %broadcast_in_dim3A_286 : f32 to vector<16xf32>
        %broadcast_in_dim3A_288 = arith.constant 0.000000e+00 : f32
        %broadcast_in_dim3A_289 = vector.broadcast %broadcast_in_dim3A_288 : f32 to vector<16xf32>
        %xor3A = arith.xori %mul3A_264, %mul3A_267 : vector<16xi32>
        %xor3A_290 = arith.xori %xor3A, %mul3A_270 : vector<16xi32>
        %and3A = arith.constant 16383 : i32
        %and3A_291 = vector.broadcast %and3A : i32 to vector<16xi32>
        %and3A_292 = arith.andi %xor3A_290, %and3A_291 : vector<16xi32>
        %add3A_293 = arith.addi %mul3A_264, %mul3A_267 : vector<16xi32>
        %add3A_294 = arith.addi %add3A_293, %mul3A_270 : vector<16xi32>
        %select_n3A = arith.select %eq3A_22, %add3A_294, %and3A_292 : vector<16xi1>, vector<16xi32>
        %mul3A_295 = arith.constant 2 : i32
        %mul3A_296 = vector.broadcast %mul3A_295 : i32 to vector<16xi32>
        %mul3A_297 = arith.muli %select_n3A, %mul3A_296 : vector<16xi32>
        %gather3A_298 = tpu.vector_load_idx %arg6[%mul3A_297] : memref<32768xf32, #tpu.memory_space<vmem>>[vector<16xi32>], vector<16xf32>,
        %add3A_299 = arith.constant 1 : i32
        %add3A_300 = vector.broadcast %add3A_299 : i32 to vector<16xi32>
        %add3A_301 = arith.addi %mul3A_297, %add3A_300 : vector<16xi32>
        %gather3A_302 = tpu.vector_load_idx %arg6[%add3A_301] : memref<32768xf32, #tpu.memory_space<vmem>>[vector<16xi32>], vector<16xf32>,
        %mul3A_303 = arith.mulf %mul3A_282, %sub3A_281 : vector<16xf32>
        %mul3A_304 = arith.mulf %gather3A_298, %mul3A_303 : vector<16xf32>
        %add3A_305 = arith.addf %broadcast_in_dim3A_287, %mul3A_304 : vector<16xf32>
        %mul3A_306 = arith.mulf %gather3A_302, %mul3A_303 : vector<16xf32>
        %add3A_307 = arith.addf %broadcast_in_dim3A_289, %mul3A_306 : vector<16xf32>
        %xor3A_308 = arith.xori %mul3A_264, %mul3A_267 : vector<16xi32>
        %xor3A_309 = arith.xori %xor3A_308, %add3A_272 : vector<16xi32>
        %and3A_310 = arith.constant 16383 : i32
        %and3A_311 = vector.broadcast %and3A_310 : i32 to vector<16xi32>
        %and3A_312 = arith.andi %xor3A_309, %and3A_311 : vector<16xi32>
        %add3A_313 = arith.addi %mul3A_264, %mul3A_267 : vector<16xi32>
        %add3A_314 = arith.addi %add3A_313, %add3A_272 : vector<16xi32>
        %select_n3A_315 = arith.select %eq3A_22, %add3A_314, %and3A_312 : vector<16xi1>, vector<16xi32>
        %mul3A_316 = arith.constant 2 : i32
        %mul3A_317 = vector.broadcast %mul3A_316 : i32 to vector<16xi32>
        %mul3A_318 = arith.muli %select_n3A_315, %mul3A_317 : vector<16xi32>
        %gather3A_319 = tpu.vector_load_idx %arg6[%mul3A_318] : memref<32768xf32, #tpu.memory_space<vmem>>[vector<16xi32>], vector<16xf32>,
        %add3A_320 = arith.constant 1 : i32
        %add3A_321 = vector.broadcast %add3A_320 : i32 to vector<16xi32>
        %add3A_322 = arith.addi %mul3A_318, %add3A_321 : vector<16xi32>
        %gather3A_323 = tpu.vector_load_idx %arg6[%add3A_322] : memref<32768xf32, #tpu.memory_space<vmem>>[vector<16xi32>], vector<16xf32>,
        %mul3A_324 = arith.mulf %mul3A_282, %sub3A_263 : vector<16xf32>
        %mul3A_325 = arith.mulf %gather3A_319, %mul3A_324 : vector<16xf32>
        %add3A_326 = arith.addf %add3A_305, %mul3A_325 : vector<16xf32>
        %mul3A_327 = arith.mulf %gather3A_323, %mul3A_324 : vector<16xf32>
        %add3A_328 = arith.addf %add3A_307, %mul3A_327 : vector<16xf32>
        %xor3A_329 = arith.xori %mul3A_264, %add3A_269 : vector<16xi32>
        %xor3A_330 = arith.xori %xor3A_329, %mul3A_270 : vector<16xi32>
        %and3A_331 = arith.constant 16383 : i32
        %and3A_332 = vector.broadcast %and3A_331 : i32 to vector<16xi32>
        %and3A_333 = arith.andi %xor3A_330, %and3A_332 : vector<16xi32>
        %add3A_334 = arith.addi %mul3A_264, %add3A_269 : vector<16xi32>
        %add3A_335 = arith.addi %add3A_334, %mul3A_270 : vector<16xi32>
        %select_n3A_336 = arith.select %eq3A_22, %add3A_335, %and3A_333 : vector<16xi1>, vector<16xi32>
        %mul3A_337 = arith.constant 2 : i32
        %mul3A_338 = vector.broadcast %mul3A_337 : i32 to vector<16xi32>
        %mul3A_339 = arith.muli %select_n3A_336, %mul3A_338 : vector<16xi32>
        %gather3A_340 = tpu.vector_load_idx %arg6[%mul3A_339] : memref<32768xf32, #tpu.memory_space<vmem>>[vector<16xi32>], vector<16xf32>,
        %add3A_341 = arith.constant 1 : i32
        %add3A_342 = vector.broadcast %add3A_341 : i32 to vector<16xi32>
        %add3A_343 = arith.addi %mul3A_339, %add3A_342 : vector<16xi32>
        %gather3A_344 = tpu.vector_load_idx %arg6[%add3A_343] : memref<32768xf32, #tpu.memory_space<vmem>>[vector<16xi32>], vector<16xf32>,
        %mul3A_345 = arith.mulf %mul3A_283, %sub3A_281 : vector<16xf32>
        %mul3A_346 = arith.mulf %gather3A_340, %mul3A_345 : vector<16xf32>
        %add3A_347 = arith.addf %add3A_326, %mul3A_346 : vector<16xf32>
        %mul3A_348 = arith.mulf %gather3A_344, %mul3A_345 : vector<16xf32>
        %add3A_349 = arith.addf %add3A_328, %mul3A_348 : vector<16xf32>
        %xor3A_350 = arith.xori %mul3A_264, %add3A_269 : vector<16xi32>
        %xor3A_351 = arith.xori %xor3A_350, %add3A_272 : vector<16xi32>
        %and3A_352 = arith.constant 16383 : i32
        %and3A_353 = vector.broadcast %and3A_352 : i32 to vector<16xi32>
        %and3A_354 = arith.andi %xor3A_351, %and3A_353 : vector<16xi32>
        %add3A_355 = arith.addi %mul3A_264, %add3A_269 : vector<16xi32>
        %add3A_356 = arith.addi %add3A_355, %add3A_272 : vector<16xi32>
        %select_n3A_357 = arith.select %eq3A_22, %add3A_356, %and3A_354 : vector<16xi1>, vector<16xi32>
        %mul3A_358 = arith.constant 2 : i32
        %mul3A_359 = vector.broadcast %mul3A_358 : i32 to vector<16xi32>
        %mul3A_360 = arith.muli %select_n3A_357, %mul3A_359 : vector<16xi32>
        %gather3A_361 = tpu.vector_load_idx %arg6[%mul3A_360] : memref<32768xf32, #tpu.memory_space<vmem>>[vector<16xi32>], vector<16xf32>,
        %add3A_362 = arith.constant 1 : i32
        %add3A_363 = vector.broadcast %add3A_362 : i32 to vector<16xi32>
        %add3A_364 = arith.addi %mul3A_360, %add3A_363 : vector<16xi32>
        %gather3A_365 = tpu.vector_load_idx %arg6[%add3A_364] : memref<32768xf32, #tpu.memory_space<vmem>>[vector<16xi32>], vector<16xf32>,
        %mul3A_366 = arith.mulf %mul3A_283, %sub3A_263 : vector<16xf32>
        %mul3A_367 = arith.mulf %gather3A_361, %mul3A_366 : vector<16xf32>
        %add3A_368 = arith.addf %add3A_347, %mul3A_367 : vector<16xf32>
        %mul3A_369 = arith.mulf %gather3A_365, %mul3A_366 : vector<16xf32>
        %add3A_370 = arith.addf %add3A_349, %mul3A_369 : vector<16xf32>
        %xor3A_371 = arith.xori %add3A_266, %mul3A_267 : vector<16xi32>
        %xor3A_372 = arith.xori %xor3A_371, %mul3A_270 : vector<16xi32>
        %and3A_373 = arith.constant 16383 : i32
        %and3A_374 = vector.broadcast %and3A_373 : i32 to vector<16xi32>
        %and3A_375 = arith.andi %xor3A_372, %and3A_374 : vector<16xi32>
        %add3A_376 = arith.addi %add3A_266, %mul3A_267 : vector<16xi32>
        %add3A_377 = arith.addi %add3A_376, %mul3A_270 : vector<16xi32>
        %select_n3A_378 = arith.select %eq3A_22, %add3A_377, %and3A_375 : vector<16xi1>, vector<16xi32>
        %mul3A_379 = arith.constant 2 : i32
        %mul3A_380 = vector.broadcast %mul3A_379 : i32 to vector<16xi32>
        %mul3A_381 = arith.muli %select_n3A_378, %mul3A_380 : vector<16xi32>
        %gather3A_382 = tpu.vector_load_idx %arg6[%mul3A_381] : memref<32768xf32, #tpu.memory_space<vmem>>[vector<16xi32>], vector<16xf32>,
        %add3A_383 = arith.constant 1 : i32
        %add3A_384 = vector.broadcast %add3A_383 : i32 to vector<16xi32>
        %add3A_385 = arith.addi %mul3A_381, %add3A_384 : vector<16xi32>
        %gather3A_386 = tpu.vector_load_idx %arg6[%add3A_385] : memref<32768xf32, #tpu.memory_space<vmem>>[vector<16xi32>], vector<16xf32>,
        %mul3A_387 = arith.mulf %mul3A_284, %sub3A_281 : vector<16xf32>
        %mul3A_388 = arith.mulf %gather3A_382, %mul3A_387 : vector<16xf32>
        %add3A_389 = arith.addf %add3A_368, %mul3A_388 : vector<16xf32>
        %mul3A_390 = arith.mulf %gather3A_386, %mul3A_387 : vector<16xf32>
        %add3A_391 = arith.addf %add3A_370, %mul3A_390 : vector<16xf32>
        %xor3A_392 = arith.xori %add3A_266, %mul3A_267 : vector<16xi32>
        %xor3A_393 = arith.xori %xor3A_392, %add3A_272 : vector<16xi32>
        %and3A_394 = arith.constant 16383 : i32
        %and3A_395 = vector.broadcast %and3A_394 : i32 to vector<16xi32>
        %and3A_396 = arith.andi %xor3A_393, %and3A_395 : vector<16xi32>
        %add3A_397 = arith.addi %add3A_266, %mul3A_267 : vector<16xi32>
        %add3A_398 = arith.addi %add3A_397, %add3A_272 : vector<16xi32>
        %select_n3A_399 = arith.select %eq3A_22, %add3A_398, %and3A_396 : vector<16xi1>, vector<16xi32>
        %mul3A_400 = arith.constant 2 : i32
        %mul3A_401 = vector.broadcast %mul3A_400 : i32 to vector<16xi32>
        %mul3A_402 = arith.muli %select_n3A_399, %mul3A_401 : vector<16xi32>
        %gather3A_403 = tpu.vector_load_idx %arg6[%mul3A_402] : memref<32768xf32, #tpu.memory_space<vmem>>[vector<16xi32>], vector<16xf32>,
        %add3A_404 = arith.constant 1 : i32
        %add3A_405 = vector.broadcast %add3A_404 : i32 to vector<16xi32>
        %add3A_406 = arith.addi %mul3A_402, %add3A_405 : vector<16xi32>
        %gather3A_407 = tpu.vector_load_idx %arg6[%add3A_406] : memref<32768xf32, #tpu.memory_space<vmem>>[vector<16xi32>], vector<16xf32>,
        %mul3A_408 = arith.mulf %mul3A_284, %sub3A_263 : vector<16xf32>
        %mul3A_409 = arith.mulf %gather3A_403, %mul3A_408 : vector<16xf32>
        %add3A_410 = arith.addf %add3A_389, %mul3A_409 : vector<16xf32>
        %mul3A_411 = arith.mulf %gather3A_407, %mul3A_408 : vector<16xf32>
        %add3A_412 = arith.addf %add3A_391, %mul3A_411 : vector<16xf32>
        %xor3A_413 = arith.xori %add3A_266, %add3A_269 : vector<16xi32>
        %xor3A_414 = arith.xori %xor3A_413, %mul3A_270 : vector<16xi32>
        %and3A_415 = arith.constant 16383 : i32
        %and3A_416 = vector.broadcast %and3A_415 : i32 to vector<16xi32>
        %and3A_417 = arith.andi %xor3A_414, %and3A_416 : vector<16xi32>
        %add3A_418 = arith.addi %add3A_266, %add3A_269 : vector<16xi32>
        %add3A_419 = arith.addi %add3A_418, %mul3A_270 : vector<16xi32>
        %select_n3A_420 = arith.select %eq3A_22, %add3A_419, %and3A_417 : vector<16xi1>, vector<16xi32>
        %mul3A_421 = arith.constant 2 : i32
        %mul3A_422 = vector.broadcast %mul3A_421 : i32 to vector<16xi32>
        %mul3A_423 = arith.muli %select_n3A_420, %mul3A_422 : vector<16xi32>
        %gather3A_424 = tpu.vector_load_idx %arg6[%mul3A_423] : memref<32768xf32, #tpu.memory_space<vmem>>[vector<16xi32>], vector<16xf32>,
        %add3A_425 = arith.constant 1 : i32
        %add3A_426 = vector.broadcast %add3A_425 : i32 to vector<16xi32>
        %add3A_427 = arith.addi %mul3A_423, %add3A_426 : vector<16xi32>
        %gather3A_428 = tpu.vector_load_idx %arg6[%add3A_427] : memref<32768xf32, #tpu.memory_space<vmem>>[vector<16xi32>], vector<16xf32>,
        %mul3A_429 = arith.mulf %mul3A_285, %sub3A_281 : vector<16xf32>
        %mul3A_430 = arith.mulf %gather3A_424, %mul3A_429 : vector<16xf32>
        %add3A_431 = arith.addf %add3A_410, %mul3A_430 : vector<16xf32>
        %mul3A_432 = arith.mulf %gather3A_428, %mul3A_429 : vector<16xf32>
        %add3A_433 = arith.addf %add3A_412, %mul3A_432 : vector<16xf32>
        %xor3A_434 = arith.xori %add3A_266, %add3A_269 : vector<16xi32>
        %xor3A_435 = arith.xori %xor3A_434, %add3A_272 : vector<16xi32>
        %and3A_436 = arith.constant 16383 : i32
        %and3A_437 = vector.broadcast %and3A_436 : i32 to vector<16xi32>
        %and3A_438 = arith.andi %xor3A_435, %and3A_437 : vector<16xi32>
        %add3A_439 = arith.addi %add3A_266, %add3A_269 : vector<16xi32>
        %add3A_440 = arith.addi %add3A_439, %add3A_272 : vector<16xi32>
        %select_n3A_441 = arith.select %eq3A_22, %add3A_440, %and3A_438 : vector<16xi1>, vector<16xi32>
        %mul3A_442 = arith.constant 2 : i32
        %mul3A_443 = vector.broadcast %mul3A_442 : i32 to vector<16xi32>
        %mul3A_444 = arith.muli %select_n3A_441, %mul3A_443 : vector<16xi32>
        %gather3A_445 = tpu.vector_load_idx %arg6[%mul3A_444] : memref<32768xf32, #tpu.memory_space<vmem>>[vector<16xi32>], vector<16xf32>,
        %add3A_446 = arith.constant 1 : i32
        %add3A_447 = vector.broadcast %add3A_446 : i32 to vector<16xi32>
        %add3A_448 = arith.addi %mul3A_444, %add3A_447 : vector<16xi32>
        %gather3A_449 = tpu.vector_load_idx %arg6[%add3A_448] : memref<32768xf32, #tpu.memory_space<vmem>>[vector<16xi32>], vector<16xf32>,
        %mul3A_450 = arith.mulf %mul3A_285, %sub3A_263 : vector<16xf32>
        %mul3A_451 = arith.mulf %gather3A_445, %mul3A_450 : vector<16xf32>
        %add3A_452 = arith.addf %add3A_431, %mul3A_451 : vector<16xf32>
        %mul3A_453 = arith.mulf %gather3A_449, %mul3A_450 : vector<16xf32>
        %add3A_454 = arith.addf %add3A_433, %mul3A_453 : vector<16xf32>
        %swap3A = arith.constant 1 : i64
        %swap3A_455 = arith.constant 0 : i64
        %swap3A_456 = arith.index_cast %swap3A : i64 to index
        %swap3A_457 = arith.index_cast %swap3A_455 : i64 to index
        %swap3A_458 = arith.index_cast %mul3A_201 : i32 to index
        %swap3A_459 = tpu.vector_load %arg8[%swap3A_456, %swap3A_457, %swap3A_458] {strides = array<i32>} : memref<2x2x4096xf32, #tpu.memory_space<vmem>>, vector<16xf32>,
        tpu.vector_store %arg8[%swap3A_456, %swap3A_457, %swap3A_458], %add3A_452 {strides = array<i32>} : memref<2x2x4096xf32, #tpu.memory_space<vmem>>, vector<16xf32>,
        %swap3A_460 = arith.constant 1 : i64
        %swap3A_461 = arith.constant 1 : i64
        %swap3A_462 = arith.index_cast %swap3A_460 : i64 to index
        %swap3A_463 = arith.index_cast %swap3A_461 : i64 to index
        %swap3A_464 = arith.index_cast %mul3A_201 : i32 to index
        %swap3A_465 = tpu.vector_load %arg8[%swap3A_462, %swap3A_463, %swap3A_464] {strides = array<i32>} : memref<2x2x4096xf32, #tpu.memory_space<vmem>>, vector<16xf32>,
        tpu.vector_store %arg8[%swap3A_462, %swap3A_463, %swap3A_464], %add3A_454 {strides = array<i32>} : memref<2x2x4096xf32, #tpu.memory_space<vmem>>, vector<16xf32>,
      }
      %mul3A_183 = arith.constant 4096 : i32
      %mul3A_184 = arith.muli %add3A_143, %mul3A_183 : i32
      %add3A_185 = arith.addi %mul3A_23, %mul3A_184 : i32
      %mul3A_186 = arith.constant 2 : i32
      %mul3A_187 = arith.muli %mul3A_186, %arg1 : i32
      %dma_start3A_188 = arith.constant 1 : i32
      %dma_start3A_189 = arith.constant 0 : i32
      %dma_start3A_190 = arith.constant 0 : i32
      %dma_start3A_191 = tpu.memref_slice %arg8[%dma_start3A_188, %dma_start3A_189, %dma_start3A_190] : memref<2x2x4096xf32, #tpu.memory_space<vmem>> -> memref<1x2x4096xf32, #tpu.memory_space<vmem>>
      %dma_start3A_192 = tpu.memref_squeeze %dma_start3A_191 : memref<1x2x4096xf32, #tpu.memory_space<vmem>> -> memref<2x4096xf32, #tpu.memory_space<vmem>>
      %dma_start3A_193 = tpu.memref_slice %arg5[%mul3A_187, %add3A_185] : memref<32x262144xf32, #tpu.memory_space<hbm>> -> memref<2x4096xf32, #tpu.memory_space<hbm>>
      %dma_start3A_194 = tpu.memref_slice %arg5[%mul3A_187, %add3A_185] : memref<32x262144xf32, #tpu.memory_space<hbm>> -> memref<2x4096xf32, #tpu.memory_space<hbm>>
      %dma_start3A_195 = arith.constant 0 : i32
      %dma_start3A_196 = arith.constant 0 : i32
      %dma_start3A_197 = tpu.memref_slice %arg8[%dma_start3A_188, %dma_start3A_195, %dma_start3A_196] : memref<2x2x4096xf32, #tpu.memory_space<vmem>> -> memref<1x2x4096xf32, #tpu.memory_space<vmem>>
      %dma_start3A_198 = tpu.memref_squeeze %dma_start3A_197 : memref<1x2x4096xf32, #tpu.memory_space<vmem>> -> memref<2x4096xf32, #tpu.memory_space<vmem>>
      tpu.enqueue_dma source(%dma_start3A_198 : memref<2x4096xf32, #tpu.memory_space<vmem>>) target(%dma_start3A_194 : memref<2x4096xf32, #tpu.memory_space<hbm>>) target_semaphore(%arg13 : memref<!tpu.dma_semaphore, #tpu.memory_space<semaphore_mem>>)
    }
    %mul3A_50 = arith.constant 30 : i32
    %mul3A_51 = arith.constant 4096 : i32
    %mul3A_52 = arith.muli %mul3A_50, %mul3A_51 : i32
    %add3A_53 = arith.addi %mul3A_23, %mul3A_52 : i32
    %mul3A_54 = arith.constant 2 : i32
    %mul3A_55 = arith.muli %mul3A_54, %arg1 : i32
    %dma_wait3A = arith.constant 0 : i32
    %dma_wait3A_56 = arith.constant 0 : i32
    %dma_wait3A_57 = arith.constant 0 : i32
    %dma_wait3A_58 = tpu.memref_slice %arg8[%dma_wait3A, %dma_wait3A_56, %dma_wait3A_57] : memref<2x2x4096xf32, #tpu.memory_space<vmem>> -> memref<1x2x4096xf32, #tpu.memory_space<vmem>>
    %dma_wait3A_59 = tpu.memref_squeeze %dma_wait3A_58 : memref<1x2x4096xf32, #tpu.memory_space<vmem>> -> memref<2x4096xf32, #tpu.memory_space<vmem>>
    %dma_wait3A_60 = tpu.memref_slice %arg5[%mul3A_55, %add3A_53] : memref<32x262144xf32, #tpu.memory_space<hbm>> -> memref<2x4096xf32, #tpu.memory_space<hbm>>
    %dma_wait3A_61 = tpu.memref_slice %arg5[%mul3A_55, %add3A_53] : memref<32x262144xf32, #tpu.memory_space<hbm>> -> memref<2x4096xf32, #tpu.memory_space<hbm>>
    %dma_wait3A_62 = arith.constant 0 : i32
    %dma_wait3A_63 = arith.constant 0 : i32
    %dma_wait3A_64 = tpu.memref_slice %arg8[%dma_wait3A, %dma_wait3A_62, %dma_wait3A_63] : memref<2x2x4096xf32, #tpu.memory_space<vmem>> -> memref<1x2x4096xf32, #tpu.memory_space<vmem>>
    %dma_wait3A_65 = tpu.memref_squeeze %dma_wait3A_64 : memref<1x2x4096xf32, #tpu.memory_space<vmem>> -> memref<2x4096xf32, #tpu.memory_space<vmem>>
    tpu.wait_dma2 semaphore(%arg12 : memref<!tpu.dma_semaphore, #tpu.memory_space<semaphore_mem>>) src(%dma_wait3A_65 : memref<2x4096xf32, #tpu.memory_space<vmem>>) dst(%dma_wait3A_61 : memref<2x4096xf32, #tpu.memory_space<hbm>>)
    %mul3A_66 = arith.constant 31 : i32
    %mul3A_67 = arith.constant 4096 : i32
    %mul3A_68 = arith.muli %mul3A_66, %mul3A_67 : i32
    %add3A_69 = arith.addi %mul3A_23, %mul3A_68 : i32
    %mul3A_70 = arith.constant 2 : i32
    %mul3A_71 = arith.muli %mul3A_70, %arg1 : i32
    %dma_wait3A_72 = arith.constant 1 : i32
    %dma_wait3A_73 = arith.constant 0 : i32
    %dma_wait3A_74 = arith.constant 0 : i32
    %dma_wait3A_75 = tpu.memref_slice %arg8[%dma_wait3A_72, %dma_wait3A_73, %dma_wait3A_74] : memref<2x2x4096xf32, #tpu.memory_space<vmem>> -> memref<1x2x4096xf32, #tpu.memory_space<vmem>>
    %dma_wait3A_76 = tpu.memref_squeeze %dma_wait3A_75 : memref<1x2x4096xf32, #tpu.memory_space<vmem>> -> memref<2x4096xf32, #tpu.memory_space<vmem>>
    %dma_wait3A_77 = tpu.memref_slice %arg5[%mul3A_71, %add3A_69] : memref<32x262144xf32, #tpu.memory_space<hbm>> -> memref<2x4096xf32, #tpu.memory_space<hbm>>
    %dma_wait3A_78 = tpu.memref_slice %arg5[%mul3A_71, %add3A_69] : memref<32x262144xf32, #tpu.memory_space<hbm>> -> memref<2x4096xf32, #tpu.memory_space<hbm>>
    %dma_wait3A_79 = arith.constant 0 : i32
    %dma_wait3A_80 = arith.constant 0 : i32
    %dma_wait3A_81 = tpu.memref_slice %arg8[%dma_wait3A_72, %dma_wait3A_79, %dma_wait3A_80] : memref<2x2x4096xf32, #tpu.memory_space<vmem>> -> memref<1x2x4096xf32, #tpu.memory_space<vmem>>
    %dma_wait3A_82 = tpu.memref_squeeze %dma_wait3A_81 : memref<1x2x4096xf32, #tpu.memory_space<vmem>> -> memref<2x4096xf32, #tpu.memory_space<vmem>>
    tpu.wait_dma2 semaphore(%arg13 : memref<!tpu.dma_semaphore, #tpu.memory_space<semaphore_mem>>) src(%dma_wait3A_82 : memref<2x4096xf32, #tpu.memory_space<vmem>>) dst(%dma_wait3A_78 : memref<2x4096xf32, #tpu.memory_space<hbm>>)
    return
  }
}

module attributes {stable_mosaic.version = 14 : i64} {
  func.func @_mlp_body(%arg0: i32, %arg1: memref<32x8192xf32, #tpu.memory_space<vmem>>, %arg2: memref<3x8192xf32, #tpu.memory_space<vmem>>, %arg3: memref<64x32xf32, #tpu.memory_space<vmem>>, %arg4: memref<64x1xf32, #tpu.memory_space<vmem>>, %arg5: memref<16x64xf32, #tpu.memory_space<vmem>>, %arg6: memref<16x1xf32, #tpu.memory_space<vmem>>, %arg7: memref<64x3xf32, #tpu.memory_space<vmem>>, %arg8: memref<64x16xf32, #tpu.memory_space<vmem>>, %arg9: memref<64x1xf32, #tpu.memory_space<vmem>>, %arg10: memref<64x64xf32, #tpu.memory_space<vmem>>, %arg11: memref<64x1xf32, #tpu.memory_space<vmem>>, %arg12: memref<3x64xf32, #tpu.memory_space<vmem>>, %arg13: memref<3x1xf32, #tpu.memory_space<vmem>>, %arg14: memref<4x8192xf32, #tpu.memory_space<vmem>>) attributes {dimension_semantics = [#tpu.dimension_semantics<arbitrary>], iteration_bounds = array<i64: 32>, scalar_prefetch = 0 : i64, scratch_operands = 0 : i64, tpu.core_type = #tpu.core_type<tc>, window_params = [{transform_indices = @transform_0, window_bounds = array<i64: 32, 8192>}, {transform_indices = @transform_1, window_bounds = array<i64: 3, 8192>}, {pipeline_mode = #tpu.pipeline_mode<synchronous>, transform_indices = @transform_2, window_bounds = array<i64: 64, 32>}, {pipeline_mode = #tpu.pipeline_mode<synchronous>, transform_indices = @transform_3, window_bounds = array<i64: 64, 1>}, {pipeline_mode = #tpu.pipeline_mode<synchronous>, transform_indices = @transform_4, window_bounds = array<i64: 16, 64>}, {pipeline_mode = #tpu.pipeline_mode<synchronous>, transform_indices = @transform_5, window_bounds = array<i64: 16, 1>}, {pipeline_mode = #tpu.pipeline_mode<synchronous>, transform_indices = @transform_6, window_bounds = array<i64: 64, 3>}, {pipeline_mode = #tpu.pipeline_mode<synchronous>, transform_indices = @transform_7, window_bounds = array<i64: 64, 16>}, {pipeline_mode = #tpu.pipeline_mode<synchronous>, transform_indices = @transform_8, window_bounds = array<i64: 64, 1>}, {pipeline_mode = #tpu.pipeline_mode<synchronous>, transform_indices = @transform_9, window_bounds = array<i64: 64, 64>}, {pipeline_mode = #tpu.pipeline_mode<synchronous>, transform_indices = @transform_10, window_bounds = array<i64: 64, 1>}, {pipeline_mode = #tpu.pipeline_mode<synchronous>, transform_indices = @transform_11, window_bounds = array<i64: 3, 64>}, {pipeline_mode = #tpu.pipeline_mode<synchronous>, transform_indices = @transform_12, window_bounds = array<i64: 3, 1>}, {transform_indices = @transform_13, window_bounds = array<i64: 4, 8192>}]} {
    %get3A = arith.constant 0 : index
    %get3A_0 = arith.constant 0 : index
    %get3A_1 = vector.load %arg1[%get3A, %get3A_0] : memref<32x8192xf32, #tpu.memory_space<vmem>>, vector<32x8192xf32>
    %get3A_2 = arith.constant 0 : index
    %get3A_3 = arith.constant 0 : index
    %get3A_4 = vector.load %arg3[%get3A_2, %get3A_3] : memref<64x32xf32, #tpu.memory_space<vmem>>, vector<64x32xf32>
    %dot_general3A = arith.constant dense<0.000000e+00> : vector<64x8192xf32>
    %dot_general3A_5 = tpu.matmul %get3A_4, %get3A_1, %dot_general3A {dimension_numbers = #tpu.dot_dimension_numbers<[1], [0], [0], [1], [0, 0, 1, 1], [], []>, transpose_lhs_hint = false} : vector<64x32xf32>, vector<32x8192xf32>, vector<64x8192xf32> -> vector<64x8192xf32>
    %get3A_6 = arith.constant 0 : index
    %get3A_7 = arith.constant 0 : index
    %get3A_8 = vector.load %arg4[%get3A_6, %get3A_7] : memref<64x1xf32, #tpu.memory_space<vmem>>, vector<64x1xf32>
    %add3A = vector.broadcast %get3A_8 : vector<64x1xf32> to vector<64x8192xf32>
    %add3A_9 = arith.addf %dot_general3A_5, %add3A : vector<64x8192xf32>
    %max3A = arith.constant 0.000000e+00 : f32
    %max3A_10 = vector.broadcast %max3A : f32 to vector<64x8192xf32>
    %max3A_11 = arith.maximumf %add3A_9, %max3A_10 : vector<64x8192xf32>
    %get3A_12 = arith.constant 0 : index
    %get3A_13 = arith.constant 0 : index
    %get3A_14 = vector.load %arg5[%get3A_12, %get3A_13] : memref<16x64xf32, #tpu.memory_space<vmem>>, vector<16x64xf32>
    %dot_general3A_15 = arith.constant dense<0.000000e+00> : vector<16x8192xf32>
    %dot_general3A_16 = tpu.matmul %get3A_14, %max3A_11, %dot_general3A_15 {dimension_numbers = #tpu.dot_dimension_numbers<[1], [0], [0], [1], [0, 0, 1, 1], [], []>, transpose_lhs_hint = false} : vector<16x64xf32>, vector<64x8192xf32>, vector<16x8192xf32> -> vector<16x8192xf32>
    %get3A_17 = arith.constant 0 : index
    %get3A_18 = arith.constant 0 : index
    %get3A_19 = vector.load %arg6[%get3A_17, %get3A_18] : memref<16x1xf32, #tpu.memory_space<vmem>>, vector<16x1xf32>
    %add3A_20 = vector.broadcast %get3A_19 : vector<16x1xf32> to vector<16x8192xf32>
    %add3A_21 = arith.addf %dot_general3A_16, %add3A_20 : vector<16x8192xf32>
    %iota3A = tpu.iota {dimensions = array<i32: 0>} : vector<16x8192xi32>
    %eq3A = arith.constant 0 : i32
    %eq3A_22 = vector.broadcast %eq3A : i32 to vector<16x8192xi32>
    %eq3A_23 = arith.cmpi eq, %iota3A, %eq3A_22 : vector<16x8192xi32>
    %logistic3A = arith.negf %add3A_21 : vector<16x8192xf32>
    %logistic3A_24 = math.exp %logistic3A : vector<16x8192xf32>
    %logistic3A_25 = arith.constant 1.000000e+00 : f32
    %logistic3A_26 = vector.broadcast %logistic3A_25 : f32 to vector<16x8192xf32>
    %logistic3A_27 = arith.addf %logistic3A_26, %logistic3A_24 : vector<16x8192xf32>
    %logistic3A_28 = arith.divf %logistic3A_26, %logistic3A_27 : vector<16x8192xf32>
    %max3A_29 = arith.constant 0.000000e+00 : f32
    %max3A_30 = vector.broadcast %max3A_29 : f32 to vector<16x8192xf32>
    %max3A_31 = arith.maximumf %add3A_21, %max3A_30 : vector<16x8192xf32>
    %select_n3A = arith.select %eq3A_23, %logistic3A_28, %max3A_31 : vector<16x8192xi1>, vector<16x8192xf32>
    %get3A_32 = arith.constant 0 : index
    %get3A_33 = arith.constant 0 : index
    %get3A_34 = vector.load %arg8[%get3A_32, %get3A_33] : memref<64x16xf32, #tpu.memory_space<vmem>>, vector<64x16xf32>
    %dot_general3A_35 = arith.constant dense<0.000000e+00> : vector<64x8192xf32>
    %dot_general3A_36 = tpu.matmul %get3A_34, %select_n3A, %dot_general3A_35 {dimension_numbers = #tpu.dot_dimension_numbers<[1], [0], [0], [1], [0, 0, 1, 1], [], []>, transpose_lhs_hint = false} : vector<64x16xf32>, vector<16x8192xf32>, vector<64x8192xf32> -> vector<64x8192xf32>
    %get3A_37 = arith.constant 0 : index
    %get3A_38 = arith.constant 0 : index
    %get3A_39 = vector.load %arg7[%get3A_37, %get3A_38] : memref<64x3xf32, #tpu.memory_space<vmem>>, vector<64x3xf32>
    %get3A_40 = arith.constant 0 : index
    %get3A_41 = arith.constant 0 : index
    %get3A_42 = vector.load %arg2[%get3A_40, %get3A_41] : memref<3x8192xf32, #tpu.memory_space<vmem>>, vector<3x8192xf32>
    %dot_general3A_43 = arith.constant dense<0.000000e+00> : vector<64x8192xf32>
    %dot_general3A_44 = tpu.matmul %get3A_39, %get3A_42, %dot_general3A_43 {dimension_numbers = #tpu.dot_dimension_numbers<[1], [0], [0], [1], [0, 0, 1, 1], [], []>, transpose_lhs_hint = false} : vector<64x3xf32>, vector<3x8192xf32>, vector<64x8192xf32> -> vector<64x8192xf32>
    %add3A_45 = arith.addf %dot_general3A_36, %dot_general3A_44 : vector<64x8192xf32>
    %get3A_46 = arith.constant 0 : index
    %get3A_47 = arith.constant 0 : index
    %get3A_48 = vector.load %arg9[%get3A_46, %get3A_47] : memref<64x1xf32, #tpu.memory_space<vmem>>, vector<64x1xf32>
    %add3A_49 = vector.broadcast %get3A_48 : vector<64x1xf32> to vector<64x8192xf32>
    %add3A_50 = arith.addf %add3A_45, %add3A_49 : vector<64x8192xf32>
    %max3A_51 = arith.constant 0.000000e+00 : f32
    %max3A_52 = vector.broadcast %max3A_51 : f32 to vector<64x8192xf32>
    %max3A_53 = arith.maximumf %add3A_50, %max3A_52 : vector<64x8192xf32>
    %get3A_54 = arith.constant 0 : index
    %get3A_55 = arith.constant 0 : index
    %get3A_56 = vector.load %arg10[%get3A_54, %get3A_55] : memref<64x64xf32, #tpu.memory_space<vmem>>, vector<64x64xf32>
    %dot_general3A_57 = arith.constant dense<0.000000e+00> : vector<64x8192xf32>
    %dot_general3A_58 = tpu.matmul %get3A_56, %max3A_53, %dot_general3A_57 {dimension_numbers = #tpu.dot_dimension_numbers<[1], [0], [0], [1], [0, 0, 1, 1], [], []>, transpose_lhs_hint = false} : vector<64x64xf32>, vector<64x8192xf32>, vector<64x8192xf32> -> vector<64x8192xf32>
    %get3A_59 = arith.constant 0 : index
    %get3A_60 = arith.constant 0 : index
    %get3A_61 = vector.load %arg11[%get3A_59, %get3A_60] : memref<64x1xf32, #tpu.memory_space<vmem>>, vector<64x1xf32>
    %add3A_62 = vector.broadcast %get3A_61 : vector<64x1xf32> to vector<64x8192xf32>
    %add3A_63 = arith.addf %dot_general3A_58, %add3A_62 : vector<64x8192xf32>
    %max3A_64 = arith.constant 0.000000e+00 : f32
    %max3A_65 = vector.broadcast %max3A_64 : f32 to vector<64x8192xf32>
    %max3A_66 = arith.maximumf %add3A_63, %max3A_65 : vector<64x8192xf32>
    %get3A_67 = arith.constant 0 : index
    %get3A_68 = arith.constant 0 : index
    %get3A_69 = vector.load %arg12[%get3A_67, %get3A_68] : memref<3x64xf32, #tpu.memory_space<vmem>>, vector<3x64xf32>
    %dot_general3A_70 = arith.constant dense<0.000000e+00> : vector<3x8192xf32>
    %dot_general3A_71 = tpu.matmul %get3A_69, %max3A_66, %dot_general3A_70 {dimension_numbers = #tpu.dot_dimension_numbers<[1], [0], [0], [1], [0, 0, 1, 1], [], []>, transpose_lhs_hint = false} : vector<3x64xf32>, vector<64x8192xf32>, vector<3x8192xf32> -> vector<3x8192xf32>
    %get3A_72 = arith.constant 0 : index
    %get3A_73 = arith.constant 0 : index
    %get3A_74 = vector.load %arg13[%get3A_72, %get3A_73] : memref<3x1xf32, #tpu.memory_space<vmem>>, vector<3x1xf32>
    %add3A_75 = vector.broadcast %get3A_74 : vector<3x1xf32> to vector<3x8192xf32>
    %add3A_76 = arith.addf %dot_general3A_71, %add3A_75 : vector<3x8192xf32>
    %slice3A = vector.extract_strided_slice %select_n3A {offsets = [0, 0], sizes = [1, 8192], strides = [1, 1]} : vector<16x8192xf32> to vector<1x8192xf32>
    %logistic3A_77 = arith.negf %add3A_76 : vector<3x8192xf32>
    %logistic3A_78 = math.exp %logistic3A_77 : vector<3x8192xf32>
    %logistic3A_79 = arith.constant 1.000000e+00 : f32
    %logistic3A_80 = vector.broadcast %logistic3A_79 : f32 to vector<3x8192xf32>
    %logistic3A_81 = arith.addf %logistic3A_80, %logistic3A_78 : vector<3x8192xf32>
    %logistic3A_82 = arith.divf %logistic3A_80, %logistic3A_81 : vector<3x8192xf32>
    %concatenate3A = tpu.concatenate %slice3A, %logistic3A_82 in 0 : vector<1x8192xf32>, vector<3x8192xf32> -> vector<4x8192xf32>
    %swap3A = arith.constant 0 : index
    %swap3A_83 = arith.constant 0 : index
    %swap3A_84 = vector.load %arg14[%swap3A, %swap3A_83] : memref<4x8192xf32, #tpu.memory_space<vmem>>, vector<4x8192xf32>
    tpu.vector_store %arg14[%swap3A, %swap3A_83], %concatenate3A {strides = array<i32>} : memref<4x8192xf32, #tpu.memory_space<vmem>>, vector<4x8192xf32>,
    return
  }
  func.func @transform_0(%arg0: i32) -> (i32, i32) {
    %c0_i32 = arith.constant 0 : i32
    %c0_i32_0 = arith.constant 0 : i32
    return %c0_i32, %arg0 : i32, i32
  }
  func.func @transform_1(%arg0: i32) -> (i32, i32) {
    %c0_i32 = arith.constant 0 : i32
    %c0_i32_0 = arith.constant 0 : i32
    return %c0_i32, %arg0 : i32, i32
  }
  func.func @transform_2(%arg0: i32) -> (i32, i32) {
    %c0_i32 = arith.constant 0 : i32
    %c0_i32_0 = arith.constant 0 : i32
    %c0_i32_1 = arith.constant 0 : i32
    return %c0_i32, %c0_i32_0 : i32, i32
  }
  func.func @transform_3(%arg0: i32) -> (i32, i32) {
    %c0_i32 = arith.constant 0 : i32
    %c0_i32_0 = arith.constant 0 : i32
    %c0_i32_1 = arith.constant 0 : i32
    return %c0_i32, %c0_i32_0 : i32, i32
  }
  func.func @transform_4(%arg0: i32) -> (i32, i32) {
    %c0_i32 = arith.constant 0 : i32
    %c0_i32_0 = arith.constant 0 : i32
    %c0_i32_1 = arith.constant 0 : i32
    return %c0_i32, %c0_i32_0 : i32, i32
  }
  func.func @transform_5(%arg0: i32) -> (i32, i32) {
    %c0_i32 = arith.constant 0 : i32
    %c0_i32_0 = arith.constant 0 : i32
    %c0_i32_1 = arith.constant 0 : i32
    return %c0_i32, %c0_i32_0 : i32, i32
  }
  func.func @transform_6(%arg0: i32) -> (i32, i32) {
    %c0_i32 = arith.constant 0 : i32
    %c0_i32_0 = arith.constant 0 : i32
    %c0_i32_1 = arith.constant 0 : i32
    return %c0_i32, %c0_i32_0 : i32, i32
  }
  func.func @transform_7(%arg0: i32) -> (i32, i32) {
    %c0_i32 = arith.constant 0 : i32
    %c0_i32_0 = arith.constant 0 : i32
    %c0_i32_1 = arith.constant 0 : i32
    return %c0_i32, %c0_i32_0 : i32, i32
  }
  func.func @transform_8(%arg0: i32) -> (i32, i32) {
    %c0_i32 = arith.constant 0 : i32
    %c0_i32_0 = arith.constant 0 : i32
    %c0_i32_1 = arith.constant 0 : i32
    return %c0_i32, %c0_i32_0 : i32, i32
  }
  func.func @transform_9(%arg0: i32) -> (i32, i32) {
    %c0_i32 = arith.constant 0 : i32
    %c0_i32_0 = arith.constant 0 : i32
    %c0_i32_1 = arith.constant 0 : i32
    return %c0_i32, %c0_i32_0 : i32, i32
  }
  func.func @transform_10(%arg0: i32) -> (i32, i32) {
    %c0_i32 = arith.constant 0 : i32
    %c0_i32_0 = arith.constant 0 : i32
    %c0_i32_1 = arith.constant 0 : i32
    return %c0_i32, %c0_i32_0 : i32, i32
  }
  func.func @transform_11(%arg0: i32) -> (i32, i32) {
    %c0_i32 = arith.constant 0 : i32
    %c0_i32_0 = arith.constant 0 : i32
    %c0_i32_1 = arith.constant 0 : i32
    return %c0_i32, %c0_i32_0 : i32, i32
  }
  func.func @transform_12(%arg0: i32) -> (i32, i32) {
    %c0_i32 = arith.constant 0 : i32
    %c0_i32_0 = arith.constant 0 : i32
    %c0_i32_1 = arith.constant 0 : i32
    return %c0_i32, %c0_i32_0 : i32, i32
  }
  func.func @transform_13(%arg0: i32) -> (i32, i32) {
    %c0_i32 = arith.constant 0 : i32
    %c0_i32_0 = arith.constant 0 : i32
    return %c0_i32, %arg0 : i32, i32
  }
}

</mosaic_0001>

<sc_bundles>
// kernel: kernel.4.cloned.1.call-start
scs
__scs_entry_jumppad:
0x0: {  	(pc) =	sbr.rel $0x88, $3  }
0x1: {  	(tag) =	ssettag $0x0;
	lr =	simm.s32 $0x1  }
0x2: {  	[smem:$0x3F95] =	sst lr;
	_ =	strace $0xD0000000  }
0x3: {  	_ = 	snop  }
0x4: {  	_ = 	snop  }
0x5: {  	_ = 	snop  }
0x6: {  	_ = 	snop  }
0x7: {  	_ = 	snop  }
__scs_overlays_trampoline_lowered:
0x8: {  	[smem:$0x3FA4] =	sst s0  }
0x9: {  	[smem:$0x3FA5] =	sst s1  }
0xa: {  	[smem:$0x3FA6] =	sst s2  }
0xb: {  	[smem:$0x3FA7] =	sst s3  }
0xc: {  	[smem:$0x3FA8] =	sst s4  }
0xd: {  	[smem:$0x3FA9] =	sst s5  }
0xe: {  	[smem:$0x3FAA] =	sst s6  }
0xf: {  	[smem:$0x3FAB] =	sst s7  }
0x10: {  	[smem:$0x3FAC] =	sst s8  }
0x11: {  	[smem:$0x3FAD] =	sst s9;
	s0 =	simm.s32 @!p0 $0x0  }
0x12: {  	s1 =	sld [smem:$0x3F93];
	s0 =	simm.s32 @p0 $0x1  }
0x13: {  	[smem:$0x3FAE] =	sst s0;
	s0 =	simm.s32 @!p1 $0x0  }
0x14: {  	s2 =	sld [smem:$0x3F92];
	s0 =	simm.s32 @p1 $0x1  }
0x15: {  	[smem:$0x3FAF] =	sst s0;
	s0 =	simm.s32 @!p2 $0x0  }
0x16: {  	s3 =	sld [smem:$0x3FDB];
	s0 =	simm.s32 @p2 $0x1  }
0x17: {  	s4 =	simm.s32 $0x1BF5;
	[smem:$0x3FB1] =	sst s0  }
0x18: {  	s0 =	sld [smem:$0x3F94];
	_ =	swait.ge [sflag:s4], $0x0  }
0x19: {  	s7 =	sld [smem:$0x3F95]  }
0x1a: {  	s8 =	sadd.s32 $0xFFFFE003, lr  }
0x1b: {  	s9 =	sadd.s32 $0xFFFFFEF7, lr;
	s5 =	simm.s32 $0xFFFFFFFF;
	p2 =	slt.u32 s8, $0xFFFFF086  }
0x1c: {  	p1 =	slt.u32 s9, $0xF7A;
	s5 =	simm.s32 @!p2 $0x0  }
0x1d: {  	s5 =	simm.s32 @p1 $0x1;
	p0 =	seq.s32 s7, s2  }
0x1e: {  	s7 =	smul.u32 @!p0 $0xF7A, s2;
	p2 =	seq.s32 @!p0 s5, $0x0  }
0x1f: {  	s9 =	smul.u32 $0xF7A, s1;
	s8 =	simm.s32 @!p0 $0x1BF5;
	p2 =	por !p2, p0  }
0x20: {  	[sflag:s8] =	ssyncset.s32 @!p0 $0xFFFFF086;
	s6 =	sadd.s32 @!p0 s3, s7;
	s7 =	simm.s32 @!p0 $0x108  }
0x21: {  	s3 =	sadd.s32 s3, s9;
	s6 =	sadd.s32 @!p0 $0x88, s6;
	s7 =	simm.s32 @p2 $0x1082  }
0x22: {  	[simem:s7], [sflag:s8] =	dma.local @!p0 [hbm:s6], $0xF7A  }
0x23: {  	s9 =	sor.u32 $0xD0000000, s2;
	s6 =	simm.s32 $0x108;
	_ =	swait.ge @!p0 [sflag:s8], $0x0  }
0x24: {  	s3 =	sadd.s32 $0x88, s3;
	s6 =	simm.s32 @!p1 $0x1082;
	[sflag:s4] =	ssyncset.s32 $0xFFFFF086  }
0x25: {  	[simem:s6], [sflag:s4] =	dma.local [hbm:s3], $0xF7A  }
0x26: {  	[smem:$0x3F95] =	sst s1;
	(tag) =	ssettag s2;
	_ =	strace s9  }
0x27: {  	s1 =	sld [smem:$0x3FA5]  }
0x28: {  	s2 =	sld [smem:$0x3FA6]  }
0x29: {  	s4 =	sld [smem:$0x3FA8]  }
0x2a: {  	p0 =	seq.s32 s5, $0x0;
	s5 =	sld [smem:$0x3FA9]  }
0x2b: {  	s6 =	sld [smem:$0x3FAA]  }
0x2c: {  	s7 =	sld [smem:$0x3FAB]  }
0x2d: {  	s3 =	simm.s32 $0x108;
	s8 =	sld [smem:$0x3FAC]  }
0x2e: {  	s3 =	simm.s32 @!p0 $0x1082;
	s9 =	sld [smem:$0x3FAD]  }
0x2f: {  	lr =	sadd.s32 s0, s3;
	s0 =	sld [smem:$0x3FA4]  }
0x30: {  	s3 =	sld [smem:$0x3FA7]  }
0x31: {  	[smem:$0x3FB0] =	sst s10  }
0x32: {  	s10 =	sld [smem:$0x3FAE];
	_ =	sdelay $0x3  }
0x33: {  	p0 =	seq.s32 s10, $0x1;
	s10 =	sld [smem:$0x3FB0];
	_ =	sdelay $0x3  }
0x34: {  	[smem:$0x3FB0] =	sst s10  }
0x35: {  	s10 =	sld [smem:$0x3FAF];
	_ =	sdelay $0x3  }
0x36: {  	p1 =	seq.s32 s10, $0x1;
	s10 =	sld [smem:$0x3FB0];
	_ =	sdelay $0x3  }
0x37: {  	[smem:$0x3FB0] =	sst s10  }
0x38: {  	s10 =	sld [smem:$0x3FB1]  }
0x39: {  	_ = 	snop;
	(pc) =	sbr.ind lr, $3  }
0x3a: {  	_ = 	snop  }
0x3b: {  	_ = 	snop  }
0x3c: {  	p2 =	seq.s32 s10, $0x1;
	s10 =	sld [smem:$0x3FB0]  }
0x3d: {  	_ =	shalt  }
0x3e: {  	_ =	shalt  }
0x3f: {  	_ =	shalt  }
0x40: {  	_ =	shalt  }
0x41: {  	_ =	shalt  }
0x42: {  	_ =	shalt  }
0x43: {  	_ =	shalt  }
0x44: {  	_ =	shalt  }
0x45: {  	_ =	shalt  }
0x46: {  	_ =	shalt  }
0x47: {  	_ =	shalt  }
0x48: {  	_ =	shalt  }
0x49: {  	_ =	shalt  }
0x4a: {  	_ =	shalt  }
0x4b: {  	_ =	shalt  }
0x4c: {  	_ =	shalt  }
0x4d: {  	_ =	shalt  }
0x4e: {  	_ =	shalt  }
0x4f: {  	_ =	shalt  }
0x50: {  	_ =	shalt  }
0x51: {  	_ =	shalt  }
0x52: {  	_ =	shalt  }
0x53: {  	_ =	shalt  }
0x54: {  	_ =	shalt  }
0x55: {  	_ =	shalt  }
0x56: {  	_ =	shalt  }
0x57: {  	_ =	shalt  }
0x58: {  	_ =	shalt  }
0x59: {  	_ =	shalt  }
0x5a: {  	_ =	shalt  }
0x5b: {  	_ =	shalt  }
0x5c: {  	_ =	shalt  }
0x5d: {  	_ =	shalt  }
0x5e: {  	_ =	shalt  }
0x5f: {  	_ =	shalt  }
0x60: {  	_ =	shalt  }
0x61: {  	_ =	shalt  }
0x62: {  	_ =	shalt  }
0x63: {  	_ =	shalt  }
0x64: {  	_ =	shalt  }
0x65: {  	_ =	shalt  }
0x66: {  	_ =	shalt  }
0x67: {  	_ =	shalt  }
0x68: {  	_ =	shalt  }
0x69: {  	_ =	shalt  }
0x6a: {  	_ =	shalt  }
0x6b: {  	_ =	shalt  }
0x6c: {  	_ =	shalt  }
0x6d: {  	_ =	shalt  }
0x6e: {  	_ =	shalt  }
0x6f: {  	_ =	shalt  }
0x70: {  	_ =	shalt  }
0x71: {  	_ =	shalt  }
0x72: {  	_ =	shalt  }
0x73: {  	_ =	shalt  }
0x74: {  	_ =	shalt  }
0x75: {  	_ =	shalt  }
0x76: {  	_ =	shalt  }
0x77: {  	_ =	shalt  }
0x78: {  	_ =	shalt  }
0x79: {  	_ =	shalt  }
0x7a: {  	_ =	shalt  }
0x7b: {  	_ =	shalt  }
0x7c: {  	_ =	shalt  }
0x7d: {  	_ =	shalt  }
0x7e: {  	_ =	shalt  }
0x7f: {  	_ =	shalt  }
0x80: {  	_ =	shalt  }
0x81: {  	_ =	shalt  }
0x82: {  	_ =	shalt  }
0x83: {  	_ =	shalt  }
0x84: {  	_ =	shalt  }
0x85: {  	_ =	shalt  }
0x86: {  	_ =	shalt  }
0x87: {  	_ =	shalt  }
.Lfunc_end0:
.L_simem_size_0:
called_computation_lowered:
.L_overlay_start_0:
0x88: {  	s2 =	sld [smem:$0x3FD9]  }
0x89: {  	s3 =	sld [smem:$0x3FFE];
	_ =	sdelay $0x1  }
0x8a: {  	s1 =	srdreg.scid  }
0x8b: {  	s0 =	sand.u32 $0x1, s1  }
0x8c: {  	s17 =	sshll.u32 s0, $0xA;
	s2 =	sadd.s32 s3, s2  }
0x8d: {  	s2 =	sadd.s32 s2, s17  }
0x8e: {  	[smem:$0x3FBC] =	sst s2  }
0x8f: {  	_ = 	snop  }
0x90: {  	s2 =	sld [smem:$0x3FD0];
	(tm) =	ssettm $0x1  }
0x91: {  	s18 =	sld [smem:$0x3FFB];
	_ =	sdelay $0x3  }
0x92: {  	_ =	strace s18  }
0x93: {  	s3 =	sld [smem:$0x3FFC];
	_ =	sdelay $0x3  }
0x94: {  	_ =	strace s3  }
0x95: {  	s3 =	sld [smem:$0x3FFD];
	_ =	sdelay $0x3  }
0x96: {  	_ =	strace s3  }
0x97: {  	_ =	strace $0x8FFFFFFF  }
0x98: {  	s19 =	sld [smem:$0x3FDB];
	_ =	sdelay $0x1  }
0x99: {  	s4 =	simm.s32 $_scs_section_size  }
0x9a: {  	s5 =	simm.s32 $_size__tile_overlayer_lowered;
	s6 =	simm.s32 $_tile_overlayer_lowered  }
0x9b: {  	s22 =	simm.s32 $0x1BFF;
	s21 =	sshll.u32 s6, $0x1;
	s3 =	sadd.s32 s4, s19  }
0x9c: {  	s7 =	simm.s32 $0x0;
	s20 =	sshll.u32 s5, $0x1;
	s5 =	sadd.s32 s21, s3  }
0x9d: {  	[timem:s7], [sflag:s22] =	dma.local [hbm:s5], s20  }
0x9e: {  	_ =	swait.ge [sflag:s22], s20  }
0x9f: {  	s4 =	ssub.s32 $0x0, s20;
	[sflag:s22] =	ssyncset.done $0x0  }
0xa0: {  	[sflag:s22] =	ssyncadd.s32 s4;
	_ =	sdelay $0x1  }
0xa1: {  	s23 =	simm.s32 $0x1B8B  }
0xa2: {  	_ =	swait.ge [sflag:s23], $0x1  }
0xa3: {  	[sflag:s23] =	ssyncset.done $0x0  }
0xa4: {  	s25 =	simm.s32 $0x1B8E;
	s24 =	sld [smem:$0x3FFE];
	[sflag:s23] =	ssyncadd.s32 $0xFFFFFFFF  }
0xa5: {  	s26 =	simm.s32 $execute0_lowered;
	[smem:$0x3FD2] =	sst s25  }
0xa6: {  	s5 =	sshll.u32 s26, $0x1;
	_ =	strace $0x80000046;
	[dreg:$0x1] =	wrdreg $0xFFFFFFFF  }
0xa7: {  	s28 =	simm.s32 $_size_execute0_lowered;
	s3 =	sadd.s32 s3, s5;
	[dreg:$0x0] =	wrdreg $0x0  }
0xa8: {  	s5 =	sshll.u32 s28, $0x1;
	[dreg:$0x2] =	wrdreg s3  }
0xa9: {  	[dreg:$0x3] =	wrdreg s5  }
0xaa: {  	[dreg:$0x4] =	wrdreg $0xC0  }
0xab: {  	_ =	task [dreg:s7], $0x5FFFF  }
0xac: {  	[dreg:$0x1] =	wrdreg $0xFFFFFFFF  }
0xad: {  	[dreg:$0x0] =	wrdreg $0x60  }
0xae: {  	[dreg:$0x2] =	wrdreg s2  }
0xaf: {  	[dreg:$0x3] =	wrdreg s24  }
0xb0: {  	[dreg:$0x4] =	wrdreg $0x9  }
0xb1: {  	_ =	task.clear_ibuf [dreg:s7], $0x5FFFF;
	_ =	strace $0x90000046  }
0xb2: {  	s29 =	simm.s32 $0x9;
	_ =	strace $0x80000048  }
0xb3: {  	_ =	swait.ge [sflag:s29], $0x1  }
0xb4: {  	[sflag:s29] =	ssyncadd.s32 $0xFFFFFFFF  }
0xb5: {  	_ =	strace $0x90000048  }
0xb6: {  	_ =	sfence  }
0xb7: {  	s30 =	sld [smem:$0x0];
	_ =	sdelay $0x2  }
0xb8: {  	s31 =	sshll.u32 s1, $0xD;
	s1 =	sshrl.u32 s1, $0x2  }
0xb9: {  	s3 =	sand.u32 $0x4000, s31;
	s1 =	sadd.s32 s1, s30  }
0xba: {  	s0 =	sor.u32 s3, s0;
	s1 =	sshll.u32 s1, $0x11  }
0xbb: {  	s0 =	sor.u32 s1, s0  }
0xbc: {  	s0 =	sadd.s32 $0x8F2B, s0  }
0xbd: {  	[sflag:s0] =	ssyncadd.remote.s32 $0x1  }
0xbe: {  	_ =	sfence.sel $0xFFFF  }
0xbf: {  	[dreg:$0x0] =	wrdreg $0xFFFFFFFF;
	(pc) =	sbr.abs _section_cstart, $3  }
0xc0: {  	[dreg:$0x1] =	wrdreg $0xFFFFFFFF  }
0xc1: {  	_ =	task.clear_ibuf [dreg:s7], $0x2FFFF;
	_ =	strace $0x9FFFFFFF  }
0xc2: {  	(tm) =	ssettm $0x7FFFFFFF  }
0xc3: {  	_ =	shalt  }
tec
execute0_lowered:
.L_overlay_start_1:
0x0: {  	(tag) =	ssettag $0x1  }
0x1: {  	s5 =	rddreg [dreg:$0x0]  }
0x2: {  	s4 =	rddreg [dreg:$0x1]  }
0x3: {  	s0 =	stileid.u32;
	s2 =	simm.s32 $0x0;
	s6 =	srdreg.scid  }
0x4: {  	s13 =	simm.s32 $0x400;
	s14 =	simm.s32 $0x8000;
	s15 =	simm.s32 $0x1  }
0x5: {  	s16 =	simm.s32 $0xC000;
	s17 =	simm.s32 $0x100;
	s18 =	simm.s32 $0x10000  }
0x6: {  	s19 =	simm.s32 $0x2;
	s20 =	simm.s32 $0x12000;
	s21 =	simm.s32 $0x3  }
0x7: {  	s22 =	simm.s32 $0x4;
	s23 =	simm.s32 $0x0;
	s3 =	sshll.u32 s0, $0x4  }
0x8: {  	[smem:$0x7FF] =	sst s2;
	s6 =	sand.u32 $0x1, s6;
	s10 =	sshll.u32 s0, $0xC  }
0x9: {  	s31 =	sshll.u32 s0, $0x13;
	s11 =	sshll.u32 s0, $0x8;
	s3 =	sand.u32 $0x70, s3  }
0xa: {  	_ =	strace $0x80000047;
	s8 =	ssub.s32 $0x2, s6;
	s29 =	sand.u32 $0x8000, s10  }
0xb: {  	s30 =	sshll.u32 s6, $0x14;
	s6 =	sshll.u32 s6, $0x10;
	s10 =	sand.u32 $0x600000, s31  }
0xc: {  	s11 =	sand.u32 $0x300, s11;
	s7 =	sadd.s32 s3, s4;
	s3 =	sadd.s32 $0x12400, s4  }
0xd: {  	s9 =	sshrl.u32 s8, $0x1;
	s4 =	sadd.s32 $0x12600, s4;
	s5 =	sadd.s32 s5, s6  }
0xe: {  	v0 =	vmov s0;
	s9 =	ssub.s32 s8, s9;
	s7 =	sadd.s32 s29, s7;
	s8 =	sor.u32 s10, s30  }
0xf: {  	v1 =	vor.u32 $0x10, v0;
	s10 =	simm.s32 $0x14000;
	s6 =	sadd.s32 $0x2400, s7;
	s7 =	sor.u32 s11, s8  }
0x10: {  	v2 =	vor.u32 $0x20, v0;
	v3 =	vor.u32 $0x30, v0;
	v4 =	vor.u32 $0x40, v0;
	s8 =	sadd.s32 $0x1000, s5;
	s9 =	smax.u32 s9, $0x1;
	s11 =	simm.s32 $0x5  }
.LBB2_1:
0x11: {  	[tilespmem:s10], [sflag:$0x5] =	stream.linear.gather [hbm4b:s3+s2], $0x80, $0x38;
	[tilespmem:$0x14080] =	vst v63  }
0x12: {  	_ =	swait.ge [sflag:s11], $0x80  }
0x13: {  	[sflag:s11] =	ssyncset.done $0x0  }
0x14: {  	s0 =	simm.s32 $0x80;
	[sflag:s11] =	ssyncadd.s32 $0xFFFFFF80  }
0x15: {  	[tilespmem:s2], [sflag:$0x5] =	stream.strided.gather [hbm4b:s6+s0], $0x8000, s13, s0, $0x38;
	[tilespmem:$0x14080] =	vst v63  }
0x16: {  	_ =	swait.ge [sflag:s11], $0x8000  }
0x17: {  	[sflag:s11] =	ssyncset.done $0x0  }
0x18: {  	[sflag:s11] =	ssyncadd.s32 $0xFFFF8000  }
0x19: {  	v8 =	vld.idx.msk [tilespmem:v0+s10+$0x0], $0xffff  }
0x1a: {  	v9 =	vld.idx.msk [tilespmem:v4+s10+$0x0], $0xffff;
	_ =	sdelay $0x2  }
0x1b: {  	v5 =	vld.idx.msk [tilespmem:v1+s10+$0x0], $0xffff  }
0x1c: {  	s24 =	simm.s32 $0x0;
	v6 =	vld.idx.msk [tilespmem:v2+s10+$0x0], $0xffff  }
0x1d: {  	v7 =	vld.idx.msk [tilespmem:v3+s10+$0x0], $0xffff;
	[tilespmem:s14], [sflag:$0x1] =	stream.linear.gather [hbm4b:s5+s2], $0x4000, $0x38;
	v8 =	vcvt.s32.f32 v8;
	vm0 =	veq.s32 v9, $0x1  }
.LBB2_2:
0x1e: {  	_ =	swait.ge [sflag:s15], $0x4000;
	s25 =	sshllo.u32 s24, $0x1  }
0x1f: {  	p0 =	seq.s32 s24, $0x0;
	[sflag:s15] =	ssyncset.done $0x0;
	s26 =	sshll.u32 s25, $0xB  }
0x20: {  	s29 =	simm.s32 @!p0 $0x3;
	[sflag:s15] =	ssyncadd.s32 $0xFFFFC000;
	s26 =	sadd.s32 s26, s5  }
0x21: {  	[tilespmem:s16], [sflag:$0x2] =	stream.linear.gather [hbm4b:s26+s2], $0x4000, $0x38;
	[tilespmem:$0x14080] =	vst v63  }
0x22: {  	s28 =	simm.s32 $0x0;
	s30 =	simm.s32 $0x0;
	_ =	swait.ge @!p0 [sflag:s29], $0x2000  }
0x23: {  	s30 =	sand.u32 $0x3FFFFE00, s30;
	s26 =	sand.u32 $0x70, s28;
	[sflag:s29] =	ssyncset.done @!p0 $0x0  }
0x24: {  	[sflag:s29] =	ssyncadd.s32 @!p0 $0xFFFFE000;
	s29 =	sor.u32 s26, s30  }
0x25: {  	v9 =	vld [tilespmem:s29+$0x8000]  }
0x26: {  	v10 =	vld [tilespmem:s29+$0x8080]  }
0x27: {  	v11 =	vld [tilespmem:s29+$0x8100];
	_ =	sdelay $0x3  }
0x28: {  	v9 =	vmul.f32 $1.000000010e-01, v9  }
0x29: {  	v10 =	vmul.f32 $1.000000010e-01, v10;
	v11 =	vmul.f32 $1.000000010e-01, v11  }
0x2a: {  	v9 =	vadd.f32 $5.000000000e-01, v9  }
0x2b: {  	v10 =	vadd.f32 $5.000000000e-01, v10;
	v11 =	vadd.f32 $5.000000000e-01, v11  }
0x2c: {  	v9 =	vmax.f32 v9, $0.0e+00  }
0x2d: {  	v10 =	vmax.f32 v10, $0.0e+00;
	v11 =	vmax.f32 v11, $0.0e+00;
	v9 =	vmin.f32 v9, $9.999989860e-01  }
0x2e: {  	v10 =	vmin.f32 v10, $9.999989860e-01;
	v11 =	vmin.f32 v11, $9.999989860e-01;
	v9 =	vmul.f32 v8, v9  }
0x2f: {  	v10 =	vmul.f32 v8, v10;
	v11 =	vmul.f32 v8, v11  }
0x30: {  	v12 =	vtrunc.f32 v9  }
0x31: {  	v13 =	vtrunc.f32 v10;
	v14 =	vtrunc.f32 v11  }
0x32: {  	v12 =	vcvt.f32.s32 v12;
	v13 =	vcvt.f32.s32 v13  }
0x33: {  	v14 =	vcvt.f32.s32 v14  }
0x34: {  	v15 =	vcvt.s32.f32 v12;
	v16 =	vmul.u32 v12, v5;
	v17 =	vmul.u32 v13, v6  }
0x35: {  	v12 =	vcvt.s32.f32 v13;
	v18 =	vmul.u32 v14, v7;
	v13 =	vcvt.s32.f32 v14  }
0x36: {  	v9 =	vsub.f32 v9, v15;
	v14 =	vadd.s32 v5, v16;
	v15 =	vxor.u32 v16, v17  }
0x37: {  	v19 =	vadd.s32 v16, v17;
	v10 =	vsub.f32 v10, v12;
	v22 =	vadd.s32 v6, v17  }
0x38: {  	v23 =	vadd.s32 v7, v18;
	v11 =	vsub.f32 v11, v13;
	v21 =	vxor.u32 v18, v15  }
0x39: {  	v24 =	vxor.u32 v16, v22;
	v15 =	vxor.u32 v15, v23;
	v16 =	vadd.s32 v16, v22  }
0x3a: {  	v29 =	vxor.u32 v17, v14;
	v17 =	vadd.s32 v17, v14;
	v31 =	vxor.u32 v14, v22  }
0x3b: {  	v14 =	vadd.s32 v14, v22;
	v20 =	vsub.f32 $1.000000000e+00, v9;
	v12 =	vand.u32 $0x3FFF, v21  }
0x3c: {  	v21 =	vadd.s32 v18, v19;
	v15 =	vand.u32 $0x3FFF, v15;
	v25 =	vxor.u32 v18, v24  }
0x3d: {  	v19 =	vadd.s32 v19, v23;
	v26 =	vsub.f32 $1.000000000e+00, v10;
	v13 =	vxor.u32 v23, v24  }
0x3e: {  	v22 =	vxor.u32 v18, v31;
	v21 =	vsel vm0, v21, v12;
	v25 =	vand.u32 $0x3FFF, v25  }
0x3f: {  	v15 =	vsel vm0, v19, v15;
	v19 =	vadd.s32 v18, v16;
	v16 =	vadd.s32 v23, v16  }
0x40: {  	v12 =	vmul.f32 v10, v20;
	v21 =	vshll.u32 v21, $0x1;
	v28 =	vshll.u32 v15, $0x1  }
0x41: {  	v15 =	vsel vm0, v19, v25;
	v25 =	vmul.f32 v26, v20;
	v27 =	vor.u32 $0x1, v21  }
0x42: {  	v19 =	vor.u32 $0x1, v28;
	v20 =	vshll.u32 v15, $0x1;
	v15 =	vand.u32 $0x3FFF, v13  }
0x43: {  	v13 =	vsub.f32 $1.000000000e+00, v11;
	v24 =	vor.u32 $0x1, v20;
	v15 =	vsel vm0, v16, v15  }
0x44: {  	v16 =	vadd.s32 v18, v17;
	v17 =	vadd.s32 v17, v23;
	v30 =	vshll.u32 v15, $0x1  }
0x45: {  	v15 =	vxor.u32 v18, v29;
	v32 =	vmul.f32 v13, v25;
	v29 =	vxor.u32 v29, v23  }
0x46: {  	v18 =	vadd.s32 v18, v14;
	v33 =	vor.u32 $0x1, v30;
	v29 =	vand.u32 $0x3FFF, v29;
	v21 =	vld.idx.msk [tilespmem:v21+s2+$0x0], $0xffff  }
0x47: {  	v15 =	vand.u32 $0x3FFF, v15;
	v17 =	vsel vm0, v17, v29;
	v34 =	vld.idx.msk [tilespmem:v28+s2+$0x0], $0xffff;
	v28 =	vadd.s32 v23, v14  }
0x48: {  	v14 =	vmul.f32 v26, v9;
	v29 =	vld.idx.msk [tilespmem:v27+s2+$0x0], $0xffff;
	v27 =	vsel vm0, v16, v15;
	v15 =	vshll.u32 v17, $0x1  }
0x49: {  	v17 =	vand.u32 $0x3FFF, v22;
	v22 =	vxor.u32 v23, v31;
	v23 =	vld.idx.msk [tilespmem:v19+s2+$0x0], $0xffff;
	v35 =	vshll.u32 v27, $0x1  }
0x4a: {  	v19 =	vld.idx.msk [tilespmem:v20+s2+$0x0], $0xffff;
	v16 =	vor.u32 $0x1, v15;
	v22 =	vand.u32 $0x3FFF, v22;
	v18 =	vsel vm0, v18, v17  }
0x4b: {  	v20 =	vld.idx.msk [tilespmem:v24+s2+$0x0], $0xffff;
	v27 =	vor.u32 $0x1, v35;
	v22 =	vsel vm0, v28, v22;
	v28 =	vmul.f32 v25, v11  }
0x4c: {  	v25 =	vld.idx.msk [tilespmem:v30+s2+$0x0], $0xffff;
	v24 =	vshll.u32 v18, $0x1;
	v17 =	vshll.u32 v22, $0x1;
	v26 =	vmul.f32 v32, v21  }
0x4d: {  	v22 =	vor.u32 $0x1, v24;
	v21 =	vld.idx.msk [tilespmem:v33+s2+$0x0], $0xffff;
	v18 =	vor.u32 $0x1, v17;
	v30 =	vmul.f32 v32, v29  }
0x4e: {  	s30 =	simm.s32 $0x1;
	s29 =	simm.s32 $0x0;
	v32 =	vmul.f32 v28, v34;
	v29 =	vmul.f32 v13, v12;
	v31 =	vadd.f32 $0.0e+00, v26;
	v26 =	vld.idx.msk [tilespmem:v35+s2+$0x0], $0xffff  }
.LBB2_3:
0x4f: {  	p0 =	sne.s32 s30, $0xFF  }
0x50: {  	v30 =	vadd.f32 $0.0e+00, v30;
	v23 =	vmul.f32 v28, v23;
	v27 =	vld.idx.msk [tilespmem:v27+s2+$0x0], $0xffff;
	s28 =	sadd.s32 $0x10, s28;
	s31 =	smov.u32 s30;
	s30 =	sadd.s32 $0x1, s30  }
0x51: {  	v12 =	vmul.f32 v11, v12;
	v28 =	vadd.f32 v31, v32;
	v19 =	vmul.f32 v29, v19;
	v15 =	vld.idx.msk [tilespmem:v15+s2+$0x0], $0xffff  }
0x52: {  	v20 =	vmul.f32 v29, v20;
	v23 =	vadd.f32 v30, v23;
	v16 =	vld.idx.msk [tilespmem:v16+s2+$0x0], $0xffff  }
0x53: {  	v25 =	vmul.f32 v12, v25;
	v19 =	vadd.f32 v28, v19;
	v28 =	vmul.f32 v13, v14;
	v24 =	vld.idx.msk [tilespmem:v24+s2+$0x0], $0xffff  }
0x54: {  	v9 =	vmul.f32 v10, v9;
	v12 =	vmul.f32 v12, v21;
	v10 =	vadd.f32 v23, v20;
	v20 =	vld.idx.msk [tilespmem:v22+s2+$0x0], $0xffff  }
0x55: {  	v14 =	vmul.f32 v14, v11;
	v19 =	vadd.f32 v19, v25;
	v21 =	vmul.f32 v28, v26;
	v17 =	vld.idx.msk [tilespmem:v17+s2+$0x0], $0xffff  }
0x56: {  	s0 =	sshll.u32 s31, $0x6;
	v10 =	vadd.f32 v10, v12;
	v12 =	vmul.f32 v28, v27;
	v18 =	vld.idx.msk [tilespmem:v18+s2+$0x0], $0xffff  }
0x57: {  	s1 =	sand.u32 $0x70, s28;
	s0 =	sand.u32 $0x3FFFFE00, s0;
	v13 =	vmul.f32 v13, v9;
	v15 =	vmul.f32 v15, v14;
	v19 =	vadd.f32 v19, v21  }
0x58: {  	s0 =	sor.u32 s1, s0;
	v10 =	vadd.f32 v10, v12;
	v12 =	vmul.f32 v16, v14  }
0x59: {  	v9 =	vmul.f32 v11, v9;
	v14 =	vadd.f32 v19, v15;
	v15 =	vmul.f32 v24, v13  }
0x5a: {  	v11 =	vmul.f32 v20, v13;
	v10 =	vadd.f32 v10, v12  }
0x5b: {  	v13 =	vmul.f32 v17, v9;
	v12 =	vadd.f32 v14, v15  }
0x5c: {  	s12 =	sshll.u32 s29, $0x5;
	s29 =	smov.u32 s31;
	v9 =	vmul.f32 v18, v9;
	v10 =	vadd.f32 v10, v11  }
0x5d: {  	s12 =	sand.u32 $0x3FFFFF00, s12;
	v11 =	vadd.f32 v12, v13  }
0x5e: {  	s12 =	sor.u32 s26, s12;
	s26 =	smov.u32 s1;
	v9 =	vadd.f32 v10, v9  }
0x5f: {  	s1 =	sadd.s32 $0x10000, s12;
	[tilespmem:s12+$0x10000] =	vst v11  }
0x60: {  	[tilespmem:s1+$0x80] =	vst v9  }
0x61: {  	v9 =	vld [tilespmem:s0+$0x8000]  }
0x62: {  	v10 =	vld [tilespmem:s0+$0x8080]  }
0x63: {  	v11 =	vld [tilespmem:s0+$0x8100];
	_ =	sdelay $0x2  }
0x64: {  	v9 =	vmul.f32 $1.000000010e-01, v9  }
0x65: {  	v10 =	vmul.f32 $1.000000010e-01, v10  }
0x66: {  	v9 =	vadd.f32 $5.000000000e-01, v9;
	v11 =	vmul.f32 $1.000000010e-01, v11  }
0x67: {  	v10 =	vadd.f32 $5.000000000e-01, v10  }
0x68: {  	v9 =	vmax.f32 v9, $0.0e+00;
	v11 =	vadd.f32 $5.000000000e-01, v11  }
0x69: {  	v9 =	vmin.f32 v9, $9.999989860e-01;
	v10 =	vmax.f32 v10, $0.0e+00  }
0x6a: {  	v9 =	vmul.f32 v8, v9;
	v10 =	vmin.f32 v10, $9.999989860e-01;
	v11 =	vmax.f32 v11, $0.0e+00  }
0x6b: {  	v10 =	vmul.f32 v8, v10;
	v11 =	vmin.f32 v11, $9.999989860e-01  }
0x6c: {  	v12 =	vtrunc.f32 v9;
	v11 =	vmul.f32 v8, v11  }
0x6d: {  	v12 =	vcvt.f32.s32 v12;
	v13 =	vtrunc.f32 v10  }
0x6e: {  	v13 =	vcvt.f32.s32 v13;
	v14 =	vtrunc.f32 v11  }
0x6f: {  	v15 =	vcvt.s32.f32 v12;
	v14 =	vcvt.f32.s32 v14  }
0x70: {  	v17 =	vmul.u32 v12, v5;
	v16 =	vcvt.s32.f32 v13;
	v13 =	vmul.u32 v13, v6  }
0x71: {  	v9 =	vsub.f32 v9, v15;
	v15 =	vcvt.s32.f32 v14;
	v14 =	vmul.u32 v14, v7  }
0x72: {  	v18 =	vadd.s32 v5, v17;
	v19 =	vxor.u32 v17, v13;
	v20 =	vadd.s32 v17, v13  }
0x73: {  	v21 =	vadd.s32 v6, v13;
	v22 =	vsub.f32 $1.000000000e+00, v9;
	v12 =	vxor.u32 v14, v19  }
0x74: {  	v10 =	vsub.f32 v10, v16;
	v16 =	vadd.s32 v14, v20;
	v12 =	vand.u32 $0x3FFF, v12  }
0x75: {  	v23 =	vadd.s32 v7, v14;
	v24 =	vxor.u32 v17, v21;
	v16 =	vsel vm0, v16, v12  }
0x76: {  	v19 =	vxor.u32 v19, v23;
	v12 =	vmul.f32 v10, v22;
	v16 =	vshll.u32 v16, $0x1  }
0x77: {  	v26 =	vxor.u32 v14, v24;
	v19 =	vand.u32 $0x3FFF, v19;
	v25 =	vor.u32 $0x1, v16  }
0x78: {  	v17 =	vadd.s32 v17, v21;
	v20 =	vadd.s32 v20, v23;
	v26 =	vand.u32 $0x3FFF, v26  }
0x79: {  	v28 =	vsub.f32 $1.000000000e+00, v10;
	v19 =	vsel vm0, v20, v19;
	v20 =	vadd.s32 v14, v17  }
0x7a: {  	v17 =	vadd.s32 v23, v17;
	v19 =	vshll.u32 v19, $0x1;
	v20 =	vsel vm0, v20, v26  }
0x7b: {  	v22 =	vmul.f32 v28, v22;
	v26 =	vor.u32 $0x1, v19;
	v20 =	vshll.u32 v20, $0x1  }
0x7c: {  	v11 =	vsub.f32 v11, v15;
	v15 =	vxor.u32 v23, v24;
	v29 =	vor.u32 $0x1, v20  }
0x7d: {  	v27 =	vadd.s32 v13, v18;
	v24 =	vxor.u32 v13, v18;
	v15 =	vand.u32 $0x3FFF, v15  }
0x7e: {  	v13 =	vsub.f32 $1.000000000e+00, v11;
	v15 =	vsel vm0, v17, v15;
	v17 =	vadd.s32 v14, v27  }
0x7f: {  	v31 =	vxor.u32 v18, v21;
	v30 =	vshll.u32 v15, $0x1;
	v15 =	vxor.u32 v14, v24  }
0x80: {  	v32 =	vmul.f32 v13, v22;
	v24 =	vxor.u32 v24, v23;
	v33 =	vor.u32 $0x1, v30  }
0x81: {  	v18 =	vadd.s32 v18, v21;
	v27 =	vadd.s32 v27, v23;
	v24 =	vand.u32 $0x3FFF, v24  }
0x82: {  	v15 =	vand.u32 $0x3FFF, v15;
	v21 =	vld.idx.msk [tilespmem:v16+s2+$0x0], $0xffff;
	v16 =	vsel vm0, v27, v24;
	v24 =	vxor.u32 v14, v31  }
0x83: {  	v17 =	vsel vm0, v17, v15;
	v34 =	vld.idx.msk [tilespmem:v25+s2+$0x0], $0xffff;
	v15 =	vshll.u32 v16, $0x1;
	v24 =	vand.u32 $0x3FFF, v24  }
0x84: {  	v25 =	vadd.s32 v23, v18;
	v35 =	vld.idx.msk [tilespmem:v19+s2+$0x0], $0xffff;
	v16 =	vor.u32 $0x1, v15;
	v19 =	vxor.u32 v23, v31  }
0x85: {  	v23 =	vld.idx.msk [tilespmem:v26+s2+$0x0], $0xffff;
	v26 =	vshll.u32 v17, $0x1;
	v17 =	vand.u32 $0x3FFF, v19  }
.Ltmp0:
0x86: {  	v18 =	vadd.s32 v14, v18;
	v19 =	vld.idx.msk [tilespmem:v20+s2+$0x0], $0xffff;
	v27 =	vor.u32 $0x1, v26;
	v17 =	vsel vm0, v25, v17;
	(pc) =	sbr.rel @p0 .LBB2_3-.Ltmp0, $4  }
0x87: {  	v14 =	vmul.f32 v28, v9;
	v18 =	vsel vm0, v18, v24;
	v20 =	vld.idx.msk [tilespmem:v29+s2+$0x0], $0xffff;
	v17 =	vshll.u32 v17, $0x1  }
0x88: {  	v28 =	vmul.f32 v22, v11;
	v24 =	vshll.u32 v18, $0x1;
	v29 =	vmul.f32 v32, v21;
	v25 =	vld.idx.msk [tilespmem:v30+s2+$0x0], $0xffff  }
0x89: {  	v22 =	vor.u32 $0x1, v24;
	v30 =	vmul.f32 v32, v34;
	v18 =	vor.u32 $0x1, v17;
	v21 =	vld.idx.msk [tilespmem:v33+s2+$0x0], $0xffff  }
0x8a: {  	v31 =	vadd.f32 $0.0e+00, v29;
	v32 =	vmul.f32 v28, v35;
	v29 =	vmul.f32 v13, v12;
	v26 =	vld.idx.msk [tilespmem:v26+s2+$0x0], $0xffff  }
0x8b: {  	_ =	sdelay $0x2  }
0x8c: {  	v30 =	vadd.f32 $0.0e+00, v30;
	v23 =	vmul.f32 v28, v23  }
0x8d: {  	v27 =	vld.idx.msk [tilespmem:v27+s2+$0x0], $0xffff;
	v12 =	vmul.f32 v11, v12;
	v28 =	vadd.f32 v31, v32;
	v19 =	vmul.f32 v29, v19  }
0x8e: {  	v15 =	vld.idx.msk [tilespmem:v15+s2+$0x0], $0xffff;
	v20 =	vmul.f32 v29, v20;
	v23 =	vadd.f32 v30, v23  }
0x8f: {  	v16 =	vld.idx.msk [tilespmem:v16+s2+$0x0], $0xffff;
	v25 =	vmul.f32 v12, v25;
	v19 =	vadd.f32 v28, v19;
	v28 =	vmul.f32 v13, v14  }
0x90: {  	v24 =	vld.idx.msk [tilespmem:v24+s2+$0x0], $0xffff;
	v9 =	vmul.f32 v10, v9;
	v12 =	vmul.f32 v12, v21;
	v10 =	vadd.f32 v23, v20  }
0x91: {  	v14 =	vmul.f32 v14, v11;
	v20 =	vld.idx.msk [tilespmem:v22+s2+$0x0], $0xffff;
	v19 =	vadd.f32 v19, v25;
	v21 =	vmul.f32 v28, v26  }
0x92: {  	v17 =	vld.idx.msk [tilespmem:v17+s2+$0x0], $0xffff;
	v10 =	vadd.f32 v10, v12;
	v12 =	vmul.f32 v28, v27  }
0x93: {  	v18 =	vld.idx.msk [tilespmem:v18+s2+$0x0], $0xffff;
	v13 =	vmul.f32 v13, v9;
	v15 =	vmul.f32 v15, v14;
	v19 =	vadd.f32 v19, v21  }
0x94: {  	v10 =	vadd.f32 v10, v12;
	v12 =	vmul.f32 v16, v14  }
0x95: {  	v9 =	vmul.f32 v11, v9;
	v14 =	vadd.f32 v19, v15;
	v15 =	vmul.f32 v24, v13  }
0x96: {  	v11 =	vmul.f32 v20, v13;
	v10 =	vadd.f32 v10, v12  }
0x97: {  	v13 =	vmul.f32 v17, v9;
	v12 =	vadd.f32 v14, v15  }
0x98: {  	s0 =	sshll.u32 s29, $0x5;
	v9 =	vmul.f32 v18, v9;
	v10 =	vadd.f32 v10, v11  }
0x99: {  	s1 =	sshll.u32 s24, $0x10;
	s0 =	sand.u32 $0x3FFFFF00, s0;
	v11 =	vadd.f32 v12, v13  }
0x9a: {  	s1 =	sadd.s32 s7, s1;
	s0 =	sor.u32 s26, s0;
	v9 =	vadd.f32 v10, v9  }
0x9b: {  	s26 =	sshrl.u32 s1, $0x3;
	s12 =	sadd.s32 $0x10000, s0;
	[tilespmem:s0+$0x10000] =	vst v11  }
0x9c: {  	p0 =	seq.s32 s24, $0xF;
	s0 =	sadd.s32 s4, s26;
	[tilespmem:s12+$0x80] =	vst v9  }
0x9d: {  	[hbm4b:s0+s17] =	stream.strided.scatter [tilespmem:s18], [sflag:$0x3], $0x2000, s13, s17, $0x38;
	[tilespmem:$0x14080] =	vst v63  }
0x9e: {  	p1 =	seq.s32 @!p0 s24, $0x0;
	_ =	swait.ge [sflag:s19], $0x4000  }
0x9f: {  	s1 =	simm.s32 @!p0 $0x0;
	s0 =	sshll.u32 @!p0 s24, $0xC;
	[sflag:s19] =	ssyncset.done $0x0  }
0xa0: {  	s12 =	simm.s32 @!p0 $0x8000;
	s0 =	sadd.s32 @!p0 s0, s8;
	[sflag:s19] =	ssyncadd.s32 $0xFFFFC000  }
0xa1: {  	[tilespmem:s12], [sflag:$0x1] =	stream.linear.gather @!p0 [hbm4b:s0+s1], $0x4000, $0x38;
	[tilespmem:$0x14080] =	vst v63  }
0xa2: {  	p0 =	por p0, !p1  }
0xa3: {  	s28 =	simm.s32 $0x0;
	s31 =	simm.s32 $0x0;
	_ =	swait.ge @p0 [sflag:s22], $0x2000  }
0xa4: {  	s26 =	sand.u32 $0x70, s28;
	s0 =	sand.u32 $0x3FFFFE00, s31;
	[sflag:s22] =	ssyncset.done @p0 $0x0  }
0xa5: {  	s0 =	sor.u32 s26, s0;
	[sflag:s22] =	ssyncadd.s32 @p0 $0xFFFFE000  }
0xa6: {  	v9 =	vld [tilespmem:s0+$0xC000]  }
0xa7: {  	v10 =	vld [tilespmem:s0+$0xC080]  }
0xa8: {  	v11 =	vld [tilespmem:s0+$0xC100];
	_ =	sdelay $0x2  }
0xa9: {  	v9 =	vmul.f32 $1.000000010e-01, v9  }
0xaa: {  	v10 =	vmul.f32 $1.000000010e-01, v10  }
0xab: {  	v11 =	vmul.f32 $1.000000010e-01, v11;
	v9 =	vadd.f32 $5.000000000e-01, v9  }
0xac: {  	v10 =	vadd.f32 $5.000000000e-01, v10  }
0xad: {  	v11 =	vadd.f32 $5.000000000e-01, v11;
	v9 =	vmax.f32 v9, $0.0e+00  }
0xae: {  	v10 =	vmax.f32 v10, $0.0e+00;
	v9 =	vmin.f32 v9, $9.999989860e-01  }
0xaf: {  	v11 =	vmax.f32 v11, $0.0e+00;
	v10 =	vmin.f32 v10, $9.999989860e-01;
	v9 =	vmul.f32 v8, v9  }
0xb0: {  	v12 =	vmul.f32 v8, v10;
	v10 =	vmin.f32 v11, $9.999989860e-01  }
0xb1: {  	v13 =	vmul.f32 v8, v10;
	v11 =	vtrunc.f32 v9  }
0xb2: {  	v10 =	vcvt.f32.s32 v11;
	v11 =	vtrunc.f32 v12  }
0xb3: {  	v14 =	vtrunc.f32 v13;
	v11 =	vcvt.f32.s32 v11  }
0xb4: {  	v14 =	vcvt.f32.s32 v14;
	v15 =	vcvt.s32.f32 v10  }
0xb5: {  	v17 =	vmul.u32 v10, v5;
	v16 =	vcvt.s32.f32 v11;
	v18 =	vmul.u32 v11, v6  }
0xb6: {  	v10 =	vsub.f32 v9, v15;
	v9 =	vcvt.s32.f32 v14;
	v15 =	vmul.u32 v14, v7  }
0xb7: {  	v11 =	vsub.f32 v12, v16;
	v12 =	vxor.u32 v17, v18;
	v14 =	vadd.s32 v17, v18  }
0xb8: {  	v19 =	vadd.s32 v6, v18;
	v21 =	vsub.f32 $1.000000000e+00, v10;
	v16 =	vxor.u32 v15, v12  }
0xb9: {  	v20 =	vadd.s32 v7, v15;
	v22 =	vadd.s32 v15, v14;
	v9 =	vsub.f32 v13, v9  }
0xba: {  	v16 =	vand.u32 $0x3FFF, v16;
	v24 =	vsub.f32 $1.000000000e+00, v11;
	v12 =	vxor.u32 v12, v20  }
0xbb: {  	v14 =	vadd.s32 v14, v20;
	v16 =	vsel vm0, v22, v16;
	v12 =	vand.u32 $0x3FFF, v12  }
0xbc: {  	v22 =	vshll.u32 v16, $0x1;
	v31 =	vmul.f32 v24, v21;
	v12 =	vsel vm0, v14, v12  }
0xbd: {  	v14 =	vadd.s32 v17, v19;
	v16 =	vor.u32 $0x1, v22;
	v23 =	vshll.u32 v12, $0x1  }
0xbe: {  	v12 =	vxor.u32 v17, v19;
	v25 =	vadd.s32 v15, v14;
	v14 =	vadd.s32 v20, v14  }
0xbf: {  	v17 =	vadd.s32 v5, v17;
	v26 =	vor.u32 $0x1, v23;
	v13 =	vxor.u32 v15, v12  }
0xc0: {  	v12 =	vxor.u32 v20, v12;
	v62 =	vadd.s32 v17, v19;
	v19 =	vxor.u32 v17, v19  }
0xc1: {  	v13 =	vand.u32 $0x3FFF, v13;
	v12 =	vand.u32 $0x3FFF, v12;
	v63 =	vxor.u32 v20, v19  }
0xc2: {  	v32 =	vadd.s32 v20, v62;
	v13 =	vsel vm0, v25, v13;
	v12 =	vsel vm0, v14, v12  }
0xc3: {  	v14 =	vxor.u32 v18, v17;
	v28 =	vshll.u32 v13, $0x1;
	v25 =	vshll.u32 v12, $0x1;
	v13 =	vld.idx.msk [tilespmem:v16+s2+$0x0], $0xffff  }
0xc4: {  	v18 =	vadd.s32 v18, v17;
	v12 =	vsub.f32 $1.000000000e+00, v9;
	v27 =	vxor.u32 v15, v14  }
0xc5: {  	v14 =	vxor.u32 v14, v20;
	v29 =	vadd.s32 v15, v18;
	v18 =	vadd.s32 v18, v20  }
0xc6: {  	v30 =	vor.u32 $0x1, v28;
	v27 =	vand.u32 $0x3FFF, v27;
	v16 =	vmul.f32 v12, v31  }
0xc7: {  	v33 =	vor.u32 $0x1, v25;
	v34 =	vand.u32 $0x3FFF, v14;
	v17 =	vsel vm0, v29, v27;
	v27 =	vld.idx.msk [tilespmem:v23+s2+$0x0], $0xffff  }
0xc8: {  	v18 =	vsel vm0, v18, v34;
	v34 =	vand.u32 $0x3FFF, v63;
	v14 =	vmul.f32 v16, v13;
	v13 =	vld.idx.msk [tilespmem:v25+s2+$0x0], $0xffff  }
0xc9: {  	v25 =	vld.idx.msk [tilespmem:v22+s2+$0x0], $0xffff;
	v22 =	vshll.u32 v17, $0x1;
	v17 =	vshll.u32 v18, $0x1;
	v18 =	vxor.u32 v15, v19  }
0xca: {  	v26 =	vld.idx.msk [tilespmem:v26+s2+$0x0], $0xffff;
	v31 =	vmul.f32 v31, v9;
	v15 =	vadd.s32 v15, v62;
	v29 =	vand.u32 $0x3FFF, v18  }
0xcb: {  	v32 =	vsel vm0, v32, v34;
	v23 =	vor.u32 $0x1, v22;
	v15 =	vsel vm0, v15, v29;
	v29 =	vld.idx.msk [tilespmem:v28+s2+$0x0], $0xffff  }
0xcc: {  	v18 =	vor.u32 $0x1, v17;
	v28 =	vld.idx.msk [tilespmem:v30+s2+$0x0], $0xffff;
	v30 =	vmul.f32 v11, v21;
	v19 =	vshll.u32 v15, $0x1  }
0xcd: {  	s25 =	sshll.u32 s25, $0xF;
	s30 =	simm.s32 $0x1;
	s29 =	simm.s32 $0x0;
	v21 =	vshll.u32 v32, $0x1;
	v15 =	vmul.f32 v24, v10;
	v24 =	vld.idx.msk [tilespmem:v33+s2+$0x0], $0xffff;
	v20 =	vor.u32 $0x1, v19  }
.LBB2_5:
0xce: {  	p0 =	sne.s32 s30, $0xFF  }
0xcf: {  	v10 =	vmul.f32 v11, v10;
	v11 =	vmul.f32 v16, v25;
	s28 =	sadd.s32 $0x10, s28;
	s31 =	smov.u32 s30;
	s30 =	sadd.s32 $0x1, s30  }
0xd0: {  	v16 =	vmul.f32 v31, v27;
	v25 =	vmul.f32 v12, v30;
	v22 =	vld.idx.msk [tilespmem:v22+s2+$0x0], $0xffff  }
0xd1: {  	v14 =	vadd.f32 $0.0e+00, v14;
	v26 =	vmul.f32 v31, v26;
	v11 =	vadd.f32 $0.0e+00, v11;
	v23 =	vld.idx.msk [tilespmem:v23+s2+$0x0], $0xffff  }
0xd2: {  	v27 =	vmul.f32 v25, v29;
	v29 =	vmul.f32 v9, v30;
	v17 =	vld.idx.msk [tilespmem:v17+s2+$0x0], $0xffff;
	v30 =	vor.u32 $0x1, v21  }
0xd3: {  	v14 =	vadd.f32 v14, v26;
	v11 =	vadd.f32 v11, v16;
	v16 =	vmul.f32 v25, v28;
	v18 =	vld.idx.msk [tilespmem:v18+s2+$0x0], $0xffff  }
0xd4: {  	v25 =	vmul.f32 v12, v15;
	v13 =	vmul.f32 v29, v13;
	v19 =	vld.idx.msk [tilespmem:v19+s2+$0x0], $0xffff  }
0xd5: {  	v11 =	vadd.f32 v11, v27;
	v14 =	vadd.f32 v14, v16;
	v16 =	vmul.f32 v29, v24;
	v20 =	vld.idx.msk [tilespmem:v20+s2+$0x0], $0xffff  }
0xd6: {  	s0 =	sshll.u32 s31, $0x6;
	v15 =	vmul.f32 v15, v9;
	v22 =	vmul.f32 v25, v22;
	v21 =	vld.idx.msk [tilespmem:v21+s2+$0x0], $0xffff  }
0xd7: {  	s1 =	sand.u32 $0x70, s28;
	s0 =	sand.u32 $0x3FFFFE00, s0;
	v11 =	vadd.f32 v11, v13;
	v13 =	vadd.f32 v14, v16;
	v14 =	vmul.f32 v25, v23;
	v16 =	vld.idx.msk [tilespmem:v30+s2+$0x0], $0xffff  }
0xd8: {  	s0 =	sor.u32 s1, s0;
	v12 =	vmul.f32 v12, v10;
	v17 =	vmul.f32 v17, v15  }
0xd9: {  	v11 =	vadd.f32 v11, v22;
	v13 =	vadd.f32 v13, v14;
	v14 =	vmul.f32 v18, v15  }
0xda: {  	v9 =	vmul.f32 v9, v10;
	v15 =	vmul.f32 v19, v12  }
0xdb: {  	v12 =	vmul.f32 v20, v12;
	v10 =	vadd.f32 v11, v17;
	v11 =	vadd.f32 v13, v14;
	_ =	sdelay $0x1  }
0xdc: {  	v10 =	vadd.f32 v10, v15;
	v11 =	vadd.f32 v11, v12;
	v12 =	vmul.f32 v21, v9  }
0xdd: {  	s12 =	sshll.u32 s29, $0x5;
	s29 =	smov.u32 s31;
	v9 =	vmul.f32 v16, v9  }
0xde: {  	s12 =	sand.u32 $0x3FFFFF00, s12;
	v10 =	vadd.f32 v10, v12  }
0xdf: {  	s12 =	sor.u32 s26, s12;
	s26 =	smov.u32 s1;
	v9 =	vadd.f32 v11, v9  }
0xe0: {  	[tilespmem:s12+$0x12000] =	vst v10  }
0xe1: {  	[tilespmem:s12+$0x12080] =	vst v9  }
0xe2: {  	v9 =	vld [tilespmem:s0+$0xC000]  }
0xe3: {  	v10 =	vld [tilespmem:s0+$0xC080]  }
0xe4: {  	v11 =	vld [tilespmem:s0+$0xC100];
	_ =	sdelay $0x2  }
0xe5: {  	v9 =	vmul.f32 $1.000000010e-01, v9  }
0xe6: {  	v10 =	vmul.f32 $1.000000010e-01, v10  }
0xe7: {  	v9 =	vadd.f32 $5.000000000e-01, v9;
	v11 =	vmul.f32 $1.000000010e-01, v11  }
0xe8: {  	v10 =	vadd.f32 $5.000000000e-01, v10  }
0xe9: {  	v9 =	vmax.f32 v9, $0.0e+00;
	v11 =	vadd.f32 $5.000000000e-01, v11  }
0xea: {  	v9 =	vmin.f32 v9, $9.999989860e-01;
	v10 =	vmax.f32 v10, $0.0e+00  }
0xeb: {  	v9 =	vmul.f32 v8, v9;
	v10 =	vmin.f32 v10, $9.999989860e-01;
	v11 =	vmax.f32 v11, $0.0e+00  }
0xec: {  	v12 =	vmul.f32 v8, v10;
	v10 =	vmin.f32 v11, $9.999989860e-01  }
0xed: {  	v11 =	vtrunc.f32 v9;
	v13 =	vmul.f32 v8, v10  }
0xee: {  	v10 =	vcvt.f32.s32 v11;
	v11 =	vtrunc.f32 v12  }
0xef: {  	v11 =	vcvt.f32.s32 v11;
	v14 =	vtrunc.f32 v13  }
0xf0: {  	v15 =	vcvt.s32.f32 v10;
	v14 =	vcvt.f32.s32 v14  }
0xf1: {  	v17 =	vmul.u32 v10, v5;
	v16 =	vcvt.s32.f32 v11;
	v18 =	vmul.u32 v11, v6  }
0xf2: {  	v10 =	vsub.f32 v9, v15;
	v9 =	vcvt.s32.f32 v14;
	v15 =	vmul.u32 v14, v7  }
0xf3: {  	v11 =	vsub.f32 v12, v16;
	v12 =	vxor.u32 v17, v18;
	v14 =	vadd.s32 v17, v18  }
0xf4: {  	v19 =	vadd.s32 v6, v18;
	v21 =	vsub.f32 $1.000000000e+00, v10;
	v16 =	vxor.u32 v15, v12  }
0xf5: {  	v20 =	vadd.s32 v7, v15;
	v22 =	vadd.s32 v15, v14;
	v16 =	vand.u32 $0x3FFF, v16  }
0xf6: {  	v24 =	vsub.f32 $1.000000000e+00, v11;
	v12 =	vxor.u32 v12, v20;
	v16 =	vsel vm0, v22, v16  }
0xf7: {  	v14 =	vadd.s32 v14, v20;
	v12 =	vand.u32 $0x3FFF, v12;
	v22 =	vshll.u32 v16, $0x1  }
0xf8: {  	v31 =	vmul.f32 v24, v21;
	v12 =	vsel vm0, v14, v12;
	v16 =	vor.u32 $0x1, v22  }
0xf9: {  	v9 =	vsub.f32 v13, v9;
	v23 =	vshll.u32 v12, $0x1;
	v12 =	vxor.u32 v17, v19  }
0xfa: {  	v14 =	vadd.s32 v17, v19;
	v26 =	vor.u32 $0x1, v23;
	v13 =	vxor.u32 v15, v12  }
0xfb: {  	v25 =	vadd.s32 v15, v14;
	v12 =	vxor.u32 v20, v12;
	v13 =	vand.u32 $0x3FFF, v13  }
0xfc: {  	v14 =	vadd.s32 v20, v14;
	v12 =	vand.u32 $0x3FFF, v12;
	v13 =	vsel vm0, v25, v13  }
0xfd: {  	v17 =	vadd.s32 v5, v17;
	v12 =	vsel vm0, v14, v12;
	v28 =	vshll.u32 v13, $0x1;
	v25 =	vld.idx.msk [tilespmem:v16+s2+$0x0], $0xffff  }
0xfe: {  	v32 =	vadd.s32 v17, v19;
	v13 =	vshll.u32 v12, $0x1;
	v30 =	vor.u32 $0x1, v28  }
0xff: {  	v14 =	vxor.u32 v18, v17;
	v12 =	vsub.f32 $1.000000000e+00, v9;
	v33 =	vor.u32 $0x1, v13  }
0x100: {  	v18 =	vadd.s32 v18, v17;
	v27 =	vxor.u32 v15, v14;
	v14 =	vxor.u32 v14, v20  }
0x101: {  	v29 =	vadd.s32 v15, v18;
	v18 =	vadd.s32 v18, v20;
	v16 =	vmul.f32 v12, v31  }
0x102: {  	v19 =	vxor.u32 v17, v19;
	v27 =	vand.u32 $0x3FFF, v27;
	v34 =	vand.u32 $0x3FFF, v14  }
0x103: {  	v17 =	vsel vm0, v29, v27;
	v18 =	vsel vm0, v18, v34;
	v14 =	vmul.f32 v16, v25;
	v13 =	vld.idx.msk [tilespmem:v13+s2+$0x0], $0xffff  }
0x104: {  	v25 =	vld.idx.msk [tilespmem:v22+s2+$0x0], $0xffff;
	v22 =	vshll.u32 v17, $0x1;
	v17 =	vshll.u32 v18, $0x1;
	v18 =	vxor.u32 v15, v19  }
.Ltmp1:
0x105: {  	v15 =	vadd.s32 v15, v32;
	v27 =	vld.idx.msk [tilespmem:v23+s2+$0x0], $0xffff;
	v23 =	vor.u32 $0x1, v22;
	v29 =	vand.u32 $0x3FFF, v18;
	(pc) =	sbr.rel @p0 .LBB2_5-.Ltmp1, $4  }
0x106: {  	v34 =	vxor.u32 v20, v19;
	v18 =	vor.u32 $0x1, v17;
	v26 =	vld.idx.msk [tilespmem:v26+s2+$0x0], $0xffff;
	v15 =	vsel vm0, v15, v29  }
0x107: {  	v34 =	vand.u32 $0x3FFF, v34;
	v32 =	vadd.s32 v20, v32;
	v29 =	vld.idx.msk [tilespmem:v28+s2+$0x0], $0xffff;
	v19 =	vshll.u32 v15, $0x1  }
0x108: {  	v32 =	vsel vm0, v32, v34;
	v15 =	vmul.f32 v24, v10;
	v28 =	vld.idx.msk [tilespmem:v30+s2+$0x0], $0xffff;
	v20 =	vor.u32 $0x1, v19  }
0x109: {  	v31 =	vmul.f32 v31, v9;
	v30 =	vmul.f32 v11, v21;
	v21 =	vshll.u32 v32, $0x1;
	v24 =	vld.idx.msk [tilespmem:v33+s2+$0x0], $0xffff  }
0x10a: {  	_ = 	snop  }
0x10b: {  	v16 =	vmul.f32 v16, v25;
	_ =	sdelay $0x1  }
0x10c: {  	v51 =	vmul.f32 v31, v27;
	v52 =	vmul.f32 v12, v30;
	v16 =	vadd.f32 $0.0e+00, v16  }
0x10d: {  	v22 =	vld.idx.msk [tilespmem:v22+s2+$0x0], $0xffff;
	v14 =	vadd.f32 $0.0e+00, v14;
	v26 =	vmul.f32 v31, v26  }
0x10e: {  	v23 =	vld.idx.msk [tilespmem:v23+s2+$0x0], $0xffff;
	v53 =	vmul.f32 v9, v30;
	v29 =	vmul.f32 v52, v29;
	v16 =	vadd.f32 v16, v51  }
0x10f: {  	v17 =	vld.idx.msk [tilespmem:v17+s2+$0x0], $0xffff;
	v54 =	vor.u32 $0x1, v21;
	v14 =	vadd.f32 v14, v26;
	v55 =	vmul.f32 v52, v28  }
0x110: {  	v18 =	vld.idx.msk [tilespmem:v18+s2+$0x0], $0xffff;
	v56 =	vmul.f32 v12, v15;
	v13 =	vmul.f32 v53, v13;
	v16 =	vadd.f32 v16, v29  }
0x111: {  	v10 =	vmul.f32 v11, v10;
	v11 =	vld.idx.msk [tilespmem:v19+s2+$0x0], $0xffff;
	v57 =	vmul.f32 v53, v24;
	v14 =	vadd.f32 v14, v55  }
0x112: {  	v20 =	vld.idx.msk [tilespmem:v20+s2+$0x0], $0xffff;
	v58 =	vmul.f32 v15, v9;
	v22 =	vmul.f32 v56, v22;
	v13 =	vadd.f32 v16, v13  }
0x113: {  	v59 =	vld.idx.msk [tilespmem:v21+s2+$0x0], $0xffff;
	v60 =	vmul.f32 v56, v23;
	v14 =	vadd.f32 v14, v57  }
0x114: {  	v62 =	vmul.f32 v12, v10;
	v61 =	vld.idx.msk [tilespmem:v54+s2+$0x0], $0xffff;
	v17 =	vmul.f32 v17, v58;
	v13 =	vadd.f32 v13, v22  }
0x115: {  	v15 =	vmul.f32 v18, v58;
	v14 =	vadd.f32 v14, v60  }
0x116: {  	v9 =	vmul.f32 v9, v10;
	v11 =	vmul.f32 v11, v62;
	v10 =	vadd.f32 v13, v17  }
0x117: {  	v12 =	vmul.f32 v20, v62;
	v63 =	vadd.f32 v14, v15  }
0x118: {  	s24 =	sadd.s32 $0x1, s24;
	v10 =	vadd.f32 v10, v11;
	v11 =	vmul.f32 v59, v9  }
0x119: {  	s0 =	sshll.u32 s29, $0x5;
	p0 =	sne.s32 s24, $0x10;
	v12 =	vadd.f32 v63, v12;
	v9 =	vmul.f32 v61, v9  }
.Ltmp2:
0x11a: {  	s0 =	sand.u32 $0x3FFFFF00, s0;
	v10 =	vadd.f32 v10, v11;
	(pc) =	sbr.rel @p0 .LBB2_2-.Ltmp2, $4  }
0x11b: {  	s1 =	sadd.s32 s7, s25;
	s0 =	sor.u32 s26, s0;
	v9 =	vadd.f32 v12, v9  }
0x11c: {  	s1 =	sshrl.u32 s1, $0x3;
	[tilespmem:s0+$0x12000] =	vst v10  }
0x11d: {  	s31 =	sadd.s32 s4, s1;
	[tilespmem:s0+$0x12080] =	vst v9  }
0x11e: {  	[hbm4b:s31+s17] =	stream.strided.scatter [tilespmem:s20], [sflag:$0x4], $0x2000, s13, s17, $0x38;
	[tilespmem:$0x14080] =	vst v63  }
0x11f: {  	s23 =	sadd.s32 $0x1, s23  }
0x120: {  	_ =	swait.ge [sflag:s21], $0x2000;
	p0 =	sne.s32 s23, s9  }
.Ltmp3:
0x121: {  	[sflag:s21] =	ssyncset.done $0x0;
	(pc) =	sbr.rel @p0 .LBB2_1-.Ltmp3, $4  }
0x122: {  	[sflag:s21] =	ssyncadd.s32 $0xFFFFE000  }
0x123: {  	_ =	swait.ge [sflag:s22], $0x2000  }
0x124: {  	[sflag:s22] =	ssyncset.done $0x0  }
0x125: {  	[sflag:s22] =	ssyncadd.s32 $0xFFFFE000  }
0x126: {  	_ =	sfence.sel $0x180000  }
0x127: {  	[bflag:$0x0] =	sbarrier.arrive $0xFFFF  }
0x128: {  	_ =	strace $0x90000047  }
0x129: {  	s0 =	stileid.u32;
	[bflag:$0x2] =	sbarrier.arrive $0xFFFF  }
0x12a: {  	p0 =	sne.s32 s0, $0x0;
	s0 =	rddreg [dreg:$0x2]  }
0x12b: {  	s0 =	sadd.s32 @!p0 $0x100000, s0  }
0x12c: {  	[sflag:s0] =	ssyncadd.tile.s32 @!p0 $0x1;
	_ =	shalt  }
.Lfunc_end2:
_tile_overlayer_lowered:
.L_overlay_start_2:
0x12d: {  	(tag) =	ssettag $0x2  }
0x12e: {  	s0 =	rddreg [dreg:$0x0];
	s2 =	stileid.u32  }
0x12f: {  	s1 =	rddreg [dreg:$0x1];
	p0 =	sne.s32 s2, $0x0  }
0x130: {  	s3 =	rddreg [dreg:$0x2];
	[bflag:$0x3] =	sbarrier.arrive $0xFFFF;
	s2 =	simm.s32 @!p0 $0x1C05  }
0x131: {  	[timem:s3], [sflag:s2] =	dma.local @!p0 [hbm:s0], s1  }
0x132: {  	s0 =	simm.s32 @!p0 $0x5  }
0x133: {  	_ =	swait.ge @!p0 [sflag:s0], s1  }
0x134: {  	s1 =	ssub.s32 @!p0 $0x0, s1;
	[sflag:s0] =	ssyncset.done @!p0 $0x0  }
0x135: {  	[sflag:s0] =	ssyncadd.s32 @!p0 s1  }
0x136: {  	[bflag:$0x3] =	sbarrier.arrive $0xFFFF  }
0x137: {  	_ =	shalt  }

</sc_bundles>
